<compile_context>
chip_gen: v7x
topology: tpu7x:2x2x1
jax: 0.10.2.dev20260603
libtpu: 0.0.44.dev20260713+nightly
codegen_flags: <defaults>
</compile_context>

<pallas_src>
import functools

import jax
import jax.numpy as jnp
from jax import lax
from jax.experimental import pallas as pl
from jax.experimental.pallas import tpu as pltpu
from jax.experimental.pallas import tpu_sc as plsc

_VOCAB = 1000000
_D = 64
_BATCH = 4096
_SEQ = 200
_TOTAL = _BATCH * _SEQ
_NC = 2
_NS = 16
_NW = _NC * _NS
_PER_W = _TOTAL // _NW
_CHUNK = 128
_NCHUNK = _PER_W // _CHUNK
_M = 8
_K = 4
_SCALE = 8.0

_mesh = plsc.VectorSubcoreMesh(core_axis_name="c", subcore_axis_name="s")


@functools.partial(
    pl.kernel,
    mesh=_mesh,
    out_type=jax.ShapeDtypeStruct((_TOTAL, _D), jnp.float32),
    scratch_types=(
        [pltpu.VMEM((_NCHUNK, _CHUNK), jnp.int32)]
        + [pltpu.VMEM((_CHUNK, _D), jnp.float32)] * _M
        + [pltpu.SemaphoreType.DMA] * (2 * _M)
    ),
    compiler_params=pltpu.CompilerParams(use_tc_tiling_on_sc=False),
)
def _emb_kernel(idx_hbm, table_hbm, out_hbm, idx_v, *rest):
    bufs = rest[:_M]
    gsem = rest[_M:2 * _M]
    ssem = rest[2 * _M:]

    wid = lax.axis_index("s") * _NC + lax.axis_index("c")
    pltpu.sync_copy(idx_hbm.at[pl.ds(wid * _NCHUNK, _NCHUNK)], idx_v)

    out_base = wid * _PER_W

    def fire_gather(chunk, b):
        pltpu.async_copy(table_hbm.at[idx_v.at[chunk]], bufs[b], gsem[b])

    def wait_gather(chunk, b):
        pltpu.make_async_copy(table_hbm.at[idx_v.at[chunk]], bufs[b], gsem[b]).wait()

    def out_slice(chunk):
        return out_hbm.at[pl.ds(out_base + chunk * _CHUNK, _CHUNK)]

    def fire_store(chunk, b):
        pltpu.async_copy(bufs[b], out_slice(chunk), ssem[b])

    def wait_store(chunk, b):
        pltpu.make_async_copy(bufs[b], out_slice(chunk), ssem[b]).wait()

    def scale_buf(buf):
        def row_body(r, carry):
            for c in range(_D // 16):
                buf[r, pl.ds(c * 16, 16)] = buf[r, pl.ds(c * 16, 16)] * _SCALE
            return carry
        lax.fori_loop(0, _CHUNK, row_body, 0, unroll=4)

    for b in range(_K):
        fire_gather(b, b)

    def body(j, carry):
        for b in range(_M):
            c = j * _M + b
            wait_gather(c, b)
            scale_buf(bufs[b])
            fire_store(c, b)
            f = c + _K
            fb = (b + _K) % _M

            @pl.when(f < _NCHUNK)
            def _():
                @pl.when(c >= _K)
                def _():
                    wait_store(c - _K, fb)
                fire_gather(f, fb)
        return carry

    lax.fori_loop(0, _NCHUNK // _M, body, 0)

    for t in range(2 * _K):
        c = _NCHUNK - 2 * _K + t
        wait_store(c, c % _M)


def kernel(x, input_embedding_table):
    idx = x.reshape(_NW * _NCHUNK, _CHUNK).astype(jnp.int32)
    out = _emb_kernel(idx, input_embedding_table)
    return out.reshape(_BATCH, _SEQ, _D)

# --- scband reference (transcript-rebuilt; emitter-appended) ---
"""Pipeline reference for scband-embedder-70832600646213 (READ-ONLY COPY).

The authoritative reference and input builder live on the scoring server;
editing this copy changes nothing except your own understanding.
"""

import jax, jax.numpy as jnp
import numpy as np

VOCAB_SIZE = 1000000
EMBED_DIM = 64
BATCH = 4096
SEQ = 200

def setup_inputs(seed: int = 0) -> dict:
    key = jax.random.key(seed)
    k_idx, k_tab = jax.random.split(key)
    x = jax.random.randint(k_idx, (BATCH, SEQ), 0, VOCAB_SIZE, dtype=jnp.int64 if jax.config.jax_enable_x64 else jnp.int32)
    input_embedding_table = jax.random.normal(k_tab, (VOCAB_SIZE, EMBED_DIM), dtype=jnp.float32) * 0.01
    return {"x": x, "input_embedding_table": input_embedding_table}

def reference(x, input_embedding_table):
    # Embedder.encode: gather rows from the embedding table, then scale by sqrt(embed_dim)
    out = jnp.take(input_embedding_table, x, axis=0)
    out = out * jnp.sqrt(jnp.asarray(EMBED_DIM, dtype=out.dtype))
    return out

if __name__ == "__main__":
    import jax
    _d = setup_inputs()
    print(jax.jit(kernel)(*tuple(_d.values())))

</pallas_src>

<mosaic_0001>
#map = affine_map<(d0, d1) -> (0, 0)>
module attributes {stable_mosaic.version = 14 : i64} {
  func.func @_emb_kernel(%arg0: i32, %arg1: i32, %arg2: memref<6400x128xi32, #tpu.memory_space<hbm>>, %arg3: memref<1000000x64xf32, #tpu.memory_space<hbm>>, %arg4: memref<819200x64xf32, #tpu.memory_space<hbm>>, %arg5: memref<200x128xi32, #tpu.memory_space<vmem>>, %arg6: memref<128x64xf32, #tpu.memory_space<vmem>>, %arg7: memref<128x64xf32, #tpu.memory_space<vmem>>, %arg8: memref<128x64xf32, #tpu.memory_space<vmem>>, %arg9: memref<128x64xf32, #tpu.memory_space<vmem>>, %arg10: memref<128x64xf32, #tpu.memory_space<vmem>>, %arg11: memref<128x64xf32, #tpu.memory_space<vmem>>, %arg12: memref<128x64xf32, #tpu.memory_space<vmem>>, %arg13: memref<128x64xf32, #tpu.memory_space<vmem>>, %arg14: memref<!tpu.dma_semaphore, #tpu.memory_space<semaphore_mem>>, %arg15: memref<!tpu.dma_semaphore, #tpu.memory_space<semaphore_mem>>, %arg16: memref<!tpu.dma_semaphore, #tpu.memory_space<semaphore_mem>>, %arg17: memref<!tpu.dma_semaphore, #tpu.memory_space<semaphore_mem>>, %arg18: memref<!tpu.dma_semaphore, #tpu.memory_space<semaphore_mem>>, %arg19: memref<!tpu.dma_semaphore, #tpu.memory_space<semaphore_mem>>, %arg20: memref<!tpu.dma_semaphore, #tpu.memory_space<semaphore_mem>>, %arg21: memref<!tpu.dma_semaphore, #tpu.memory_space<semaphore_mem>>, %arg22: memref<!tpu.dma_semaphore, #tpu.memory_space<semaphore_mem>>, %arg23: memref<!tpu.dma_semaphore, #tpu.memory_space<semaphore_mem>>, %arg24: memref<!tpu.dma_semaphore, #tpu.memory_space<semaphore_mem>>, %arg25: memref<!tpu.dma_semaphore, #tpu.memory_space<semaphore_mem>>, %arg26: memref<!tpu.dma_semaphore, #tpu.memory_space<semaphore_mem>>, %arg27: memref<!tpu.dma_semaphore, #tpu.memory_space<semaphore_mem>>, %arg28: memref<!tpu.dma_semaphore, #tpu.memory_space<semaphore_mem>>, %arg29: memref<!tpu.dma_semaphore, #tpu.memory_space<semaphore_mem>>) attributes {dimension_semantics = [#tpu.dimension_semantics<core_parallel>, #tpu.dimension_semantics<subcore_parallel>], iteration_bounds = array<i64: 2, 16>, scalar_prefetch = 0 : i64, scratch_operands = 25 : i64, tpu.core_type = #tpu.core_type<sc_vector_subcore>, window_params = [{transform_indices = #map}, {transform_indices = #map}, {transform_indices = #map}]} {
    %mul3A = arith.constant 2 : i32
    %mul3A_0 = arith.muli %arg1, %mul3A : i32
    %add3A = arith.addi %mul3A_0, %arg0 : i32
    %mul3A_1 = arith.constant 200 : i32
    %mul3A_2 = arith.muli %add3A, %mul3A_1 : i32
    "tpu.region"() ({
      %run_scoped3A = tpu.sem_alloc : memref<!tpu.dma_semaphore, #tpu.memory_space<semaphore_mem>>
      %dma_start3A_84 = arith.constant 0 : i32
      %dma_start3A_85 = tpu.memref_slice %arg2[%mul3A_2, %dma_start3A_84] : memref<6400x128xi32, #tpu.memory_space<hbm>> -> memref<200x128xi32, #tpu.memory_space<hbm>>
      %dma_start3A_86 = arith.constant 0 : i32
      %dma_start3A_87 = tpu.memref_slice %arg2[%mul3A_2, %dma_start3A_86] : memref<6400x128xi32, #tpu.memory_space<hbm>> -> memref<200x128xi32, #tpu.memory_space<hbm>>
      tpu.enqueue_dma source(%dma_start3A_87 : memref<200x128xi32, #tpu.memory_space<hbm>>) target(%arg5 : memref<200x128xi32, #tpu.memory_space<vmem>>) target_semaphore(%run_scoped3A : memref<!tpu.dma_semaphore, #tpu.memory_space<semaphore_mem>>)
      %dma_wait3A_88 = arith.constant 0 : i32
      %dma_wait3A_89 = tpu.memref_slice %arg2[%mul3A_2, %dma_wait3A_88] : memref<6400x128xi32, #tpu.memory_space<hbm>> -> memref<200x128xi32, #tpu.memory_space<hbm>>
      %dma_wait3A_90 = arith.constant 0 : i32
      %dma_wait3A_91 = tpu.memref_slice %arg2[%mul3A_2, %dma_wait3A_90] : memref<6400x128xi32, #tpu.memory_space<hbm>> -> memref<200x128xi32, #tpu.memory_space<hbm>>
      tpu.wait_dma2 semaphore(%run_scoped3A : memref<!tpu.dma_semaphore, #tpu.memory_space<semaphore_mem>>) src(%dma_wait3A_91 : memref<200x128xi32, #tpu.memory_space<hbm>>) dst(%arg5 : memref<200x128xi32, #tpu.memory_space<vmem>>)
      tpu.yield
    }) : () -> ()
    %mul3A_3 = arith.constant 25600 : i32
    %mul3A_4 = arith.muli %add3A, %mul3A_3 : i32
    %dma_start3A = arith.constant 0 : i32
    %dma_start3A_5 = arith.constant 0 : i32
    %dma_start3A_6 = tpu.memref_slice %arg5[%dma_start3A, %dma_start3A_5] : memref<200x128xi32, #tpu.memory_space<vmem>> -> memref<1x128xi32, #tpu.memory_space<vmem>>
    %dma_start3A_7 = tpu.memref_squeeze %dma_start3A_6 : memref<1x128xi32, #tpu.memory_space<vmem>> -> memref<128xi32, #tpu.memory_space<vmem>>
    %dma_start3A_8 = arith.constant 0 : i32
    %dma_start3A_9 = arith.constant 0 : i32
    %dma_start3A_10 = tpu.memref_slice %arg3[%dma_start3A_8, %dma_start3A_9] : memref<1000000x64xf32, #tpu.memory_space<hbm>> -> memref<1000000x64xf32, #tpu.memory_space<hbm>>
    tpu.enqueue_indirect_dma source(%dma_start3A_10 : memref<1000000x64xf32, #tpu.memory_space<hbm>>) target(%arg6 : memref<128x64xf32, #tpu.memory_space<vmem>>) offsets(%dma_start3A_7 : memref<128xi32, #tpu.memory_space<vmem>>) semaphore(%arg14 : memref<!tpu.dma_semaphore, #tpu.memory_space<semaphore_mem>>)
    %dma_start3A_11 = arith.constant 1 : i32
    %dma_start3A_12 = arith.constant 0 : i32
    %dma_start3A_13 = tpu.memref_slice %arg5[%dma_start3A_11, %dma_start3A_12] : memref<200x128xi32, #tpu.memory_space<vmem>> -> memref<1x128xi32, #tpu.memory_space<vmem>>
    %dma_start3A_14 = tpu.memref_squeeze %dma_start3A_13 : memref<1x128xi32, #tpu.memory_space<vmem>> -> memref<128xi32, #tpu.memory_space<vmem>>
    %dma_start3A_15 = arith.constant 0 : i32
    %dma_start3A_16 = arith.constant 0 : i32
    %dma_start3A_17 = tpu.memref_slice %arg3[%dma_start3A_15, %dma_start3A_16] : memref<1000000x64xf32, #tpu.memory_space<hbm>> -> memref<1000000x64xf32, #tpu.memory_space<hbm>>
    tpu.enqueue_indirect_dma source(%dma_start3A_17 : memref<1000000x64xf32, #tpu.memory_space<hbm>>) target(%arg7 : memref<128x64xf32, #tpu.memory_space<vmem>>) offsets(%dma_start3A_14 : memref<128xi32, #tpu.memory_space<vmem>>) semaphore(%arg15 : memref<!tpu.dma_semaphore, #tpu.memory_space<semaphore_mem>>)
    %dma_start3A_18 = arith.constant 2 : i32
    %dma_start3A_19 = arith.constant 0 : i32
    %dma_start3A_20 = tpu.memref_slice %arg5[%dma_start3A_18, %dma_start3A_19] : memref<200x128xi32, #tpu.memory_space<vmem>> -> memref<1x128xi32, #tpu.memory_space<vmem>>
    %dma_start3A_21 = tpu.memref_squeeze %dma_start3A_20 : memref<1x128xi32, #tpu.memory_space<vmem>> -> memref<128xi32, #tpu.memory_space<vmem>>
    %dma_start3A_22 = arith.constant 0 : i32
    %dma_start3A_23 = arith.constant 0 : i32
    %dma_start3A_24 = tpu.memref_slice %arg3[%dma_start3A_22, %dma_start3A_23] : memref<1000000x64xf32, #tpu.memory_space<hbm>> -> memref<1000000x64xf32, #tpu.memory_space<hbm>>
    tpu.enqueue_indirect_dma source(%dma_start3A_24 : memref<1000000x64xf32, #tpu.memory_space<hbm>>) target(%arg8 : memref<128x64xf32, #tpu.memory_space<vmem>>) offsets(%dma_start3A_21 : memref<128xi32, #tpu.memory_space<vmem>>) semaphore(%arg16 : memref<!tpu.dma_semaphore, #tpu.memory_space<semaphore_mem>>)
    %dma_start3A_25 = arith.constant 3 : i32
    %dma_start3A_26 = arith.constant 0 : i32
    %dma_start3A_27 = tpu.memref_slice %arg5[%dma_start3A_25, %dma_start3A_26] : memref<200x128xi32, #tpu.memory_space<vmem>> -> memref<1x128xi32, #tpu.memory_space<vmem>>
    %dma_start3A_28 = tpu.memref_squeeze %dma_start3A_27 : memref<1x128xi32, #tpu.memory_space<vmem>> -> memref<128xi32, #tpu.memory_space<vmem>>
    %dma_start3A_29 = arith.constant 0 : i32
    %dma_start3A_30 = arith.constant 0 : i32
    %dma_start3A_31 = tpu.memref_slice %arg3[%dma_start3A_29, %dma_start3A_30] : memref<1000000x64xf32, #tpu.memory_space<hbm>> -> memref<1000000x64xf32, #tpu.memory_space<hbm>>
    tpu.enqueue_indirect_dma source(%dma_start3A_31 : memref<1000000x64xf32, #tpu.memory_space<hbm>>) target(%arg9 : memref<128x64xf32, #tpu.memory_space<vmem>>) offsets(%dma_start3A_28 : memref<128xi32, #tpu.memory_space<vmem>>) semaphore(%arg17 : memref<!tpu.dma_semaphore, #tpu.memory_space<semaphore_mem>>)
    %scan3A = arith.constant 0 : i32
    %scan3A_32 = arith.constant 0 : i32
    %scan3A_33 = arith.constant 25 : i32
    %scan3A_34 = arith.addi %scan3A_32, %scan3A_33 : i32
    %scan3A_35 = arith.constant 1 : i32
    scf.for %scan3A_84 = %scan3A_32 to %scan3A_34 step %scan3A_35  : i32 {
      %mul3A_85 = arith.constant 8 : i32
      %mul3A_86 = arith.muli %scan3A_84, %mul3A_85 : i32
      %add3A_87 = arith.constant 0 : i32
      %add3A_88 = arith.addi %mul3A_86, %add3A_87 : i32
      %dma_wait3A_89 = arith.constant 0 : i32
      %dma_wait3A_90 = tpu.memref_slice %arg5[%add3A_88, %dma_wait3A_89] : memref<200x128xi32, #tpu.memory_space<vmem>> -> memref<1x128xi32, #tpu.memory_space<vmem>>
      %dma_wait3A_91 = tpu.memref_squeeze %dma_wait3A_90 : memref<1x128xi32, #tpu.memory_space<vmem>> -> memref<128xi32, #tpu.memory_space<vmem>>
      %dma_wait3A_92 = arith.constant 0 : i32
      %dma_wait3A_93 = arith.constant 0 : i32
      %dma_wait3A_94 = tpu.memref_slice %arg3[%dma_wait3A_92, %dma_wait3A_93] : memref<1000000x64xf32, #tpu.memory_space<hbm>> -> memref<1000000x64xf32, #tpu.memory_space<hbm>>
      tpu.wait_indirect_dma semaphore(%arg14 : memref<!tpu.dma_semaphore, #tpu.memory_space<semaphore_mem>>) src(%dma_wait3A_94 : memref<1000000x64xf32, #tpu.memory_space<hbm>>) dst(%arg6 : memref<128x64xf32, #tpu.memory_space<vmem>>)
      %scan3A_95 = arith.constant 0 : i32
      %scan3A_96 = arith.constant 0 : i32
      %scan3A_97 = arith.constant 128 : i32
      %scan3A_98 = arith.addi %scan3A_96, %scan3A_97 : i32
      %scan3A_99 = arith.constant 4 : i32
      scf.for %scan3A_322 = %scan3A_96 to %scan3A_98 step %scan3A_99  : i32 {
        %get3A = arith.index_cast %scan3A_322 : i32 to index
        %get3A_323 = arith.constant 0 : index
        %get3A_324 = tpu.vector_load %arg6[%get3A, %get3A_323] {strides = array<i32>} : memref<128x64xf32, #tpu.memory_space<vmem>>, vector<1x16xf32>,
        %get3A_325 = vector.shape_cast %get3A_324 : vector<1x16xf32> to vector<16xf32>
        %mul3A_326 = arith.constant 8.000000e+00 : f32
        %mul3A_327 = vector.broadcast %mul3A_326 : f32 to vector<16xf32>
        %mul3A_328 = arith.mulf %get3A_325, %mul3A_327 : vector<16xf32>
        %swap3A = arith.index_cast %scan3A_322 : i32 to index
        %swap3A_329 = arith.constant 0 : index
        %swap3A_330 = tpu.vector_load %arg6[%swap3A, %swap3A_329] {strides = array<i32>} : memref<128x64xf32, #tpu.memory_space<vmem>>, vector<1x16xf32>,
        %swap3A_331 = vector.shape_cast %swap3A_330 : vector<1x16xf32> to vector<16xf32>
        %swap3A_332 = vector.shape_cast %mul3A_328 : vector<16xf32> to vector<1x16xf32>
        tpu.vector_store %arg6[%swap3A, %swap3A_329], %swap3A_332 {strides = array<i32>} : memref<128x64xf32, #tpu.memory_space<vmem>>, vector<1x16xf32>,
        %get3A_333 = arith.index_cast %scan3A_322 : i32 to index
        %get3A_334 = arith.constant 16 : index
        %get3A_335 = tpu.vector_load %arg6[%get3A_333, %get3A_334] {strides = array<i32>} : memref<128x64xf32, #tpu.memory_space<vmem>>, vector<1x16xf32>,
        %get3A_336 = vector.shape_cast %get3A_335 : vector<1x16xf32> to vector<16xf32>
        %mul3A_337 = arith.constant 8.000000e+00 : f32
        %mul3A_338 = vector.broadcast %mul3A_337 : f32 to vector<16xf32>
        %mul3A_339 = arith.mulf %get3A_336, %mul3A_338 : vector<16xf32>
        %swap3A_340 = arith.index_cast %scan3A_322 : i32 to index
        %swap3A_341 = arith.constant 16 : index
        %swap3A_342 = tpu.vector_load %arg6[%swap3A_340, %swap3A_341] {strides = array<i32>} : memref<128x64xf32, #tpu.memory_space<vmem>>, vector<1x16xf32>,
        %swap3A_343 = vector.shape_cast %swap3A_342 : vector<1x16xf32> to vector<16xf32>
        %swap3A_344 = vector.shape_cast %mul3A_339 : vector<16xf32> to vector<1x16xf32>
        tpu.vector_store %arg6[%swap3A_340, %swap3A_341], %swap3A_344 {strides = array<i32>} : memref<128x64xf32, #tpu.memory_space<vmem>>, vector<1x16xf32>,
        %get3A_345 = arith.index_cast %scan3A_322 : i32 to index
        %get3A_346 = arith.constant 32 : index
        %get3A_347 = tpu.vector_load %arg6[%get3A_345, %get3A_346] {strides = array<i32>} : memref<128x64xf32, #tpu.memory_space<vmem>>, vector<1x16xf32>,
        %get3A_348 = vector.shape_cast %get3A_347 : vector<1x16xf32> to vector<16xf32>
        %mul3A_349 = arith.constant 8.000000e+00 : f32
        %mul3A_350 = vector.broadcast %mul3A_349 : f32 to vector<16xf32>
        %mul3A_351 = arith.mulf %get3A_348, %mul3A_350 : vector<16xf32>
        %swap3A_352 = arith.index_cast %scan3A_322 : i32 to index
        %swap3A_353 = arith.constant 32 : index
        %swap3A_354 = tpu.vector_load %arg6[%swap3A_352, %swap3A_353] {strides = array<i32>} : memref<128x64xf32, #tpu.memory_space<vmem>>, vector<1x16xf32>,
        %swap3A_355 = vector.shape_cast %swap3A_354 : vector<1x16xf32> to vector<16xf32>
        %swap3A_356 = vector.shape_cast %mul3A_351 : vector<16xf32> to vector<1x16xf32>
        tpu.vector_store %arg6[%swap3A_352, %swap3A_353], %swap3A_356 {strides = array<i32>} : memref<128x64xf32, #tpu.memory_space<vmem>>, vector<1x16xf32>,
        %get3A_357 = arith.index_cast %scan3A_322 : i32 to index
        %get3A_358 = arith.constant 48 : index
        %get3A_359 = tpu.vector_load %arg6[%get3A_357, %get3A_358] {strides = array<i32>} : memref<128x64xf32, #tpu.memory_space<vmem>>, vector<1x16xf32>,
        %get3A_360 = vector.shape_cast %get3A_359 : vector<1x16xf32> to vector<16xf32>
        %mul3A_361 = arith.constant 8.000000e+00 : f32
        %mul3A_362 = vector.broadcast %mul3A_361 : f32 to vector<16xf32>
        %mul3A_363 = arith.mulf %get3A_360, %mul3A_362 : vector<16xf32>
        %swap3A_364 = arith.index_cast %scan3A_322 : i32 to index
        %swap3A_365 = arith.constant 48 : index
        %swap3A_366 = tpu.vector_load %arg6[%swap3A_364, %swap3A_365] {strides = array<i32>} : memref<128x64xf32, #tpu.memory_space<vmem>>, vector<1x16xf32>,
        %swap3A_367 = vector.shape_cast %swap3A_366 : vector<1x16xf32> to vector<16xf32>
        %swap3A_368 = vector.shape_cast %mul3A_363 : vector<16xf32> to vector<1x16xf32>
        tpu.vector_store %arg6[%swap3A_364, %swap3A_365], %swap3A_368 {strides = array<i32>} : memref<128x64xf32, #tpu.memory_space<vmem>>, vector<1x16xf32>,
        %scan3A_369 = arith.constant 1 : i32
        %scan3A_370 = arith.addi %scan3A_322, %scan3A_369 : i32
        %get3A_371 = arith.index_cast %scan3A_370 : i32 to index
        %get3A_372 = arith.constant 0 : index
        %get3A_373 = tpu.vector_load %arg6[%get3A_371, %get3A_372] {strides = array<i32>} : memref<128x64xf32, #tpu.memory_space<vmem>>, vector<1x16xf32>,
        %get3A_374 = vector.shape_cast %get3A_373 : vector<1x16xf32> to vector<16xf32>
        %mul3A_375 = arith.constant 8.000000e+00 : f32
        %mul3A_376 = vector.broadcast %mul3A_375 : f32 to vector<16xf32>
        %mul3A_377 = arith.mulf %get3A_374, %mul3A_376 : vector<16xf32>
        %swap3A_378 = arith.index_cast %scan3A_370 : i32 to index
        %swap3A_379 = arith.constant 0 : index
        %swap3A_380 = tpu.vector_load %arg6[%swap3A_378, %swap3A_379] {strides = array<i32>} : memref<128x64xf32, #tpu.memory_space<vmem>>, vector<1x16xf32>,
        %swap3A_381 = vector.shape_cast %swap3A_380 : vector<1x16xf32> to vector<16xf32>
        %swap3A_382 = vector.shape_cast %mul3A_377 : vector<16xf32> to vector<1x16xf32>
        tpu.vector_store %arg6[%swap3A_378, %swap3A_379], %swap3A_382 {strides = array<i32>} : memref<128x64xf32, #tpu.memory_space<vmem>>, vector<1x16xf32>,
        %get3A_383 = arith.index_cast %scan3A_370 : i32 to index
        %get3A_384 = arith.constant 16 : index
        %get3A_385 = tpu.vector_load %arg6[%get3A_383, %get3A_384] {strides = array<i32>} : memref<128x64xf32, #tpu.memory_space<vmem>>, vector<1x16xf32>,
        %get3A_386 = vector.shape_cast %get3A_385 : vector<1x16xf32> to vector<16xf32>
        %mul3A_387 = arith.constant 8.000000e+00 : f32
        %mul3A_388 = vector.broadcast %mul3A_387 : f32 to vector<16xf32>
        %mul3A_389 = arith.mulf %get3A_386, %mul3A_388 : vector<16xf32>
        %swap3A_390 = arith.index_cast %scan3A_370 : i32 to index
        %swap3A_391 = arith.constant 16 : index
        %swap3A_392 = tpu.vector_load %arg6[%swap3A_390, %swap3A_391] {strides = array<i32>} : memref<128x64xf32, #tpu.memory_space<vmem>>, vector<1x16xf32>,
        %swap3A_393 = vector.shape_cast %swap3A_392 : vector<1x16xf32> to vector<16xf32>
        %swap3A_394 = vector.shape_cast %mul3A_389 : vector<16xf32> to vector<1x16xf32>
        tpu.vector_store %arg6[%swap3A_390, %swap3A_391], %swap3A_394 {strides = array<i32>} : memref<128x64xf32, #tpu.memory_space<vmem>>, vector<1x16xf32>,
        %get3A_395 = arith.index_cast %scan3A_370 : i32 to index
        %get3A_396 = arith.constant 32 : index
        %get3A_397 = tpu.vector_load %arg6[%get3A_395, %get3A_396] {strides = array<i32>} : memref<128x64xf32, #tpu.memory_space<vmem>>, vector<1x16xf32>,
        %get3A_398 = vector.shape_cast %get3A_397 : vector<1x16xf32> to vector<16xf32>
        %mul3A_399 = arith.constant 8.000000e+00 : f32
        %mul3A_400 = vector.broadcast %mul3A_399 : f32 to vector<16xf32>
        %mul3A_401 = arith.mulf %get3A_398, %mul3A_400 : vector<16xf32>
        %swap3A_402 = arith.index_cast %scan3A_370 : i32 to index
        %swap3A_403 = arith.constant 32 : index
        %swap3A_404 = tpu.vector_load %arg6[%swap3A_402, %swap3A_403] {strides = array<i32>} : memref<128x64xf32, #tpu.memory_space<vmem>>, vector<1x16xf32>,
        %swap3A_405 = vector.shape_cast %swap3A_404 : vector<1x16xf32> to vector<16xf32>
        %swap3A_406 = vector.shape_cast %mul3A_401 : vector<16xf32> to vector<1x16xf32>
        tpu.vector_store %arg6[%swap3A_402, %swap3A_403], %swap3A_406 {strides = array<i32>} : memref<128x64xf32, #tpu.memory_space<vmem>>, vector<1x16xf32>,
        %get3A_407 = arith.index_cast %scan3A_370 : i32 to index
        %get3A_408 = arith.constant 48 : index
        %get3A_409 = tpu.vector_load %arg6[%get3A_407, %get3A_408] {strides = array<i32>} : memref<128x64xf32, #tpu.memory_space<vmem>>, vector<1x16xf32>,
        %get3A_410 = vector.shape_cast %get3A_409 : vector<1x16xf32> to vector<16xf32>
        %mul3A_411 = arith.constant 8.000000e+00 : f32
        %mul3A_412 = vector.broadcast %mul3A_411 : f32 to vector<16xf32>
        %mul3A_413 = arith.mulf %get3A_410, %mul3A_412 : vector<16xf32>
        %swap3A_414 = arith.index_cast %scan3A_370 : i32 to index
        %swap3A_415 = arith.constant 48 : index
        %swap3A_416 = tpu.vector_load %arg6[%swap3A_414, %swap3A_415] {strides = array<i32>} : memref<128x64xf32, #tpu.memory_space<vmem>>, vector<1x16xf32>,
        %swap3A_417 = vector.shape_cast %swap3A_416 : vector<1x16xf32> to vector<16xf32>
        %swap3A_418 = vector.shape_cast %mul3A_413 : vector<16xf32> to vector<1x16xf32>
        tpu.vector_store %arg6[%swap3A_414, %swap3A_415], %swap3A_418 {strides = array<i32>} : memref<128x64xf32, #tpu.memory_space<vmem>>, vector<1x16xf32>,
        %scan3A_419 = arith.constant 2 : i32
        %scan3A_420 = arith.addi %scan3A_322, %scan3A_419 : i32
        %get3A_421 = arith.index_cast %scan3A_420 : i32 to index
        %get3A_422 = arith.constant 0 : index
        %get3A_423 = tpu.vector_load %arg6[%get3A_421, %get3A_422] {strides = array<i32>} : memref<128x64xf32, #tpu.memory_space<vmem>>, vector<1x16xf32>,
        %get3A_424 = vector.shape_cast %get3A_423 : vector<1x16xf32> to vector<16xf32>
        %mul3A_425 = arith.constant 8.000000e+00 : f32
        %mul3A_426 = vector.broadcast %mul3A_425 : f32 to vector<16xf32>
        %mul3A_427 = arith.mulf %get3A_424, %mul3A_426 : vector<16xf32>
        %swap3A_428 = arith.index_cast %scan3A_420 : i32 to index
        %swap3A_429 = arith.constant 0 : index
        %swap3A_430 = tpu.vector_load %arg6[%swap3A_428, %swap3A_429] {strides = array<i32>} : memref<128x64xf32, #tpu.memory_space<vmem>>, vector<1x16xf32>,
        %swap3A_431 = vector.shape_cast %swap3A_430 : vector<1x16xf32> to vector<16xf32>
        %swap3A_432 = vector.shape_cast %mul3A_427 : vector<16xf32> to vector<1x16xf32>
        tpu.vector_store %arg6[%swap3A_428, %swap3A_429], %swap3A_432 {strides = array<i32>} : memref<128x64xf32, #tpu.memory_space<vmem>>, vector<1x16xf32>,
        %get3A_433 = arith.index_cast %scan3A_420 : i32 to index
        %get3A_434 = arith.constant 16 : index
        %get3A_435 = tpu.vector_load %arg6[%get3A_433, %get3A_434] {strides = array<i32>} : memref<128x64xf32, #tpu.memory_space<vmem>>, vector<1x16xf32>,
        %get3A_436 = vector.shape_cast %get3A_435 : vector<1x16xf32> to vector<16xf32>
        %mul3A_437 = arith.constant 8.000000e+00 : f32
        %mul3A_438 = vector.broadcast %mul3A_437 : f32 to vector<16xf32>
        %mul3A_439 = arith.mulf %get3A_436, %mul3A_438 : vector<16xf32>
        %swap3A_440 = arith.index_cast %scan3A_420 : i32 to index
        %swap3A_441 = arith.constant 16 : index
        %swap3A_442 = tpu.vector_load %arg6[%swap3A_440, %swap3A_441] {strides = array<i32>} : memref<128x64xf32, #tpu.memory_space<vmem>>, vector<1x16xf32>,
        %swap3A_443 = vector.shape_cast %swap3A_442 : vector<1x16xf32> to vector<16xf32>
        %swap3A_444 = vector.shape_cast %mul3A_439 : vector<16xf32> to vector<1x16xf32>
        tpu.vector_store %arg6[%swap3A_440, %swap3A_441], %swap3A_444 {strides = array<i32>} : memref<128x64xf32, #tpu.memory_space<vmem>>, vector<1x16xf32>,
        %get3A_445 = arith.index_cast %scan3A_420 : i32 to index
        %get3A_446 = arith.constant 32 : index
        %get3A_447 = tpu.vector_load %arg6[%get3A_445, %get3A_446] {strides = array<i32>} : memref<128x64xf32, #tpu.memory_space<vmem>>, vector<1x16xf32>,
        %get3A_448 = vector.shape_cast %get3A_447 : vector<1x16xf32> to vector<16xf32>
        %mul3A_449 = arith.constant 8.000000e+00 : f32
        %mul3A_450 = vector.broadcast %mul3A_449 : f32 to vector<16xf32>
        %mul3A_451 = arith.mulf %get3A_448, %mul3A_450 : vector<16xf32>
        %swap3A_452 = arith.index_cast %scan3A_420 : i32 to index
        %swap3A_453 = arith.constant 32 : index
        %swap3A_454 = tpu.vector_load %arg6[%swap3A_452, %swap3A_453] {strides = array<i32>} : memref<128x64xf32, #tpu.memory_space<vmem>>, vector<1x16xf32>,
        %swap3A_455 = vector.shape_cast %swap3A_454 : vector<1x16xf32> to vector<16xf32>
        %swap3A_456 = vector.shape_cast %mul3A_451 : vector<16xf32> to vector<1x16xf32>
        tpu.vector_store %arg6[%swap3A_452, %swap3A_453], %swap3A_456 {strides = array<i32>} : memref<128x64xf32, #tpu.memory_space<vmem>>, vector<1x16xf32>,
        %get3A_457 = arith.index_cast %scan3A_420 : i32 to index
        %get3A_458 = arith.constant 48 : index
        %get3A_459 = tpu.vector_load %arg6[%get3A_457, %get3A_458] {strides = array<i32>} : memref<128x64xf32, #tpu.memory_space<vmem>>, vector<1x16xf32>,
        %get3A_460 = vector.shape_cast %get3A_459 : vector<1x16xf32> to vector<16xf32>
        %mul3A_461 = arith.constant 8.000000e+00 : f32
        %mul3A_462 = vector.broadcast %mul3A_461 : f32 to vector<16xf32>
        %mul3A_463 = arith.mulf %get3A_460, %mul3A_462 : vector<16xf32>
        %swap3A_464 = arith.index_cast %scan3A_420 : i32 to index
        %swap3A_465 = arith.constant 48 : index
        %swap3A_466 = tpu.vector_load %arg6[%swap3A_464, %swap3A_465] {strides = array<i32>} : memref<128x64xf32, #tpu.memory_space<vmem>>, vector<1x16xf32>,
        %swap3A_467 = vector.shape_cast %swap3A_466 : vector<1x16xf32> to vector<16xf32>
        %swap3A_468 = vector.shape_cast %mul3A_463 : vector<16xf32> to vector<1x16xf32>
        tpu.vector_store %arg6[%swap3A_464, %swap3A_465], %swap3A_468 {strides = array<i32>} : memref<128x64xf32, #tpu.memory_space<vmem>>, vector<1x16xf32>,
        %scan3A_469 = arith.constant 3 : i32
        %scan3A_470 = arith.addi %scan3A_322, %scan3A_469 : i32
        %get3A_471 = arith.index_cast %scan3A_470 : i32 to index
        %get3A_472 = arith.constant 0 : index
        %get3A_473 = tpu.vector_load %arg6[%get3A_471, %get3A_472] {strides = array<i32>} : memref<128x64xf32, #tpu.memory_space<vmem>>, vector<1x16xf32>,
        %get3A_474 = vector.shape_cast %get3A_473 : vector<1x16xf32> to vector<16xf32>
        %mul3A_475 = arith.constant 8.000000e+00 : f32
        %mul3A_476 = vector.broadcast %mul3A_475 : f32 to vector<16xf32>
        %mul3A_477 = arith.mulf %get3A_474, %mul3A_476 : vector<16xf32>
        %swap3A_478 = arith.index_cast %scan3A_470 : i32 to index
        %swap3A_479 = arith.constant 0 : index
        %swap3A_480 = tpu.vector_load %arg6[%swap3A_478, %swap3A_479] {strides = array<i32>} : memref<128x64xf32, #tpu.memory_space<vmem>>, vector<1x16xf32>,
        %swap3A_481 = vector.shape_cast %swap3A_480 : vector<1x16xf32> to vector<16xf32>
        %swap3A_482 = vector.shape_cast %mul3A_477 : vector<16xf32> to vector<1x16xf32>
        tpu.vector_store %arg6[%swap3A_478, %swap3A_479], %swap3A_482 {strides = array<i32>} : memref<128x64xf32, #tpu.memory_space<vmem>>, vector<1x16xf32>,
        %get3A_483 = arith.index_cast %scan3A_470 : i32 to index
        %get3A_484 = arith.constant 16 : index
        %get3A_485 = tpu.vector_load %arg6[%get3A_483, %get3A_484] {strides = array<i32>} : memref<128x64xf32, #tpu.memory_space<vmem>>, vector<1x16xf32>,
        %get3A_486 = vector.shape_cast %get3A_485 : vector<1x16xf32> to vector<16xf32>
        %mul3A_487 = arith.constant 8.000000e+00 : f32
        %mul3A_488 = vector.broadcast %mul3A_487 : f32 to vector<16xf32>
        %mul3A_489 = arith.mulf %get3A_486, %mul3A_488 : vector<16xf32>
        %swap3A_490 = arith.index_cast %scan3A_470 : i32 to index
        %swap3A_491 = arith.constant 16 : index
        %swap3A_492 = tpu.vector_load %arg6[%swap3A_490, %swap3A_491] {strides = array<i32>} : memref<128x64xf32, #tpu.memory_space<vmem>>, vector<1x16xf32>,
        %swap3A_493 = vector.shape_cast %swap3A_492 : vector<1x16xf32> to vector<16xf32>
        %swap3A_494 = vector.shape_cast %mul3A_489 : vector<16xf32> to vector<1x16xf32>
        tpu.vector_store %arg6[%swap3A_490, %swap3A_491], %swap3A_494 {strides = array<i32>} : memref<128x64xf32, #tpu.memory_space<vmem>>, vector<1x16xf32>,
        %get3A_495 = arith.index_cast %scan3A_470 : i32 to index
        %get3A_496 = arith.constant 32 : index
        %get3A_497 = tpu.vector_load %arg6[%get3A_495, %get3A_496] {strides = array<i32>} : memref<128x64xf32, #tpu.memory_space<vmem>>, vector<1x16xf32>,
        %get3A_498 = vector.shape_cast %get3A_497 : vector<1x16xf32> to vector<16xf32>
        %mul3A_499 = arith.constant 8.000000e+00 : f32
        %mul3A_500 = vector.broadcast %mul3A_499 : f32 to vector<16xf32>
        %mul3A_501 = arith.mulf %get3A_498, %mul3A_500 : vector<16xf32>
        %swap3A_502 = arith.index_cast %scan3A_470 : i32 to index
        %swap3A_503 = arith.constant 32 : index
        %swap3A_504 = tpu.vector_load %arg6[%swap3A_502, %swap3A_503] {strides = array<i32>} : memref<128x64xf32, #tpu.memory_space<vmem>>, vector<1x16xf32>,
        %swap3A_505 = vector.shape_cast %swap3A_504 : vector<1x16xf32> to vector<16xf32>
        %swap3A_506 = vector.shape_cast %mul3A_501 : vector<16xf32> to vector<1x16xf32>
        tpu.vector_store %arg6[%swap3A_502, %swap3A_503], %swap3A_506 {strides = array<i32>} : memref<128x64xf32, #tpu.memory_space<vmem>>, vector<1x16xf32>,
        %get3A_507 = arith.index_cast %scan3A_470 : i32 to index
        %get3A_508 = arith.constant 48 : index
        %get3A_509 = tpu.vector_load %arg6[%get3A_507, %get3A_508] {strides = array<i32>} : memref<128x64xf32, #tpu.memory_space<vmem>>, vector<1x16xf32>,
        %get3A_510 = vector.shape_cast %get3A_509 : vector<1x16xf32> to vector<16xf32>
        %mul3A_511 = arith.constant 8.000000e+00 : f32
        %mul3A_512 = vector.broadcast %mul3A_511 : f32 to vector<16xf32>
        %mul3A_513 = arith.mulf %get3A_510, %mul3A_512 : vector<16xf32>
        %swap3A_514 = arith.index_cast %scan3A_470 : i32 to index
        %swap3A_515 = arith.constant 48 : index
        %swap3A_516 = tpu.vector_load %arg6[%swap3A_514, %swap3A_515] {strides = array<i32>} : memref<128x64xf32, #tpu.memory_space<vmem>>, vector<1x16xf32>,
        %swap3A_517 = vector.shape_cast %swap3A_516 : vector<1x16xf32> to vector<16xf32>
        %swap3A_518 = vector.shape_cast %mul3A_513 : vector<16xf32> to vector<1x16xf32>
        tpu.vector_store %arg6[%swap3A_514, %swap3A_515], %swap3A_518 {strides = array<i32>} : memref<128x64xf32, #tpu.memory_space<vmem>>, vector<1x16xf32>,
      }
      %scan3A_100 = arith.constant 128 : i32
      %mul3A_101 = arith.constant 128 : i32
      %mul3A_102 = arith.muli %add3A_88, %mul3A_101 : i32
      %add3A_103 = arith.addi %mul3A_4, %mul3A_102 : i32
      %dma_start3A_104 = arith.constant 0 : i32
      %dma_start3A_105 = tpu.memref_slice %arg4[%add3A_103, %dma_start3A_104] : memref<819200x64xf32, #tpu.memory_space<hbm>> -> memref<128x64xf32, #tpu.memory_space<hbm>>
      %dma_start3A_106 = arith.constant 0 : i32
      %dma_start3A_107 = tpu.memref_slice %arg4[%add3A_103, %dma_start3A_106] : memref<819200x64xf32, #tpu.memory_space<hbm>> -> memref<128x64xf32, #tpu.memory_space<hbm>>
      tpu.enqueue_dma source(%arg6 : memref<128x64xf32, #tpu.memory_space<vmem>>) target(%dma_start3A_107 : memref<128x64xf32, #tpu.memory_space<hbm>>) target_semaphore(%arg22 : memref<!tpu.dma_semaphore, #tpu.memory_space<semaphore_mem>>)
      %add3A_108 = arith.constant 4 : i32
      %add3A_109 = arith.addi %add3A_88, %add3A_108 : i32
      %lt3A = arith.constant 200 : i32
      %lt3A_110 = arith.cmpi slt, %add3A_109, %lt3A : i32
      %convert_element_type3A = arith.extui %lt3A_110 : i1 to i32
      %cond3A = arith.constant 0 : i32
      %cond3A_111 = arith.cmpi ne, %convert_element_type3A, %cond3A : i32
      scf.if %cond3A_111 {
        %ge3A = arith.constant 4 : i32
        %ge3A_322 = arith.cmpi sge, %add3A_88, %ge3A : i32
        %convert_element_type3A_323 = arith.extui %ge3A_322 : i1 to i32
        %cond3A_324 = arith.constant 0 : i32
        %cond3A_325 = arith.cmpi ne, %convert_element_type3A_323, %cond3A_324 : i32
        scf.if %cond3A_325 {
          %sub3A = arith.constant 4 : i32
          %sub3A_332 = arith.subi %add3A_88, %sub3A : i32
          %mul3A_333 = arith.constant 128 : i32
          %mul3A_334 = arith.muli %sub3A_332, %mul3A_333 : i32
          %add3A_335 = arith.addi %mul3A_4, %mul3A_334 : i32
          %dma_wait3A_336 = arith.constant 0 : i32
          %dma_wait3A_337 = tpu.memref_slice %arg4[%add3A_335, %dma_wait3A_336] : memref<819200x64xf32, #tpu.memory_space<hbm>> -> memref<128x64xf32, #tpu.memory_space<hbm>>
          %dma_wait3A_338 = arith.constant 0 : i32
          %dma_wait3A_339 = tpu.memref_slice %arg4[%add3A_335, %dma_wait3A_338] : memref<819200x64xf32, #tpu.memory_space<hbm>> -> memref<128x64xf32, #tpu.memory_space<hbm>>
          tpu.wait_dma2 semaphore(%arg26 : memref<!tpu.dma_semaphore, #tpu.memory_space<semaphore_mem>>) src(%arg10 : memref<128x64xf32, #tpu.memory_space<vmem>>) dst(%dma_wait3A_339 : memref<128x64xf32, #tpu.memory_space<hbm>>)
        } else {
        }
        %dma_start3A_326 = arith.constant 0 : i32
        %dma_start3A_327 = tpu.memref_slice %arg5[%add3A_109, %dma_start3A_326] : memref<200x128xi32, #tpu.memory_space<vmem>> -> memref<1x128xi32, #tpu.memory_space<vmem>>
        %dma_start3A_328 = tpu.memref_squeeze %dma_start3A_327 : memref<1x128xi32, #tpu.memory_space<vmem>> -> memref<128xi32, #tpu.memory_space<vmem>>
        %dma_start3A_329 = arith.constant 0 : i32
        %dma_start3A_330 = arith.constant 0 : i32
        %dma_start3A_331 = tpu.memref_slice %arg3[%dma_start3A_329, %dma_start3A_330] : memref<1000000x64xf32, #tpu.memory_space<hbm>> -> memref<1000000x64xf32, #tpu.memory_space<hbm>>
        tpu.enqueue_indirect_dma source(%dma_start3A_331 : memref<1000000x64xf32, #tpu.memory_space<hbm>>) target(%arg10 : memref<128x64xf32, #tpu.memory_space<vmem>>) offsets(%dma_start3A_328 : memref<128xi32, #tpu.memory_space<vmem>>) semaphore(%arg18 : memref<!tpu.dma_semaphore, #tpu.memory_space<semaphore_mem>>)
      } else {
      }
      %mul3A_112 = arith.constant 8 : i32
      %mul3A_113 = arith.muli %scan3A_84, %mul3A_112 : i32
      %add3A_114 = arith.constant 1 : i32
      %add3A_115 = arith.addi %mul3A_113, %add3A_114 : i32
      %dma_wait3A_116 = arith.constant 0 : i32
      %dma_wait3A_117 = tpu.memref_slice %arg5[%add3A_115, %dma_wait3A_116] : memref<200x128xi32, #tpu.memory_space<vmem>> -> memref<1x128xi32, #tpu.memory_space<vmem>>
      %dma_wait3A_118 = tpu.memref_squeeze %dma_wait3A_117 : memref<1x128xi32, #tpu.memory_space<vmem>> -> memref<128xi32, #tpu.memory_space<vmem>>
      %dma_wait3A_119 = arith.constant 0 : i32
      %dma_wait3A_120 = arith.constant 0 : i32
      %dma_wait3A_121 = tpu.memref_slice %arg3[%dma_wait3A_119, %dma_wait3A_120] : memref<1000000x64xf32, #tpu.memory_space<hbm>> -> memref<1000000x64xf32, #tpu.memory_space<hbm>>
      tpu.wait_indirect_dma semaphore(%arg15 : memref<!tpu.dma_semaphore, #tpu.memory_space<semaphore_mem>>) src(%dma_wait3A_121 : memref<1000000x64xf32, #tpu.memory_space<hbm>>) dst(%arg7 : memref<128x64xf32, #tpu.memory_space<vmem>>)
      %scan3A_122 = arith.constant 0 : i32
      %scan3A_123 = arith.constant 0 : i32
      %scan3A_124 = arith.constant 128 : i32
      %scan3A_125 = arith.addi %scan3A_123, %scan3A_124 : i32
      %scan3A_126 = arith.constant 4 : i32
      scf.for %scan3A_322 = %scan3A_123 to %scan3A_125 step %scan3A_126  : i32 {
        %get3A = arith.index_cast %scan3A_322 : i32 to index
        %get3A_323 = arith.constant 0 : index
        %get3A_324 = tpu.vector_load %arg7[%get3A, %get3A_323] {strides = array<i32>} : memref<128x64xf32, #tpu.memory_space<vmem>>, vector<1x16xf32>,
        %get3A_325 = vector.shape_cast %get3A_324 : vector<1x16xf32> to vector<16xf32>
        %mul3A_326 = arith.constant 8.000000e+00 : f32
        %mul3A_327 = vector.broadcast %mul3A_326 : f32 to vector<16xf32>
        %mul3A_328 = arith.mulf %get3A_325, %mul3A_327 : vector<16xf32>
        %swap3A = arith.index_cast %scan3A_322 : i32 to index
        %swap3A_329 = arith.constant 0 : index
        %swap3A_330 = tpu.vector_load %arg7[%swap3A, %swap3A_329] {strides = array<i32>} : memref<128x64xf32, #tpu.memory_space<vmem>>, vector<1x16xf32>,
        %swap3A_331 = vector.shape_cast %swap3A_330 : vector<1x16xf32> to vector<16xf32>
        %swap3A_332 = vector.shape_cast %mul3A_328 : vector<16xf32> to vector<1x16xf32>
        tpu.vector_store %arg7[%swap3A, %swap3A_329], %swap3A_332 {strides = array<i32>} : memref<128x64xf32, #tpu.memory_space<vmem>>, vector<1x16xf32>,
        %get3A_333 = arith.index_cast %scan3A_322 : i32 to index
        %get3A_334 = arith.constant 16 : index
        %get3A_335 = tpu.vector_load %arg7[%get3A_333, %get3A_334] {strides = array<i32>} : memref<128x64xf32, #tpu.memory_space<vmem>>, vector<1x16xf32>,
        %get3A_336 = vector.shape_cast %get3A_335 : vector<1x16xf32> to vector<16xf32>
        %mul3A_337 = arith.constant 8.000000e+00 : f32
        %mul3A_338 = vector.broadcast %mul3A_337 : f32 to vector<16xf32>
        %mul3A_339 = arith.mulf %get3A_336, %mul3A_338 : vector<16xf32>
        %swap3A_340 = arith.index_cast %scan3A_322 : i32 to index
        %swap3A_341 = arith.constant 16 : index
        %swap3A_342 = tpu.vector_load %arg7[%swap3A_340, %swap3A_341] {strides = array<i32>} : memref<128x64xf32, #tpu.memory_space<vmem>>, vector<1x16xf32>,
        %swap3A_343 = vector.shape_cast %swap3A_342 : vector<1x16xf32> to vector<16xf32>
        %swap3A_344 = vector.shape_cast %mul3A_339 : vector<16xf32> to vector<1x16xf32>
        tpu.vector_store %arg7[%swap3A_340, %swap3A_341], %swap3A_344 {strides = array<i32>} : memref<128x64xf32, #tpu.memory_space<vmem>>, vector<1x16xf32>,
        %get3A_345 = arith.index_cast %scan3A_322 : i32 to index
        %get3A_346 = arith.constant 32 : index
        %get3A_347 = tpu.vector_load %arg7[%get3A_345, %get3A_346] {strides = array<i32>} : memref<128x64xf32, #tpu.memory_space<vmem>>, vector<1x16xf32>,
        %get3A_348 = vector.shape_cast %get3A_347 : vector<1x16xf32> to vector<16xf32>
        %mul3A_349 = arith.constant 8.000000e+00 : f32
        %mul3A_350 = vector.broadcast %mul3A_349 : f32 to vector<16xf32>
        %mul3A_351 = arith.mulf %get3A_348, %mul3A_350 : vector<16xf32>
        %swap3A_352 = arith.index_cast %scan3A_322 : i32 to index
        %swap3A_353 = arith.constant 32 : index
        %swap3A_354 = tpu.vector_load %arg7[%swap3A_352, %swap3A_353] {strides = array<i32>} : memref<128x64xf32, #tpu.memory_space<vmem>>, vector<1x16xf32>,
        %swap3A_355 = vector.shape_cast %swap3A_354 : vector<1x16xf32> to vector<16xf32>
        %swap3A_356 = vector.shape_cast %mul3A_351 : vector<16xf32> to vector<1x16xf32>
        tpu.vector_store %arg7[%swap3A_352, %swap3A_353], %swap3A_356 {strides = array<i32>} : memref<128x64xf32, #tpu.memory_space<vmem>>, vector<1x16xf32>,
        %get3A_357 = arith.index_cast %scan3A_322 : i32 to index
        %get3A_358 = arith.constant 48 : index
        %get3A_359 = tpu.vector_load %arg7[%get3A_357, %get3A_358] {strides = array<i32>} : memref<128x64xf32, #tpu.memory_space<vmem>>, vector<1x16xf32>,
        %get3A_360 = vector.shape_cast %get3A_359 : vector<1x16xf32> to vector<16xf32>
        %mul3A_361 = arith.constant 8.000000e+00 : f32
        %mul3A_362 = vector.broadcast %mul3A_361 : f32 to vector<16xf32>
        %mul3A_363 = arith.mulf %get3A_360, %mul3A_362 : vector<16xf32>
        %swap3A_364 = arith.index_cast %scan3A_322 : i32 to index
        %swap3A_365 = arith.constant 48 : index
        %swap3A_366 = tpu.vector_load %arg7[%swap3A_364, %swap3A_365] {strides = array<i32>} : memref<128x64xf32, #tpu.memory_space<vmem>>, vector<1x16xf32>,
        %swap3A_367 = vector.shape_cast %swap3A_366 : vector<1x16xf32> to vector<16xf32>
        %swap3A_368 = vector.shape_cast %mul3A_363 : vector<16xf32> to vector<1x16xf32>
        tpu.vector_store %arg7[%swap3A_364, %swap3A_365], %swap3A_368 {strides = array<i32>} : memref<128x64xf32, #tpu.memory_space<vmem>>, vector<1x16xf32>,
        %scan3A_369 = arith.constant 1 : i32
        %scan3A_370 = arith.addi %scan3A_322, %scan3A_369 : i32
        %get3A_371 = arith.index_cast %scan3A_370 : i32 to index
        %get3A_372 = arith.constant 0 : index
        %get3A_373 = tpu.vector_load %arg7[%get3A_371, %get3A_372] {strides = array<i32>} : memref<128x64xf32, #tpu.memory_space<vmem>>, vector<1x16xf32>,
        %get3A_374 = vector.shape_cast %get3A_373 : vector<1x16xf32> to vector<16xf32>
        %mul3A_375 = arith.constant 8.000000e+00 : f32
        %mul3A_376 = vector.broadcast %mul3A_375 : f32 to vector<16xf32>
        %mul3A_377 = arith.mulf %get3A_374, %mul3A_376 : vector<16xf32>
        %swap3A_378 = arith.index_cast %scan3A_370 : i32 to index
        %swap3A_379 = arith.constant 0 : index
        %swap3A_380 = tpu.vector_load %arg7[%swap3A_378, %swap3A_379] {strides = array<i32>} : memref<128x64xf32, #tpu.memory_space<vmem>>, vector<1x16xf32>,
        %swap3A_381 = vector.shape_cast %swap3A_380 : vector<1x16xf32> to vector<16xf32>
        %swap3A_382 = vector.shape_cast %mul3A_377 : vector<16xf32> to vector<1x16xf32>
        tpu.vector_store %arg7[%swap3A_378, %swap3A_379], %swap3A_382 {strides = array<i32>} : memref<128x64xf32, #tpu.memory_space<vmem>>, vector<1x16xf32>,
        %get3A_383 = arith.index_cast %scan3A_370 : i32 to index
        %get3A_384 = arith.constant 16 : index
        %get3A_385 = tpu.vector_load %arg7[%get3A_383, %get3A_384] {strides = array<i32>} : memref<128x64xf32, #tpu.memory_space<vmem>>, vector<1x16xf32>,
        %get3A_386 = vector.shape_cast %get3A_385 : vector<1x16xf32> to vector<16xf32>
        %mul3A_387 = arith.constant 8.000000e+00 : f32
        %mul3A_388 = vector.broadcast %mul3A_387 : f32 to vector<16xf32>
        %mul3A_389 = arith.mulf %get3A_386, %mul3A_388 : vector<16xf32>
        %swap3A_390 = arith.index_cast %scan3A_370 : i32 to index
        %swap3A_391 = arith.constant 16 : index
        %swap3A_392 = tpu.vector_load %arg7[%swap3A_390, %swap3A_391] {strides = array<i32>} : memref<128x64xf32, #tpu.memory_space<vmem>>, vector<1x16xf32>,
        %swap3A_393 = vector.shape_cast %swap3A_392 : vector<1x16xf32> to vector<16xf32>
        %swap3A_394 = vector.shape_cast %mul3A_389 : vector<16xf32> to vector<1x16xf32>
        tpu.vector_store %arg7[%swap3A_390, %swap3A_391], %swap3A_394 {strides = array<i32>} : memref<128x64xf32, #tpu.memory_space<vmem>>, vector<1x16xf32>,
        %get3A_395 = arith.index_cast %scan3A_370 : i32 to index
        %get3A_396 = arith.constant 32 : index
        %get3A_397 = tpu.vector_load %arg7[%get3A_395, %get3A_396] {strides = array<i32>} : memref<128x64xf32, #tpu.memory_space<vmem>>, vector<1x16xf32>,
        %get3A_398 = vector.shape_cast %get3A_397 : vector<1x16xf32> to vector<16xf32>
        %mul3A_399 = arith.constant 8.000000e+00 : f32
        %mul3A_400 = vector.broadcast %mul3A_399 : f32 to vector<16xf32>
        %mul3A_401 = arith.mulf %get3A_398, %mul3A_400 : vector<16xf32>
        %swap3A_402 = arith.index_cast %scan3A_370 : i32 to index
        %swap3A_403 = arith.constant 32 : index
        %swap3A_404 = tpu.vector_load %arg7[%swap3A_402, %swap3A_403] {strides = array<i32>} : memref<128x64xf32, #tpu.memory_space<vmem>>, vector<1x16xf32>,
        %swap3A_405 = vector.shape_cast %swap3A_404 : vector<1x16xf32> to vector<16xf32>
        %swap3A_406 = vector.shape_cast %mul3A_401 : vector<16xf32> to vector<1x16xf32>
        tpu.vector_store %arg7[%swap3A_402, %swap3A_403], %swap3A_406 {strides = array<i32>} : memref<128x64xf32, #tpu.memory_space<vmem>>, vector<1x16xf32>,
        %get3A_407 = arith.index_cast %scan3A_370 : i32 to index
        %get3A_408 = arith.constant 48 : index
        %get3A_409 = tpu.vector_load %arg7[%get3A_407, %get3A_408] {strides = array<i32>} : memref<128x64xf32, #tpu.memory_space<vmem>>, vector<1x16xf32>,
        %get3A_410 = vector.shape_cast %get3A_409 : vector<1x16xf32> to vector<16xf32>
        %mul3A_411 = arith.constant 8.000000e+00 : f32
        %mul3A_412 = vector.broadcast %mul3A_411 : f32 to vector<16xf32>
        %mul3A_413 = arith.mulf %get3A_410, %mul3A_412 : vector<16xf32>
        %swap3A_414 = arith.index_cast %scan3A_370 : i32 to index
        %swap3A_415 = arith.constant 48 : index
        %swap3A_416 = tpu.vector_load %arg7[%swap3A_414, %swap3A_415] {strides = array<i32>} : memref<128x64xf32, #tpu.memory_space<vmem>>, vector<1x16xf32>,
        %swap3A_417 = vector.shape_cast %swap3A_416 : vector<1x16xf32> to vector<16xf32>
        %swap3A_418 = vector.shape_cast %mul3A_413 : vector<16xf32> to vector<1x16xf32>
        tpu.vector_store %arg7[%swap3A_414, %swap3A_415], %swap3A_418 {strides = array<i32>} : memref<128x64xf32, #tpu.memory_space<vmem>>, vector<1x16xf32>,
        %scan3A_419 = arith.constant 2 : i32
        %scan3A_420 = arith.addi %scan3A_322, %scan3A_419 : i32
        %get3A_421 = arith.index_cast %scan3A_420 : i32 to index
        %get3A_422 = arith.constant 0 : index
        %get3A_423 = tpu.vector_load %arg7[%get3A_421, %get3A_422] {strides = array<i32>} : memref<128x64xf32, #tpu.memory_space<vmem>>, vector<1x16xf32>,
        %get3A_424 = vector.shape_cast %get3A_423 : vector<1x16xf32> to vector<16xf32>
        %mul3A_425 = arith.constant 8.000000e+00 : f32
        %mul3A_426 = vector.broadcast %mul3A_425 : f32 to vector<16xf32>
        %mul3A_427 = arith.mulf %get3A_424, %mul3A_426 : vector<16xf32>
        %swap3A_428 = arith.index_cast %scan3A_420 : i32 to index
        %swap3A_429 = arith.constant 0 : index
        %swap3A_430 = tpu.vector_load %arg7[%swap3A_428, %swap3A_429] {strides = array<i32>} : memref<128x64xf32, #tpu.memory_space<vmem>>, vector<1x16xf32>,
        %swap3A_431 = vector.shape_cast %swap3A_430 : vector<1x16xf32> to vector<16xf32>
        %swap3A_432 = vector.shape_cast %mul3A_427 : vector<16xf32> to vector<1x16xf32>
        tpu.vector_store %arg7[%swap3A_428, %swap3A_429], %swap3A_432 {strides = array<i32>} : memref<128x64xf32, #tpu.memory_space<vmem>>, vector<1x16xf32>,
        %get3A_433 = arith.index_cast %scan3A_420 : i32 to index
        %get3A_434 = arith.constant 16 : index
        %get3A_435 = tpu.vector_load %arg7[%get3A_433, %get3A_434] {strides = array<i32>} : memref<128x64xf32, #tpu.memory_space<vmem>>, vector<1x16xf32>,
        %get3A_436 = vector.shape_cast %get3A_435 : vector<1x16xf32> to vector<16xf32>
        %mul3A_437 = arith.constant 8.000000e+00 : f32
        %mul3A_438 = vector.broadcast %mul3A_437 : f32 to vector<16xf32>
        %mul3A_439 = arith.mulf %get3A_436, %mul3A_438 : vector<16xf32>
        %swap3A_440 = arith.index_cast %scan3A_420 : i32 to index
        %swap3A_441 = arith.constant 16 : index
        %swap3A_442 = tpu.vector_load %arg7[%swap3A_440, %swap3A_441] {strides = array<i32>} : memref<128x64xf32, #tpu.memory_space<vmem>>, vector<1x16xf32>,
        %swap3A_443 = vector.shape_cast %swap3A_442 : vector<1x16xf32> to vector<16xf32>
        %swap3A_444 = vector.shape_cast %mul3A_439 : vector<16xf32> to vector<1x16xf32>
        tpu.vector_store %arg7[%swap3A_440, %swap3A_441], %swap3A_444 {strides = array<i32>} : memref<128x64xf32, #tpu.memory_space<vmem>>, vector<1x16xf32>,
        %get3A_445 = arith.index_cast %scan3A_420 : i32 to index
        %get3A_446 = arith.constant 32 : index
        %get3A_447 = tpu.vector_load %arg7[%get3A_445, %get3A_446] {strides = array<i32>} : memref<128x64xf32, #tpu.memory_space<vmem>>, vector<1x16xf32>,
        %get3A_448 = vector.shape_cast %get3A_447 : vector<1x16xf32> to vector<16xf32>
        %mul3A_449 = arith.constant 8.000000e+00 : f32
        %mul3A_450 = vector.broadcast %mul3A_449 : f32 to vector<16xf32>
        %mul3A_451 = arith.mulf %get3A_448, %mul3A_450 : vector<16xf32>
        %swap3A_452 = arith.index_cast %scan3A_420 : i32 to index
        %swap3A_453 = arith.constant 32 : index
        %swap3A_454 = tpu.vector_load %arg7[%swap3A_452, %swap3A_453] {strides = array<i32>} : memref<128x64xf32, #tpu.memory_space<vmem>>, vector<1x16xf32>,
        %swap3A_455 = vector.shape_cast %swap3A_454 : vector<1x16xf32> to vector<16xf32>
        %swap3A_456 = vector.shape_cast %mul3A_451 : vector<16xf32> to vector<1x16xf32>
        tpu.vector_store %arg7[%swap3A_452, %swap3A_453], %swap3A_456 {strides = array<i32>} : memref<128x64xf32, #tpu.memory_space<vmem>>, vector<1x16xf32>,
        %get3A_457 = arith.index_cast %scan3A_420 : i32 to index
        %get3A_458 = arith.constant 48 : index
        %get3A_459 = tpu.vector_load %arg7[%get3A_457, %get3A_458] {strides = array<i32>} : memref<128x64xf32, #tpu.memory_space<vmem>>, vector<1x16xf32>,
        %get3A_460 = vector.shape_cast %get3A_459 : vector<1x16xf32> to vector<16xf32>
        %mul3A_461 = arith.constant 8.000000e+00 : f32
        %mul3A_462 = vector.broadcast %mul3A_461 : f32 to vector<16xf32>
        %mul3A_463 = arith.mulf %get3A_460, %mul3A_462 : vector<16xf32>
        %swap3A_464 = arith.index_cast %scan3A_420 : i32 to index
        %swap3A_465 = arith.constant 48 : index
        %swap3A_466 = tpu.vector_load %arg7[%swap3A_464, %swap3A_465] {strides = array<i32>} : memref<128x64xf32, #tpu.memory_space<vmem>>, vector<1x16xf32>,
        %swap3A_467 = vector.shape_cast %swap3A_466 : vector<1x16xf32> to vector<16xf32>
        %swap3A_468 = vector.shape_cast %mul3A_463 : vector<16xf32> to vector<1x16xf32>
        tpu.vector_store %arg7[%swap3A_464, %swap3A_465], %swap3A_468 {strides = array<i32>} : memref<128x64xf32, #tpu.memory_space<vmem>>, vector<1x16xf32>,
        %scan3A_469 = arith.constant 3 : i32
        %scan3A_470 = arith.addi %scan3A_322, %scan3A_469 : i32
        %get3A_471 = arith.index_cast %scan3A_470 : i32 to index
        %get3A_472 = arith.constant 0 : index
        %get3A_473 = tpu.vector_load %arg7[%get3A_471, %get3A_472] {strides = array<i32>} : memref<128x64xf32, #tpu.memory_space<vmem>>, vector<1x16xf32>,
        %get3A_474 = vector.shape_cast %get3A_473 : vector<1x16xf32> to vector<16xf32>
        %mul3A_475 = arith.constant 8.000000e+00 : f32
        %mul3A_476 = vector.broadcast %mul3A_475 : f32 to vector<16xf32>
        %mul3A_477 = arith.mulf %get3A_474, %mul3A_476 : vector<16xf32>
        %swap3A_478 = arith.index_cast %scan3A_470 : i32 to index
        %swap3A_479 = arith.constant 0 : index
        %swap3A_480 = tpu.vector_load %arg7[%swap3A_478, %swap3A_479] {strides = array<i32>} : memref<128x64xf32, #tpu.memory_space<vmem>>, vector<1x16xf32>,
        %swap3A_481 = vector.shape_cast %swap3A_480 : vector<1x16xf32> to vector<16xf32>
        %swap3A_482 = vector.shape_cast %mul3A_477 : vector<16xf32> to vector<1x16xf32>
        tpu.vector_store %arg7[%swap3A_478, %swap3A_479], %swap3A_482 {strides = array<i32>} : memref<128x64xf32, #tpu.memory_space<vmem>>, vector<1x16xf32>,
        %get3A_483 = arith.index_cast %scan3A_470 : i32 to index
        %get3A_484 = arith.constant 16 : index
        %get3A_485 = tpu.vector_load %arg7[%get3A_483, %get3A_484] {strides = array<i32>} : memref<128x64xf32, #tpu.memory_space<vmem>>, vector<1x16xf32>,
        %get3A_486 = vector.shape_cast %get3A_485 : vector<1x16xf32> to vector<16xf32>
        %mul3A_487 = arith.constant 8.000000e+00 : f32
        %mul3A_488 = vector.broadcast %mul3A_487 : f32 to vector<16xf32>
        %mul3A_489 = arith.mulf %get3A_486, %mul3A_488 : vector<16xf32>
        %swap3A_490 = arith.index_cast %scan3A_470 : i32 to index
        %swap3A_491 = arith.constant 16 : index
        %swap3A_492 = tpu.vector_load %arg7[%swap3A_490, %swap3A_491] {strides = array<i32>} : memref<128x64xf32, #tpu.memory_space<vmem>>, vector<1x16xf32>,
        %swap3A_493 = vector.shape_cast %swap3A_492 : vector<1x16xf32> to vector<16xf32>
        %swap3A_494 = vector.shape_cast %mul3A_489 : vector<16xf32> to vector<1x16xf32>
        tpu.vector_store %arg7[%swap3A_490, %swap3A_491], %swap3A_494 {strides = array<i32>} : memref<128x64xf32, #tpu.memory_space<vmem>>, vector<1x16xf32>,
        %get3A_495 = arith.index_cast %scan3A_470 : i32 to index
        %get3A_496 = arith.constant 32 : index
        %get3A_497 = tpu.vector_load %arg7[%get3A_495, %get3A_496] {strides = array<i32>} : memref<128x64xf32, #tpu.memory_space<vmem>>, vector<1x16xf32>,
        %get3A_498 = vector.shape_cast %get3A_497 : vector<1x16xf32> to vector<16xf32>
        %mul3A_499 = arith.constant 8.000000e+00 : f32
        %mul3A_500 = vector.broadcast %mul3A_499 : f32 to vector<16xf32>
        %mul3A_501 = arith.mulf %get3A_498, %mul3A_500 : vector<16xf32>
        %swap3A_502 = arith.index_cast %scan3A_470 : i32 to index
        %swap3A_503 = arith.constant 32 : index
        %swap3A_504 = tpu.vector_load %arg7[%swap3A_502, %swap3A_503] {strides = array<i32>} : memref<128x64xf32, #tpu.memory_space<vmem>>, vector<1x16xf32>,
        %swap3A_505 = vector.shape_cast %swap3A_504 : vector<1x16xf32> to vector<16xf32>
        %swap3A_506 = vector.shape_cast %mul3A_501 : vector<16xf32> to vector<1x16xf32>
        tpu.vector_store %arg7[%swap3A_502, %swap3A_503], %swap3A_506 {strides = array<i32>} : memref<128x64xf32, #tpu.memory_space<vmem>>, vector<1x16xf32>,
        %get3A_507 = arith.index_cast %scan3A_470 : i32 to index
        %get3A_508 = arith.constant 48 : index
        %get3A_509 = tpu.vector_load %arg7[%get3A_507, %get3A_508] {strides = array<i32>} : memref<128x64xf32, #tpu.memory_space<vmem>>, vector<1x16xf32>,
        %get3A_510 = vector.shape_cast %get3A_509 : vector<1x16xf32> to vector<16xf32>
        %mul3A_511 = arith.constant 8.000000e+00 : f32
        %mul3A_512 = vector.broadcast %mul3A_511 : f32 to vector<16xf32>
        %mul3A_513 = arith.mulf %get3A_510, %mul3A_512 : vector<16xf32>
        %swap3A_514 = arith.index_cast %scan3A_470 : i32 to index
        %swap3A_515 = arith.constant 48 : index
        %swap3A_516 = tpu.vector_load %arg7[%swap3A_514, %swap3A_515] {strides = array<i32>} : memref<128x64xf32, #tpu.memory_space<vmem>>, vector<1x16xf32>,
        %swap3A_517 = vector.shape_cast %swap3A_516 : vector<1x16xf32> to vector<16xf32>
        %swap3A_518 = vector.shape_cast %mul3A_513 : vector<16xf32> to vector<1x16xf32>
        tpu.vector_store %arg7[%swap3A_514, %swap3A_515], %swap3A_518 {strides = array<i32>} : memref<128x64xf32, #tpu.memory_space<vmem>>, vector<1x16xf32>,
      }
      %scan3A_127 = arith.constant 128 : i32
      %mul3A_128 = arith.constant 128 : i32
      %mul3A_129 = arith.muli %add3A_115, %mul3A_128 : i32
      %add3A_130 = arith.addi %mul3A_4, %mul3A_129 : i32
      %dma_start3A_131 = arith.constant 0 : i32
      %dma_start3A_132 = tpu.memref_slice %arg4[%add3A_130, %dma_start3A_131] : memref<819200x64xf32, #tpu.memory_space<hbm>> -> memref<128x64xf32, #tpu.memory_space<hbm>>
      %dma_start3A_133 = arith.constant 0 : i32
      %dma_start3A_134 = tpu.memref_slice %arg4[%add3A_130, %dma_start3A_133] : memref<819200x64xf32, #tpu.memory_space<hbm>> -> memref<128x64xf32, #tpu.memory_space<hbm>>
      tpu.enqueue_dma source(%arg7 : memref<128x64xf32, #tpu.memory_space<vmem>>) target(%dma_start3A_134 : memref<128x64xf32, #tpu.memory_space<hbm>>) target_semaphore(%arg23 : memref<!tpu.dma_semaphore, #tpu.memory_space<semaphore_mem>>)
      %add3A_135 = arith.constant 4 : i32
      %add3A_136 = arith.addi %add3A_115, %add3A_135 : i32
      %lt3A_137 = arith.constant 200 : i32
      %lt3A_138 = arith.cmpi slt, %add3A_136, %lt3A_137 : i32
      %convert_element_type3A_139 = arith.extui %lt3A_138 : i1 to i32
      %cond3A_140 = arith.constant 0 : i32
      %cond3A_141 = arith.cmpi ne, %convert_element_type3A_139, %cond3A_140 : i32
      scf.if %cond3A_141 {
        %ge3A = arith.constant 4 : i32
        %ge3A_322 = arith.cmpi sge, %add3A_115, %ge3A : i32
        %convert_element_type3A_323 = arith.extui %ge3A_322 : i1 to i32
        %cond3A_324 = arith.constant 0 : i32
        %cond3A_325 = arith.cmpi ne, %convert_element_type3A_323, %cond3A_324 : i32
        scf.if %cond3A_325 {
          %sub3A = arith.constant 4 : i32
          %sub3A_332 = arith.subi %add3A_115, %sub3A : i32
          %mul3A_333 = arith.constant 128 : i32
          %mul3A_334 = arith.muli %sub3A_332, %mul3A_333 : i32
          %add3A_335 = arith.addi %mul3A_4, %mul3A_334 : i32
          %dma_wait3A_336 = arith.constant 0 : i32
          %dma_wait3A_337 = tpu.memref_slice %arg4[%add3A_335, %dma_wait3A_336] : memref<819200x64xf32, #tpu.memory_space<hbm>> -> memref<128x64xf32, #tpu.memory_space<hbm>>
          %dma_wait3A_338 = arith.constant 0 : i32
          %dma_wait3A_339 = tpu.memref_slice %arg4[%add3A_335, %dma_wait3A_338] : memref<819200x64xf32, #tpu.memory_space<hbm>> -> memref<128x64xf32, #tpu.memory_space<hbm>>
          tpu.wait_dma2 semaphore(%arg27 : memref<!tpu.dma_semaphore, #tpu.memory_space<semaphore_mem>>) src(%arg11 : memref<128x64xf32, #tpu.memory_space<vmem>>) dst(%dma_wait3A_339 : memref<128x64xf32, #tpu.memory_space<hbm>>)
        } else {
        }
        %dma_start3A_326 = arith.constant 0 : i32
        %dma_start3A_327 = tpu.memref_slice %arg5[%add3A_136, %dma_start3A_326] : memref<200x128xi32, #tpu.memory_space<vmem>> -> memref<1x128xi32, #tpu.memory_space<vmem>>
        %dma_start3A_328 = tpu.memref_squeeze %dma_start3A_327 : memref<1x128xi32, #tpu.memory_space<vmem>> -> memref<128xi32, #tpu.memory_space<vmem>>
        %dma_start3A_329 = arith.constant 0 : i32
        %dma_start3A_330 = arith.constant 0 : i32
        %dma_start3A_331 = tpu.memref_slice %arg3[%dma_start3A_329, %dma_start3A_330] : memref<1000000x64xf32, #tpu.memory_space<hbm>> -> memref<1000000x64xf32, #tpu.memory_space<hbm>>
        tpu.enqueue_indirect_dma source(%dma_start3A_331 : memref<1000000x64xf32, #tpu.memory_space<hbm>>) target(%arg11 : memref<128x64xf32, #tpu.memory_space<vmem>>) offsets(%dma_start3A_328 : memref<128xi32, #tpu.memory_space<vmem>>) semaphore(%arg19 : memref<!tpu.dma_semaphore, #tpu.memory_space<semaphore_mem>>)
      } else {
      }
      %mul3A_142 = arith.constant 8 : i32
      %mul3A_143 = arith.muli %scan3A_84, %mul3A_142 : i32
      %add3A_144 = arith.constant 2 : i32
      %add3A_145 = arith.addi %mul3A_143, %add3A_144 : i32
      %dma_wait3A_146 = arith.constant 0 : i32
      %dma_wait3A_147 = tpu.memref_slice %arg5[%add3A_145, %dma_wait3A_146] : memref<200x128xi32, #tpu.memory_space<vmem>> -> memref<1x128xi32, #tpu.memory_space<vmem>>
      %dma_wait3A_148 = tpu.memref_squeeze %dma_wait3A_147 : memref<1x128xi32, #tpu.memory_space<vmem>> -> memref<128xi32, #tpu.memory_space<vmem>>
      %dma_wait3A_149 = arith.constant 0 : i32
      %dma_wait3A_150 = arith.constant 0 : i32
      %dma_wait3A_151 = tpu.memref_slice %arg3[%dma_wait3A_149, %dma_wait3A_150] : memref<1000000x64xf32, #tpu.memory_space<hbm>> -> memref<1000000x64xf32, #tpu.memory_space<hbm>>
      tpu.wait_indirect_dma semaphore(%arg16 : memref<!tpu.dma_semaphore, #tpu.memory_space<semaphore_mem>>) src(%dma_wait3A_151 : memref<1000000x64xf32, #tpu.memory_space<hbm>>) dst(%arg8 : memref<128x64xf32, #tpu.memory_space<vmem>>)
      %scan3A_152 = arith.constant 0 : i32
      %scan3A_153 = arith.constant 0 : i32
      %scan3A_154 = arith.constant 128 : i32
      %scan3A_155 = arith.addi %scan3A_153, %scan3A_154 : i32
      %scan3A_156 = arith.constant 4 : i32
      scf.for %scan3A_322 = %scan3A_153 to %scan3A_155 step %scan3A_156  : i32 {
        %get3A = arith.index_cast %scan3A_322 : i32 to index
        %get3A_323 = arith.constant 0 : index
        %get3A_324 = tpu.vector_load %arg8[%get3A, %get3A_323] {strides = array<i32>} : memref<128x64xf32, #tpu.memory_space<vmem>>, vector<1x16xf32>,
        %get3A_325 = vector.shape_cast %get3A_324 : vector<1x16xf32> to vector<16xf32>
        %mul3A_326 = arith.constant 8.000000e+00 : f32
        %mul3A_327 = vector.broadcast %mul3A_326 : f32 to vector<16xf32>
        %mul3A_328 = arith.mulf %get3A_325, %mul3A_327 : vector<16xf32>
        %swap3A = arith.index_cast %scan3A_322 : i32 to index
        %swap3A_329 = arith.constant 0 : index
        %swap3A_330 = tpu.vector_load %arg8[%swap3A, %swap3A_329] {strides = array<i32>} : memref<128x64xf32, #tpu.memory_space<vmem>>, vector<1x16xf32>,
        %swap3A_331 = vector.shape_cast %swap3A_330 : vector<1x16xf32> to vector<16xf32>
        %swap3A_332 = vector.shape_cast %mul3A_328 : vector<16xf32> to vector<1x16xf32>
        tpu.vector_store %arg8[%swap3A, %swap3A_329], %swap3A_332 {strides = array<i32>} : memref<128x64xf32, #tpu.memory_space<vmem>>, vector<1x16xf32>,
        %get3A_333 = arith.index_cast %scan3A_322 : i32 to index
        %get3A_334 = arith.constant 16 : index
        %get3A_335 = tpu.vector_load %arg8[%get3A_333, %get3A_334] {strides = array<i32>} : memref<128x64xf32, #tpu.memory_space<vmem>>, vector<1x16xf32>,
        %get3A_336 = vector.shape_cast %get3A_335 : vector<1x16xf32> to vector<16xf32>
        %mul3A_337 = arith.constant 8.000000e+00 : f32
        %mul3A_338 = vector.broadcast %mul3A_337 : f32 to vector<16xf32>
        %mul3A_339 = arith.mulf %get3A_336, %mul3A_338 : vector<16xf32>
        %swap3A_340 = arith.index_cast %scan3A_322 : i32 to index
        %swap3A_341 = arith.constant 16 : index
        %swap3A_342 = tpu.vector_load %arg8[%swap3A_340, %swap3A_341] {strides = array<i32>} : memref<128x64xf32, #tpu.memory_space<vmem>>, vector<1x16xf32>,
        %swap3A_343 = vector.shape_cast %swap3A_342 : vector<1x16xf32> to vector<16xf32>
        %swap3A_344 = vector.shape_cast %mul3A_339 : vector<16xf32> to vector<1x16xf32>
        tpu.vector_store %arg8[%swap3A_340, %swap3A_341], %swap3A_344 {strides = array<i32>} : memref<128x64xf32, #tpu.memory_space<vmem>>, vector<1x16xf32>,
        %get3A_345 = arith.index_cast %scan3A_322 : i32 to index
        %get3A_346 = arith.constant 32 : index
        %get3A_347 = tpu.vector_load %arg8[%get3A_345, %get3A_346] {strides = array<i32>} : memref<128x64xf32, #tpu.memory_space<vmem>>, vector<1x16xf32>,
        %get3A_348 = vector.shape_cast %get3A_347 : vector<1x16xf32> to vector<16xf32>
        %mul3A_349 = arith.constant 8.000000e+00 : f32
        %mul3A_350 = vector.broadcast %mul3A_349 : f32 to vector<16xf32>
        %mul3A_351 = arith.mulf %get3A_348, %mul3A_350 : vector<16xf32>
        %swap3A_352 = arith.index_cast %scan3A_322 : i32 to index
        %swap3A_353 = arith.constant 32 : index
        %swap3A_354 = tpu.vector_load %arg8[%swap3A_352, %swap3A_353] {strides = array<i32>} : memref<128x64xf32, #tpu.memory_space<vmem>>, vector<1x16xf32>,
        %swap3A_355 = vector.shape_cast %swap3A_354 : vector<1x16xf32> to vector<16xf32>
        %swap3A_356 = vector.shape_cast %mul3A_351 : vector<16xf32> to vector<1x16xf32>
        tpu.vector_store %arg8[%swap3A_352, %swap3A_353], %swap3A_356 {strides = array<i32>} : memref<128x64xf32, #tpu.memory_space<vmem>>, vector<1x16xf32>,
        %get3A_357 = arith.index_cast %scan3A_322 : i32 to index
        %get3A_358 = arith.constant 48 : index
        %get3A_359 = tpu.vector_load %arg8[%get3A_357, %get3A_358] {strides = array<i32>} : memref<128x64xf32, #tpu.memory_space<vmem>>, vector<1x16xf32>,
        %get3A_360 = vector.shape_cast %get3A_359 : vector<1x16xf32> to vector<16xf32>
        %mul3A_361 = arith.constant 8.000000e+00 : f32
        %mul3A_362 = vector.broadcast %mul3A_361 : f32 to vector<16xf32>
        %mul3A_363 = arith.mulf %get3A_360, %mul3A_362 : vector<16xf32>
        %swap3A_364 = arith.index_cast %scan3A_322 : i32 to index
        %swap3A_365 = arith.constant 48 : index
        %swap3A_366 = tpu.vector_load %arg8[%swap3A_364, %swap3A_365] {strides = array<i32>} : memref<128x64xf32, #tpu.memory_space<vmem>>, vector<1x16xf32>,
        %swap3A_367 = vector.shape_cast %swap3A_366 : vector<1x16xf32> to vector<16xf32>
        %swap3A_368 = vector.shape_cast %mul3A_363 : vector<16xf32> to vector<1x16xf32>
        tpu.vector_store %arg8[%swap3A_364, %swap3A_365], %swap3A_368 {strides = array<i32>} : memref<128x64xf32, #tpu.memory_space<vmem>>, vector<1x16xf32>,
        %scan3A_369 = arith.constant 1 : i32
        %scan3A_370 = arith.addi %scan3A_322, %scan3A_369 : i32
        %get3A_371 = arith.index_cast %scan3A_370 : i32 to index
        %get3A_372 = arith.constant 0 : index
        %get3A_373 = tpu.vector_load %arg8[%get3A_371, %get3A_372] {strides = array<i32>} : memref<128x64xf32, #tpu.memory_space<vmem>>, vector<1x16xf32>,
        %get3A_374 = vector.shape_cast %get3A_373 : vector<1x16xf32> to vector<16xf32>
        %mul3A_375 = arith.constant 8.000000e+00 : f32
        %mul3A_376 = vector.broadcast %mul3A_375 : f32 to vector<16xf32>
        %mul3A_377 = arith.mulf %get3A_374, %mul3A_376 : vector<16xf32>
        %swap3A_378 = arith.index_cast %scan3A_370 : i32 to index
        %swap3A_379 = arith.constant 0 : index
        %swap3A_380 = tpu.vector_load %arg8[%swap3A_378, %swap3A_379] {strides = array<i32>} : memref<128x64xf32, #tpu.memory_space<vmem>>, vector<1x16xf32>,
        %swap3A_381 = vector.shape_cast %swap3A_380 : vector<1x16xf32> to vector<16xf32>
        %swap3A_382 = vector.shape_cast %mul3A_377 : vector<16xf32> to vector<1x16xf32>
        tpu.vector_store %arg8[%swap3A_378, %swap3A_379], %swap3A_382 {strides = array<i32>} : memref<128x64xf32, #tpu.memory_space<vmem>>, vector<1x16xf32>,
        %get3A_383 = arith.index_cast %scan3A_370 : i32 to index
        %get3A_384 = arith.constant 16 : index
        %get3A_385 = tpu.vector_load %arg8[%get3A_383, %get3A_384] {strides = array<i32>} : memref<128x64xf32, #tpu.memory_space<vmem>>, vector<1x16xf32>,
        %get3A_386 = vector.shape_cast %get3A_385 : vector<1x16xf32> to vector<16xf32>
        %mul3A_387 = arith.constant 8.000000e+00 : f32
        %mul3A_388 = vector.broadcast %mul3A_387 : f32 to vector<16xf32>
        %mul3A_389 = arith.mulf %get3A_386, %mul3A_388 : vector<16xf32>
        %swap3A_390 = arith.index_cast %scan3A_370 : i32 to index
        %swap3A_391 = arith.constant 16 : index
        %swap3A_392 = tpu.vector_load %arg8[%swap3A_390, %swap3A_391] {strides = array<i32>} : memref<128x64xf32, #tpu.memory_space<vmem>>, vector<1x16xf32>,
        %swap3A_393 = vector.shape_cast %swap3A_392 : vector<1x16xf32> to vector<16xf32>
        %swap3A_394 = vector.shape_cast %mul3A_389 : vector<16xf32> to vector<1x16xf32>
        tpu.vector_store %arg8[%swap3A_390, %swap3A_391], %swap3A_394 {strides = array<i32>} : memref<128x64xf32, #tpu.memory_space<vmem>>, vector<1x16xf32>,
        %get3A_395 = arith.index_cast %scan3A_370 : i32 to index
        %get3A_396 = arith.constant 32 : index
        %get3A_397 = tpu.vector_load %arg8[%get3A_395, %get3A_396] {strides = array<i32>} : memref<128x64xf32, #tpu.memory_space<vmem>>, vector<1x16xf32>,
        %get3A_398 = vector.shape_cast %get3A_397 : vector<1x16xf32> to vector<16xf32>
        %mul3A_399 = arith.constant 8.000000e+00 : f32
        %mul3A_400 = vector.broadcast %mul3A_399 : f32 to vector<16xf32>
        %mul3A_401 = arith.mulf %get3A_398, %mul3A_400 : vector<16xf32>
        %swap3A_402 = arith.index_cast %scan3A_370 : i32 to index
        %swap3A_403 = arith.constant 32 : index
        %swap3A_404 = tpu.vector_load %arg8[%swap3A_402, %swap3A_403] {strides = array<i32>} : memref<128x64xf32, #tpu.memory_space<vmem>>, vector<1x16xf32>,
        %swap3A_405 = vector.shape_cast %swap3A_404 : vector<1x16xf32> to vector<16xf32>
        %swap3A_406 = vector.shape_cast %mul3A_401 : vector<16xf32> to vector<1x16xf32>
        tpu.vector_store %arg8[%swap3A_402, %swap3A_403], %swap3A_406 {strides = array<i32>} : memref<128x64xf32, #tpu.memory_space<vmem>>, vector<1x16xf32>,
        %get3A_407 = arith.index_cast %scan3A_370 : i32 to index
        %get3A_408 = arith.constant 48 : index
        %get3A_409 = tpu.vector_load %arg8[%get3A_407, %get3A_408] {strides = array<i32>} : memref<128x64xf32, #tpu.memory_space<vmem>>, vector<1x16xf32>,
        %get3A_410 = vector.shape_cast %get3A_409 : vector<1x16xf32> to vector<16xf32>
        %mul3A_411 = arith.constant 8.000000e+00 : f32
        %mul3A_412 = vector.broadcast %mul3A_411 : f32 to vector<16xf32>
        %mul3A_413 = arith.mulf %get3A_410, %mul3A_412 : vector<16xf32>
        %swap3A_414 = arith.index_cast %scan3A_370 : i32 to index
        %swap3A_415 = arith.constant 48 : index
        %swap3A_416 = tpu.vector_load %arg8[%swap3A_414, %swap3A_415] {strides = array<i32>} : memref<128x64xf32, #tpu.memory_space<vmem>>, vector<1x16xf32>,
        %swap3A_417 = vector.shape_cast %swap3A_416 : vector<1x16xf32> to vector<16xf32>
        %swap3A_418 = vector.shape_cast %mul3A_413 : vector<16xf32> to vector<1x16xf32>
        tpu.vector_store %arg8[%swap3A_414, %swap3A_415], %swap3A_418 {strides = array<i32>} : memref<128x64xf32, #tpu.memory_space<vmem>>, vector<1x16xf32>,
        %scan3A_419 = arith.constant 2 : i32
        %scan3A_420 = arith.addi %scan3A_322, %scan3A_419 : i32
        %get3A_421 = arith.index_cast %scan3A_420 : i32 to index
        %get3A_422 = arith.constant 0 : index
        %get3A_423 = tpu.vector_load %arg8[%get3A_421, %get3A_422] {strides = array<i32>} : memref<128x64xf32, #tpu.memory_space<vmem>>, vector<1x16xf32>,
        %get3A_424 = vector.shape_cast %get3A_423 : vector<1x16xf32> to vector<16xf32>
        %mul3A_425 = arith.constant 8.000000e+00 : f32
        %mul3A_426 = vector.broadcast %mul3A_425 : f32 to vector<16xf32>
        %mul3A_427 = arith.mulf %get3A_424, %mul3A_426 : vector<16xf32>
        %swap3A_428 = arith.index_cast %scan3A_420 : i32 to index
        %swap3A_429 = arith.constant 0 : index
        %swap3A_430 = tpu.vector_load %arg8[%swap3A_428, %swap3A_429] {strides = array<i32>} : memref<128x64xf32, #tpu.memory_space<vmem>>, vector<1x16xf32>,
        %swap3A_431 = vector.shape_cast %swap3A_430 : vector<1x16xf32> to vector<16xf32>
        %swap3A_432 = vector.shape_cast %mul3A_427 : vector<16xf32> to vector<1x16xf32>
        tpu.vector_store %arg8[%swap3A_428, %swap3A_429], %swap3A_432 {strides = array<i32>} : memref<128x64xf32, #tpu.memory_space<vmem>>, vector<1x16xf32>,
        %get3A_433 = arith.index_cast %scan3A_420 : i32 to index
        %get3A_434 = arith.constant 16 : index
        %get3A_435 = tpu.vector_load %arg8[%get3A_433, %get3A_434] {strides = array<i32>} : memref<128x64xf32, #tpu.memory_space<vmem>>, vector<1x16xf32>,
        %get3A_436 = vector.shape_cast %get3A_435 : vector<1x16xf32> to vector<16xf32>
        %mul3A_437 = arith.constant 8.000000e+00 : f32
        %mul3A_438 = vector.broadcast %mul3A_437 : f32 to vector<16xf32>
        %mul3A_439 = arith.mulf %get3A_436, %mul3A_438 : vector<16xf32>
        %swap3A_440 = arith.index_cast %scan3A_420 : i32 to index
        %swap3A_441 = arith.constant 16 : index
        %swap3A_442 = tpu.vector_load %arg8[%swap3A_440, %swap3A_441] {strides = array<i32>} : memref<128x64xf32, #tpu.memory_space<vmem>>, vector<1x16xf32>,
        %swap3A_443 = vector.shape_cast %swap3A_442 : vector<1x16xf32> to vector<16xf32>
        %swap3A_444 = vector.shape_cast %mul3A_439 : vector<16xf32> to vector<1x16xf32>
        tpu.vector_store %arg8[%swap3A_440, %swap3A_441], %swap3A_444 {strides = array<i32>} : memref<128x64xf32, #tpu.memory_space<vmem>>, vector<1x16xf32>,
        %get3A_445 = arith.index_cast %scan3A_420 : i32 to index
        %get3A_446 = arith.constant 32 : index
        %get3A_447 = tpu.vector_load %arg8[%get3A_445, %get3A_446] {strides = array<i32>} : memref<128x64xf32, #tpu.memory_space<vmem>>, vector<1x16xf32>,
        %get3A_448 = vector.shape_cast %get3A_447 : vector<1x16xf32> to vector<16xf32>
        %mul3A_449 = arith.constant 8.000000e+00 : f32
        %mul3A_450 = vector.broadcast %mul3A_449 : f32 to vector<16xf32>
        %mul3A_451 = arith.mulf %get3A_448, %mul3A_450 : vector<16xf32>
        %swap3A_452 = arith.index_cast %scan3A_420 : i32 to index
        %swap3A_453 = arith.constant 32 : index
        %swap3A_454 = tpu.vector_load %arg8[%swap3A_452, %swap3A_453] {strides = array<i32>} : memref<128x64xf32, #tpu.memory_space<vmem>>, vector<1x16xf32>,
        %swap3A_455 = vector.shape_cast %swap3A_454 : vector<1x16xf32> to vector<16xf32>
        %swap3A_456 = vector.shape_cast %mul3A_451 : vector<16xf32> to vector<1x16xf32>
        tpu.vector_store %arg8[%swap3A_452, %swap3A_453], %swap3A_456 {strides = array<i32>} : memref<128x64xf32, #tpu.memory_space<vmem>>, vector<1x16xf32>,
        %get3A_457 = arith.index_cast %scan3A_420 : i32 to index
        %get3A_458 = arith.constant 48 : index
        %get3A_459 = tpu.vector_load %arg8[%get3A_457, %get3A_458] {strides = array<i32>} : memref<128x64xf32, #tpu.memory_space<vmem>>, vector<1x16xf32>,
        %get3A_460 = vector.shape_cast %get3A_459 : vector<1x16xf32> to vector<16xf32>
        %mul3A_461 = arith.constant 8.000000e+00 : f32
        %mul3A_462 = vector.broadcast %mul3A_461 : f32 to vector<16xf32>
        %mul3A_463 = arith.mulf %get3A_460, %mul3A_462 : vector<16xf32>
        %swap3A_464 = arith.index_cast %scan3A_420 : i32 to index
        %swap3A_465 = arith.constant 48 : index
        %swap3A_466 = tpu.vector_load %arg8[%swap3A_464, %swap3A_465] {strides = array<i32>} : memref<128x64xf32, #tpu.memory_space<vmem>>, vector<1x16xf32>,
        %swap3A_467 = vector.shape_cast %swap3A_466 : vector<1x16xf32> to vector<16xf32>
        %swap3A_468 = vector.shape_cast %mul3A_463 : vector<16xf32> to vector<1x16xf32>
        tpu.vector_store %arg8[%swap3A_464, %swap3A_465], %swap3A_468 {strides = array<i32>} : memref<128x64xf32, #tpu.memory_space<vmem>>, vector<1x16xf32>,
        %scan3A_469 = arith.constant 3 : i32
        %scan3A_470 = arith.addi %scan3A_322, %scan3A_469 : i32
        %get3A_471 = arith.index_cast %scan3A_470 : i32 to index
        %get3A_472 = arith.constant 0 : index
        %get3A_473 = tpu.vector_load %arg8[%get3A_471, %get3A_472] {strides = array<i32>} : memref<128x64xf32, #tpu.memory_space<vmem>>, vector<1x16xf32>,
        %get3A_474 = vector.shape_cast %get3A_473 : vector<1x16xf32> to vector<16xf32>
        %mul3A_475 = arith.constant 8.000000e+00 : f32
        %mul3A_476 = vector.broadcast %mul3A_475 : f32 to vector<16xf32>
        %mul3A_477 = arith.mulf %get3A_474, %mul3A_476 : vector<16xf32>
        %swap3A_478 = arith.index_cast %scan3A_470 : i32 to index
        %swap3A_479 = arith.constant 0 : index
        %swap3A_480 = tpu.vector_load %arg8[%swap3A_478, %swap3A_479] {strides = array<i32>} : memref<128x64xf32, #tpu.memory_space<vmem>>, vector<1x16xf32>,
        %swap3A_481 = vector.shape_cast %swap3A_480 : vector<1x16xf32> to vector<16xf32>
        %swap3A_482 = vector.shape_cast %mul3A_477 : vector<16xf32> to vector<1x16xf32>
        tpu.vector_store %arg8[%swap3A_478, %swap3A_479], %swap3A_482 {strides = array<i32>} : memref<128x64xf32, #tpu.memory_space<vmem>>, vector<1x16xf32>,
        %get3A_483 = arith.index_cast %scan3A_470 : i32 to index
        %get3A_484 = arith.constant 16 : index
        %get3A_485 = tpu.vector_load %arg8[%get3A_483, %get3A_484] {strides = array<i32>} : memref<128x64xf32, #tpu.memory_space<vmem>>, vector<1x16xf32>,
        %get3A_486 = vector.shape_cast %get3A_485 : vector<1x16xf32> to vector<16xf32>
        %mul3A_487 = arith.constant 8.000000e+00 : f32
        %mul3A_488 = vector.broadcast %mul3A_487 : f32 to vector<16xf32>
        %mul3A_489 = arith.mulf %get3A_486, %mul3A_488 : vector<16xf32>
        %swap3A_490 = arith.index_cast %scan3A_470 : i32 to index
        %swap3A_491 = arith.constant 16 : index
        %swap3A_492 = tpu.vector_load %arg8[%swap3A_490, %swap3A_491] {strides = array<i32>} : memref<128x64xf32, #tpu.memory_space<vmem>>, vector<1x16xf32>,
        %swap3A_493 = vector.shape_cast %swap3A_492 : vector<1x16xf32> to vector<16xf32>
        %swap3A_494 = vector.shape_cast %mul3A_489 : vector<16xf32> to vector<1x16xf32>
        tpu.vector_store %arg8[%swap3A_490, %swap3A_491], %swap3A_494 {strides = array<i32>} : memref<128x64xf32, #tpu.memory_space<vmem>>, vector<1x16xf32>,
        %get3A_495 = arith.index_cast %scan3A_470 : i32 to index
        %get3A_496 = arith.constant 32 : index
        %get3A_497 = tpu.vector_load %arg8[%get3A_495, %get3A_496] {strides = array<i32>} : memref<128x64xf32, #tpu.memory_space<vmem>>, vector<1x16xf32>,
        %get3A_498 = vector.shape_cast %get3A_497 : vector<1x16xf32> to vector<16xf32>
        %mul3A_499 = arith.constant 8.000000e+00 : f32
        %mul3A_500 = vector.broadcast %mul3A_499 : f32 to vector<16xf32>
        %mul3A_501 = arith.mulf %get3A_498, %mul3A_500 : vector<16xf32>
        %swap3A_502 = arith.index_cast %scan3A_470 : i32 to index
        %swap3A_503 = arith.constant 32 : index
        %swap3A_504 = tpu.vector_load %arg8[%swap3A_502, %swap3A_503] {strides = array<i32>} : memref<128x64xf32, #tpu.memory_space<vmem>>, vector<1x16xf32>,
        %swap3A_505 = vector.shape_cast %swap3A_504 : vector<1x16xf32> to vector<16xf32>
        %swap3A_506 = vector.shape_cast %mul3A_501 : vector<16xf32> to vector<1x16xf32>
        tpu.vector_store %arg8[%swap3A_502, %swap3A_503], %swap3A_506 {strides = array<i32>} : memref<128x64xf32, #tpu.memory_space<vmem>>, vector<1x16xf32>,
        %get3A_507 = arith.index_cast %scan3A_470 : i32 to index
        %get3A_508 = arith.constant 48 : index
        %get3A_509 = tpu.vector_load %arg8[%get3A_507, %get3A_508] {strides = array<i32>} : memref<128x64xf32, #tpu.memory_space<vmem>>, vector<1x16xf32>,
        %get3A_510 = vector.shape_cast %get3A_509 : vector<1x16xf32> to vector<16xf32>
        %mul3A_511 = arith.constant 8.000000e+00 : f32
        %mul3A_512 = vector.broadcast %mul3A_511 : f32 to vector<16xf32>
        %mul3A_513 = arith.mulf %get3A_510, %mul3A_512 : vector<16xf32>
        %swap3A_514 = arith.index_cast %scan3A_470 : i32 to index
        %swap3A_515 = arith.constant 48 : index
        %swap3A_516 = tpu.vector_load %arg8[%swap3A_514, %swap3A_515] {strides = array<i32>} : memref<128x64xf32, #tpu.memory_space<vmem>>, vector<1x16xf32>,
        %swap3A_517 = vector.shape_cast %swap3A_516 : vector<1x16xf32> to vector<16xf32>
        %swap3A_518 = vector.shape_cast %mul3A_513 : vector<16xf32> to vector<1x16xf32>
        tpu.vector_store %arg8[%swap3A_514, %swap3A_515], %swap3A_518 {strides = array<i32>} : memref<128x64xf32, #tpu.memory_space<vmem>>, vector<1x16xf32>,
      }
      %scan3A_157 = arith.constant 128 : i32
      %mul3A_158 = arith.constant 128 : i32
      %mul3A_159 = arith.muli %add3A_145, %mul3A_158 : i32
      %add3A_160 = arith.addi %mul3A_4, %mul3A_159 : i32
      %dma_start3A_161 = arith.constant 0 : i32
      %dma_start3A_162 = tpu.memref_slice %arg4[%add3A_160, %dma_start3A_161] : memref<819200x64xf32, #tpu.memory_space<hbm>> -> memref<128x64xf32, #tpu.memory_space<hbm>>
      %dma_start3A_163 = arith.constant 0 : i32
      %dma_start3A_164 = tpu.memref_slice %arg4[%add3A_160, %dma_start3A_163] : memref<819200x64xf32, #tpu.memory_space<hbm>> -> memref<128x64xf32, #tpu.memory_space<hbm>>
      tpu.enqueue_dma source(%arg8 : memref<128x64xf32, #tpu.memory_space<vmem>>) target(%dma_start3A_164 : memref<128x64xf32, #tpu.memory_space<hbm>>) target_semaphore(%arg24 : memref<!tpu.dma_semaphore, #tpu.memory_space<semaphore_mem>>)
      %add3A_165 = arith.constant 4 : i32
      %add3A_166 = arith.addi %add3A_145, %add3A_165 : i32
      %lt3A_167 = arith.constant 200 : i32
      %lt3A_168 = arith.cmpi slt, %add3A_166, %lt3A_167 : i32
      %convert_element_type3A_169 = arith.extui %lt3A_168 : i1 to i32
      %cond3A_170 = arith.constant 0 : i32
      %cond3A_171 = arith.cmpi ne, %convert_element_type3A_169, %cond3A_170 : i32
      scf.if %cond3A_171 {
        %ge3A = arith.constant 4 : i32
        %ge3A_322 = arith.cmpi sge, %add3A_145, %ge3A : i32
        %convert_element_type3A_323 = arith.extui %ge3A_322 : i1 to i32
        %cond3A_324 = arith.constant 0 : i32
        %cond3A_325 = arith.cmpi ne, %convert_element_type3A_323, %cond3A_324 : i32
        scf.if %cond3A_325 {
          %sub3A = arith.constant 4 : i32
          %sub3A_332 = arith.subi %add3A_145, %sub3A : i32
          %mul3A_333 = arith.constant 128 : i32
          %mul3A_334 = arith.muli %sub3A_332, %mul3A_333 : i32
          %add3A_335 = arith.addi %mul3A_4, %mul3A_334 : i32
          %dma_wait3A_336 = arith.constant 0 : i32
          %dma_wait3A_337 = tpu.memref_slice %arg4[%add3A_335, %dma_wait3A_336] : memref<819200x64xf32, #tpu.memory_space<hbm>> -> memref<128x64xf32, #tpu.memory_space<hbm>>
          %dma_wait3A_338 = arith.constant 0 : i32
          %dma_wait3A_339 = tpu.memref_slice %arg4[%add3A_335, %dma_wait3A_338] : memref<819200x64xf32, #tpu.memory_space<hbm>> -> memref<128x64xf32, #tpu.memory_space<hbm>>
          tpu.wait_dma2 semaphore(%arg28 : memref<!tpu.dma_semaphore, #tpu.memory_space<semaphore_mem>>) src(%arg12 : memref<128x64xf32, #tpu.memory_space<vmem>>) dst(%dma_wait3A_339 : memref<128x64xf32, #tpu.memory_space<hbm>>)
        } else {
        }
        %dma_start3A_326 = arith.constant 0 : i32
        %dma_start3A_327 = tpu.memref_slice %arg5[%add3A_166, %dma_start3A_326] : memref<200x128xi32, #tpu.memory_space<vmem>> -> memref<1x128xi32, #tpu.memory_space<vmem>>
        %dma_start3A_328 = tpu.memref_squeeze %dma_start3A_327 : memref<1x128xi32, #tpu.memory_space<vmem>> -> memref<128xi32, #tpu.memory_space<vmem>>
        %dma_start3A_329 = arith.constant 0 : i32
        %dma_start3A_330 = arith.constant 0 : i32
        %dma_start3A_331 = tpu.memref_slice %arg3[%dma_start3A_329, %dma_start3A_330] : memref<1000000x64xf32, #tpu.memory_space<hbm>> -> memref<1000000x64xf32, #tpu.memory_space<hbm>>
        tpu.enqueue_indirect_dma source(%dma_start3A_331 : memref<1000000x64xf32, #tpu.memory_space<hbm>>) target(%arg12 : memref<128x64xf32, #tpu.memory_space<vmem>>) offsets(%dma_start3A_328 : memref<128xi32, #tpu.memory_space<vmem>>) semaphore(%arg20 : memref<!tpu.dma_semaphore, #tpu.memory_space<semaphore_mem>>)
      } else {
      }
      %mul3A_172 = arith.constant 8 : i32
      %mul3A_173 = arith.muli %scan3A_84, %mul3A_172 : i32
      %add3A_174 = arith.constant 3 : i32
      %add3A_175 = arith.addi %mul3A_173, %add3A_174 : i32
      %dma_wait3A_176 = arith.constant 0 : i32
      %dma_wait3A_177 = tpu.memref_slice %arg5[%add3A_175, %dma_wait3A_176] : memref<200x128xi32, #tpu.memory_space<vmem>> -> memref<1x128xi32, #tpu.memory_space<vmem>>
      %dma_wait3A_178 = tpu.memref_squeeze %dma_wait3A_177 : memref<1x128xi32, #tpu.memory_space<vmem>> -> memref<128xi32, #tpu.memory_space<vmem>>
      %dma_wait3A_179 = arith.constant 0 : i32
      %dma_wait3A_180 = arith.constant 0 : i32
      %dma_wait3A_181 = tpu.memref_slice %arg3[%dma_wait3A_179, %dma_wait3A_180] : memref<1000000x64xf32, #tpu.memory_space<hbm>> -> memref<1000000x64xf32, #tpu.memory_space<hbm>>
      tpu.wait_indirect_dma semaphore(%arg17 : memref<!tpu.dma_semaphore, #tpu.memory_space<semaphore_mem>>) src(%dma_wait3A_181 : memref<1000000x64xf32, #tpu.memory_space<hbm>>) dst(%arg9 : memref<128x64xf32, #tpu.memory_space<vmem>>)
      %scan3A_182 = arith.constant 0 : i32
      %scan3A_183 = arith.constant 0 : i32
      %scan3A_184 = arith.constant 128 : i32
      %scan3A_185 = arith.addi %scan3A_183, %scan3A_184 : i32
      %scan3A_186 = arith.constant 4 : i32
      scf.for %scan3A_322 = %scan3A_183 to %scan3A_185 step %scan3A_186  : i32 {
        %get3A = arith.index_cast %scan3A_322 : i32 to index
        %get3A_323 = arith.constant 0 : index
        %get3A_324 = tpu.vector_load %arg9[%get3A, %get3A_323] {strides = array<i32>} : memref<128x64xf32, #tpu.memory_space<vmem>>, vector<1x16xf32>,
        %get3A_325 = vector.shape_cast %get3A_324 : vector<1x16xf32> to vector<16xf32>
        %mul3A_326 = arith.constant 8.000000e+00 : f32
        %mul3A_327 = vector.broadcast %mul3A_326 : f32 to vector<16xf32>
        %mul3A_328 = arith.mulf %get3A_325, %mul3A_327 : vector<16xf32>
        %swap3A = arith.index_cast %scan3A_322 : i32 to index
        %swap3A_329 = arith.constant 0 : index
        %swap3A_330 = tpu.vector_load %arg9[%swap3A, %swap3A_329] {strides = array<i32>} : memref<128x64xf32, #tpu.memory_space<vmem>>, vector<1x16xf32>,
        %swap3A_331 = vector.shape_cast %swap3A_330 : vector<1x16xf32> to vector<16xf32>
        %swap3A_332 = vector.shape_cast %mul3A_328 : vector<16xf32> to vector<1x16xf32>
        tpu.vector_store %arg9[%swap3A, %swap3A_329], %swap3A_332 {strides = array<i32>} : memref<128x64xf32, #tpu.memory_space<vmem>>, vector<1x16xf32>,
        %get3A_333 = arith.index_cast %scan3A_322 : i32 to index
        %get3A_334 = arith.constant 16 : index
        %get3A_335 = tpu.vector_load %arg9[%get3A_333, %get3A_334] {strides = array<i32>} : memref<128x64xf32, #tpu.memory_space<vmem>>, vector<1x16xf32>,
        %get3A_336 = vector.shape_cast %get3A_335 : vector<1x16xf32> to vector<16xf32>
        %mul3A_337 = arith.constant 8.000000e+00 : f32
        %mul3A_338 = vector.broadcast %mul3A_337 : f32 to vector<16xf32>
        %mul3A_339 = arith.mulf %get3A_336, %mul3A_338 : vector<16xf32>
        %swap3A_340 = arith.index_cast %scan3A_322 : i32 to index
        %swap3A_341 = arith.constant 16 : index
        %swap3A_342 = tpu.vector_load %arg9[%swap3A_340, %swap3A_341] {strides = array<i32>} : memref<128x64xf32, #tpu.memory_space<vmem>>, vector<1x16xf32>,
        %swap3A_343 = vector.shape_cast %swap3A_342 : vector<1x16xf32> to vector<16xf32>
        %swap3A_344 = vector.shape_cast %mul3A_339 : vector<16xf32> to vector<1x16xf32>
        tpu.vector_store %arg9[%swap3A_340, %swap3A_341], %swap3A_344 {strides = array<i32>} : memref<128x64xf32, #tpu.memory_space<vmem>>, vector<1x16xf32>,
        %get3A_345 = arith.index_cast %scan3A_322 : i32 to index
        %get3A_346 = arith.constant 32 : index
        %get3A_347 = tpu.vector_load %arg9[%get3A_345, %get3A_346] {strides = array<i32>} : memref<128x64xf32, #tpu.memory_space<vmem>>, vector<1x16xf32>,
        %get3A_348 = vector.shape_cast %get3A_347 : vector<1x16xf32> to vector<16xf32>
        %mul3A_349 = arith.constant 8.000000e+00 : f32
        %mul3A_350 = vector.broadcast %mul3A_349 : f32 to vector<16xf32>
        %mul3A_351 = arith.mulf %get3A_348, %mul3A_350 : vector<16xf32>
        %swap3A_352 = arith.index_cast %scan3A_322 : i32 to index
        %swap3A_353 = arith.constant 32 : index
        %swap3A_354 = tpu.vector_load %arg9[%swap3A_352, %swap3A_353] {strides = array<i32>} : memref<128x64xf32, #tpu.memory_space<vmem>>, vector<1x16xf32>,
        %swap3A_355 = vector.shape_cast %swap3A_354 : vector<1x16xf32> to vector<16xf32>
        %swap3A_356 = vector.shape_cast %mul3A_351 : vector<16xf32> to vector<1x16xf32>
        tpu.vector_store %arg9[%swap3A_352, %swap3A_353], %swap3A_356 {strides = array<i32>} : memref<128x64xf32, #tpu.memory_space<vmem>>, vector<1x16xf32>,
        %get3A_357 = arith.index_cast %scan3A_322 : i32 to index
        %get3A_358 = arith.constant 48 : index
        %get3A_359 = tpu.vector_load %arg9[%get3A_357, %get3A_358] {strides = array<i32>} : memref<128x64xf32, #tpu.memory_space<vmem>>, vector<1x16xf32>,
        %get3A_360 = vector.shape_cast %get3A_359 : vector<1x16xf32> to vector<16xf32>
        %mul3A_361 = arith.constant 8.000000e+00 : f32
        %mul3A_362 = vector.broadcast %mul3A_361 : f32 to vector<16xf32>
        %mul3A_363 = arith.mulf %get3A_360, %mul3A_362 : vector<16xf32>
        %swap3A_364 = arith.index_cast %scan3A_322 : i32 to index
        %swap3A_365 = arith.constant 48 : index
        %swap3A_366 = tpu.vector_load %arg9[%swap3A_364, %swap3A_365] {strides = array<i32>} : memref<128x64xf32, #tpu.memory_space<vmem>>, vector<1x16xf32>,
        %swap3A_367 = vector.shape_cast %swap3A_366 : vector<1x16xf32> to vector<16xf32>
        %swap3A_368 = vector.shape_cast %mul3A_363 : vector<16xf32> to vector<1x16xf32>
        tpu.vector_store %arg9[%swap3A_364, %swap3A_365], %swap3A_368 {strides = array<i32>} : memref<128x64xf32, #tpu.memory_space<vmem>>, vector<1x16xf32>,
        %scan3A_369 = arith.constant 1 : i32
        %scan3A_370 = arith.addi %scan3A_322, %scan3A_369 : i32
        %get3A_371 = arith.index_cast %scan3A_370 : i32 to index
        %get3A_372 = arith.constant 0 : index
        %get3A_373 = tpu.vector_load %arg9[%get3A_371, %get3A_372] {strides = array<i32>} : memref<128x64xf32, #tpu.memory_space<vmem>>, vector<1x16xf32>,
        %get3A_374 = vector.shape_cast %get3A_373 : vector<1x16xf32> to vector<16xf32>
        %mul3A_375 = arith.constant 8.000000e+00 : f32
        %mul3A_376 = vector.broadcast %mul3A_375 : f32 to vector<16xf32>
        %mul3A_377 = arith.mulf %get3A_374, %mul3A_376 : vector<16xf32>
        %swap3A_378 = arith.index_cast %scan3A_370 : i32 to index
        %swap3A_379 = arith.constant 0 : index
        %swap3A_380 = tpu.vector_load %arg9[%swap3A_378, %swap3A_379] {strides = array<i32>} : memref<128x64xf32, #tpu.memory_space<vmem>>, vector<1x16xf32>,
        %swap3A_381 = vector.shape_cast %swap3A_380 : vector<1x16xf32> to vector<16xf32>
        %swap3A_382 = vector.shape_cast %mul3A_377 : vector<16xf32> to vector<1x16xf32>
        tpu.vector_store %arg9[%swap3A_378, %swap3A_379], %swap3A_382 {strides = array<i32>} : memref<128x64xf32, #tpu.memory_space<vmem>>, vector<1x16xf32>,
        %get3A_383 = arith.index_cast %scan3A_370 : i32 to index
        %get3A_384 = arith.constant 16 : index
        %get3A_385 = tpu.vector_load %arg9[%get3A_383, %get3A_384] {strides = array<i32>} : memref<128x64xf32, #tpu.memory_space<vmem>>, vector<1x16xf32>,
        %get3A_386 = vector.shape_cast %get3A_385 : vector<1x16xf32> to vector<16xf32>
        %mul3A_387 = arith.constant 8.000000e+00 : f32
        %mul3A_388 = vector.broadcast %mul3A_387 : f32 to vector<16xf32>
        %mul3A_389 = arith.mulf %get3A_386, %mul3A_388 : vector<16xf32>
        %swap3A_390 = arith.index_cast %scan3A_370 : i32 to index
        %swap3A_391 = arith.constant 16 : index
        %swap3A_392 = tpu.vector_load %arg9[%swap3A_390, %swap3A_391] {strides = array<i32>} : memref<128x64xf32, #tpu.memory_space<vmem>>, vector<1x16xf32>,
        %swap3A_393 = vector.shape_cast %swap3A_392 : vector<1x16xf32> to vector<16xf32>
        %swap3A_394 = vector.shape_cast %mul3A_389 : vector<16xf32> to vector<1x16xf32>
        tpu.vector_store %arg9[%swap3A_390, %swap3A_391], %swap3A_394 {strides = array<i32>} : memref<128x64xf32, #tpu.memory_space<vmem>>, vector<1x16xf32>,
        %get3A_395 = arith.index_cast %scan3A_370 : i32 to index
        %get3A_396 = arith.constant 32 : index
        %get3A_397 = tpu.vector_load %arg9[%get3A_395, %get3A_396] {strides = array<i32>} : memref<128x64xf32, #tpu.memory_space<vmem>>, vector<1x16xf32>,
        %get3A_398 = vector.shape_cast %get3A_397 : vector<1x16xf32> to vector<16xf32>
        %mul3A_399 = arith.constant 8.000000e+00 : f32
        %mul3A_400 = vector.broadcast %mul3A_399 : f32 to vector<16xf32>
        %mul3A_401 = arith.mulf %get3A_398, %mul3A_400 : vector<16xf32>
        %swap3A_402 = arith.index_cast %scan3A_370 : i32 to index
        %swap3A_403 = arith.constant 32 : index
        %swap3A_404 = tpu.vector_load %arg9[%swap3A_402, %swap3A_403] {strides = array<i32>} : memref<128x64xf32, #tpu.memory_space<vmem>>, vector<1x16xf32>,
        %swap3A_405 = vector.shape_cast %swap3A_404 : vector<1x16xf32> to vector<16xf32>
        %swap3A_406 = vector.shape_cast %mul3A_401 : vector<16xf32> to vector<1x16xf32>
        tpu.vector_store %arg9[%swap3A_402, %swap3A_403], %swap3A_406 {strides = array<i32>} : memref<128x64xf32, #tpu.memory_space<vmem>>, vector<1x16xf32>,
        %get3A_407 = arith.index_cast %scan3A_370 : i32 to index
        %get3A_408 = arith.constant 48 : index
        %get3A_409 = tpu.vector_load %arg9[%get3A_407, %get3A_408] {strides = array<i32>} : memref<128x64xf32, #tpu.memory_space<vmem>>, vector<1x16xf32>,
        %get3A_410 = vector.shape_cast %get3A_409 : vector<1x16xf32> to vector<16xf32>
        %mul3A_411 = arith.constant 8.000000e+00 : f32
        %mul3A_412 = vector.broadcast %mul3A_411 : f32 to vector<16xf32>
        %mul3A_413 = arith.mulf %get3A_410, %mul3A_412 : vector<16xf32>
        %swap3A_414 = arith.index_cast %scan3A_370 : i32 to index
        %swap3A_415 = arith.constant 48 : index
        %swap3A_416 = tpu.vector_load %arg9[%swap3A_414, %swap3A_415] {strides = array<i32>} : memref<128x64xf32, #tpu.memory_space<vmem>>, vector<1x16xf32>,
        %swap3A_417 = vector.shape_cast %swap3A_416 : vector<1x16xf32> to vector<16xf32>
        %swap3A_418 = vector.shape_cast %mul3A_413 : vector<16xf32> to vector<1x16xf32>
        tpu.vector_store %arg9[%swap3A_414, %swap3A_415], %swap3A_418 {strides = array<i32>} : memref<128x64xf32, #tpu.memory_space<vmem>>, vector<1x16xf32>,
        %scan3A_419 = arith.constant 2 : i32
        %scan3A_420 = arith.addi %scan3A_322, %scan3A_419 : i32
        %get3A_421 = arith.index_cast %scan3A_420 : i32 to index
        %get3A_422 = arith.constant 0 : index
        %get3A_423 = tpu.vector_load %arg9[%get3A_421, %get3A_422] {strides = array<i32>} : memref<128x64xf32, #tpu.memory_space<vmem>>, vector<1x16xf32>,
        %get3A_424 = vector.shape_cast %get3A_423 : vector<1x16xf32> to vector<16xf32>
        %mul3A_425 = arith.constant 8.000000e+00 : f32
        %mul3A_426 = vector.broadcast %mul3A_425 : f32 to vector<16xf32>
        %mul3A_427 = arith.mulf %get3A_424, %mul3A_426 : vector<16xf32>
        %swap3A_428 = arith.index_cast %scan3A_420 : i32 to index
        %swap3A_429 = arith.constant 0 : index
        %swap3A_430 = tpu.vector_load %arg9[%swap3A_428, %swap3A_429] {strides = array<i32>} : memref<128x64xf32, #tpu.memory_space<vmem>>, vector<1x16xf32>,
        %swap3A_431 = vector.shape_cast %swap3A_430 : vector<1x16xf32> to vector<16xf32>
        %swap3A_432 = vector.shape_cast %mul3A_427 : vector<16xf32> to vector<1x16xf32>
        tpu.vector_store %arg9[%swap3A_428, %swap3A_429], %swap3A_432 {strides = array<i32>} : memref<128x64xf32, #tpu.memory_space<vmem>>, vector<1x16xf32>,
        %get3A_433 = arith.index_cast %scan3A_420 : i32 to index
        %get3A_434 = arith.constant 16 : index
        %get3A_435 = tpu.vector_load %arg9[%get3A_433, %get3A_434] {strides = array<i32>} : memref<128x64xf32, #tpu.memory_space<vmem>>, vector<1x16xf32>,
        %get3A_436 = vector.shape_cast %get3A_435 : vector<1x16xf32> to vector<16xf32>
        %mul3A_437 = arith.constant 8.000000e+00 : f32
        %mul3A_438 = vector.broadcast %mul3A_437 : f32 to vector<16xf32>
        %mul3A_439 = arith.mulf %get3A_436, %mul3A_438 : vector<16xf32>
        %swap3A_440 = arith.index_cast %scan3A_420 : i32 to index
        %swap3A_441 = arith.constant 16 : index
        %swap3A_442 = tpu.vector_load %arg9[%swap3A_440, %swap3A_441] {strides = array<i32>} : memref<128x64xf32, #tpu.memory_space<vmem>>, vector<1x16xf32>,
        %swap3A_443 = vector.shape_cast %swap3A_442 : vector<1x16xf32> to vector<16xf32>
        %swap3A_444 = vector.shape_cast %mul3A_439 : vector<16xf32> to vector<1x16xf32>
        tpu.vector_store %arg9[%swap3A_440, %swap3A_441], %swap3A_444 {strides = array<i32>} : memref<128x64xf32, #tpu.memory_space<vmem>>, vector<1x16xf32>,
        %get3A_445 = arith.index_cast %scan3A_420 : i32 to index
        %get3A_446 = arith.constant 32 : index
        %get3A_447 = tpu.vector_load %arg9[%get3A_445, %get3A_446] {strides = array<i32>} : memref<128x64xf32, #tpu.memory_space<vmem>>, vector<1x16xf32>,
        %get3A_448 = vector.shape_cast %get3A_447 : vector<1x16xf32> to vector<16xf32>
        %mul3A_449 = arith.constant 8.000000e+00 : f32
        %mul3A_450 = vector.broadcast %mul3A_449 : f32 to vector<16xf32>
        %mul3A_451 = arith.mulf %get3A_448, %mul3A_450 : vector<16xf32>
        %swap3A_452 = arith.index_cast %scan3A_420 : i32 to index
        %swap3A_453 = arith.constant 32 : index
        %swap3A_454 = tpu.vector_load %arg9[%swap3A_452, %swap3A_453] {strides = array<i32>} : memref<128x64xf32, #tpu.memory_space<vmem>>, vector<1x16xf32>,
        %swap3A_455 = vector.shape_cast %swap3A_454 : vector<1x16xf32> to vector<16xf32>
        %swap3A_456 = vector.shape_cast %mul3A_451 : vector<16xf32> to vector<1x16xf32>
        tpu.vector_store %arg9[%swap3A_452, %swap3A_453], %swap3A_456 {strides = array<i32>} : memref<128x64xf32, #tpu.memory_space<vmem>>, vector<1x16xf32>,
        %get3A_457 = arith.index_cast %scan3A_420 : i32 to index
        %get3A_458 = arith.constant 48 : index
        %get3A_459 = tpu.vector_load %arg9[%get3A_457, %get3A_458] {strides = array<i32>} : memref<128x64xf32, #tpu.memory_space<vmem>>, vector<1x16xf32>,
        %get3A_460 = vector.shape_cast %get3A_459 : vector<1x16xf32> to vector<16xf32>
        %mul3A_461 = arith.constant 8.000000e+00 : f32
        %mul3A_462 = vector.broadcast %mul3A_461 : f32 to vector<16xf32>
        %mul3A_463 = arith.mulf %get3A_460, %mul3A_462 : vector<16xf32>
        %swap3A_464 = arith.index_cast %scan3A_420 : i32 to index
        %swap3A_465 = arith.constant 48 : index
        %swap3A_466 = tpu.vector_load %arg9[%swap3A_464, %swap3A_465] {strides = array<i32>} : memref<128x64xf32, #tpu.memory_space<vmem>>, vector<1x16xf32>,
        %swap3A_467 = vector.shape_cast %swap3A_466 : vector<1x16xf32> to vector<16xf32>
        %swap3A_468 = vector.shape_cast %mul3A_463 : vector<16xf32> to vector<1x16xf32>
        tpu.vector_store %arg9[%swap3A_464, %swap3A_465], %swap3A_468 {strides = array<i32>} : memref<128x64xf32, #tpu.memory_space<vmem>>, vector<1x16xf32>,
        %scan3A_469 = arith.constant 3 : i32
        %scan3A_470 = arith.addi %scan3A_322, %scan3A_469 : i32
        %get3A_471 = arith.index_cast %scan3A_470 : i32 to index
        %get3A_472 = arith.constant 0 : index
        %get3A_473 = tpu.vector_load %arg9[%get3A_471, %get3A_472] {strides = array<i32>} : memref<128x64xf32, #tpu.memory_space<vmem>>, vector<1x16xf32>,
        %get3A_474 = vector.shape_cast %get3A_473 : vector<1x16xf32> to vector<16xf32>
        %mul3A_475 = arith.constant 8.000000e+00 : f32
        %mul3A_476 = vector.broadcast %mul3A_475 : f32 to vector<16xf32>
        %mul3A_477 = arith.mulf %get3A_474, %mul3A_476 : vector<16xf32>
        %swap3A_478 = arith.index_cast %scan3A_470 : i32 to index
        %swap3A_479 = arith.constant 0 : index
        %swap3A_480 = tpu.vector_load %arg9[%swap3A_478, %swap3A_479] {strides = array<i32>} : memref<128x64xf32, #tpu.memory_space<vmem>>, vector<1x16xf32>,
        %swap3A_481 = vector.shape_cast %swap3A_480 : vector<1x16xf32> to vector<16xf32>
        %swap3A_482 = vector.shape_cast %mul3A_477 : vector<16xf32> to vector<1x16xf32>
        tpu.vector_store %arg9[%swap3A_478, %swap3A_479], %swap3A_482 {strides = array<i32>} : memref<128x64xf32, #tpu.memory_space<vmem>>, vector<1x16xf32>,
        %get3A_483 = arith.index_cast %scan3A_470 : i32 to index
        %get3A_484 = arith.constant 16 : index
        %get3A_485 = tpu.vector_load %arg9[%get3A_483, %get3A_484] {strides = array<i32>} : memref<128x64xf32, #tpu.memory_space<vmem>>, vector<1x16xf32>,
        %get3A_486 = vector.shape_cast %get3A_485 : vector<1x16xf32> to vector<16xf32>
        %mul3A_487 = arith.constant 8.000000e+00 : f32
        %mul3A_488 = vector.broadcast %mul3A_487 : f32 to vector<16xf32>
        %mul3A_489 = arith.mulf %get3A_486, %mul3A_488 : vector<16xf32>
        %swap3A_490 = arith.index_cast %scan3A_470 : i32 to index
        %swap3A_491 = arith.constant 16 : index
        %swap3A_492 = tpu.vector_load %arg9[%swap3A_490, %swap3A_491] {strides = array<i32>} : memref<128x64xf32, #tpu.memory_space<vmem>>, vector<1x16xf32>,
        %swap3A_493 = vector.shape_cast %swap3A_492 : vector<1x16xf32> to vector<16xf32>
        %swap3A_494 = vector.shape_cast %mul3A_489 : vector<16xf32> to vector<1x16xf32>
        tpu.vector_store %arg9[%swap3A_490, %swap3A_491], %swap3A_494 {strides = array<i32>} : memref<128x64xf32, #tpu.memory_space<vmem>>, vector<1x16xf32>,
        %get3A_495 = arith.index_cast %scan3A_470 : i32 to index
        %get3A_496 = arith.constant 32 : index
        %get3A_497 = tpu.vector_load %arg9[%get3A_495, %get3A_496] {strides = array<i32>} : memref<128x64xf32, #tpu.memory_space<vmem>>, vector<1x16xf32>,
        %get3A_498 = vector.shape_cast %get3A_497 : vector<1x16xf32> to vector<16xf32>
        %mul3A_499 = arith.constant 8.000000e+00 : f32
        %mul3A_500 = vector.broadcast %mul3A_499 : f32 to vector<16xf32>
        %mul3A_501 = arith.mulf %get3A_498, %mul3A_500 : vector<16xf32>
        %swap3A_502 = arith.index_cast %scan3A_470 : i32 to index
        %swap3A_503 = arith.constant 32 : index
        %swap3A_504 = tpu.vector_load %arg9[%swap3A_502, %swap3A_503] {strides = array<i32>} : memref<128x64xf32, #tpu.memory_space<vmem>>, vector<1x16xf32>,
        %swap3A_505 = vector.shape_cast %swap3A_504 : vector<1x16xf32> to vector<16xf32>
        %swap3A_506 = vector.shape_cast %mul3A_501 : vector<16xf32> to vector<1x16xf32>
        tpu.vector_store %arg9[%swap3A_502, %swap3A_503], %swap3A_506 {strides = array<i32>} : memref<128x64xf32, #tpu.memory_space<vmem>>, vector<1x16xf32>,
        %get3A_507 = arith.index_cast %scan3A_470 : i32 to index
        %get3A_508 = arith.constant 48 : index
        %get3A_509 = tpu.vector_load %arg9[%get3A_507, %get3A_508] {strides = array<i32>} : memref<128x64xf32, #tpu.memory_space<vmem>>, vector<1x16xf32>,
        %get3A_510 = vector.shape_cast %get3A_509 : vector<1x16xf32> to vector<16xf32>
        %mul3A_511 = arith.constant 8.000000e+00 : f32
        %mul3A_512 = vector.broadcast %mul3A_511 : f32 to vector<16xf32>
        %mul3A_513 = arith.mulf %get3A_510, %mul3A_512 : vector<16xf32>
        %swap3A_514 = arith.index_cast %scan3A_470 : i32 to index
        %swap3A_515 = arith.constant 48 : index
        %swap3A_516 = tpu.vector_load %arg9[%swap3A_514, %swap3A_515] {strides = array<i32>} : memref<128x64xf32, #tpu.memory_space<vmem>>, vector<1x16xf32>,
        %swap3A_517 = vector.shape_cast %swap3A_516 : vector<1x16xf32> to vector<16xf32>
        %swap3A_518 = vector.shape_cast %mul3A_513 : vector<16xf32> to vector<1x16xf32>
        tpu.vector_store %arg9[%swap3A_514, %swap3A_515], %swap3A_518 {strides = array<i32>} : memref<128x64xf32, #tpu.memory_space<vmem>>, vector<1x16xf32>,
      }
      %scan3A_187 = arith.constant 128 : i32
      %mul3A_188 = arith.constant 128 : i32
      %mul3A_189 = arith.muli %add3A_175, %mul3A_188 : i32
      %add3A_190 = arith.addi %mul3A_4, %mul3A_189 : i32
      %dma_start3A_191 = arith.constant 0 : i32
      %dma_start3A_192 = tpu.memref_slice %arg4[%add3A_190, %dma_start3A_191] : memref<819200x64xf32, #tpu.memory_space<hbm>> -> memref<128x64xf32, #tpu.memory_space<hbm>>
      %dma_start3A_193 = arith.constant 0 : i32
      %dma_start3A_194 = tpu.memref_slice %arg4[%add3A_190, %dma_start3A_193] : memref<819200x64xf32, #tpu.memory_space<hbm>> -> memref<128x64xf32, #tpu.memory_space<hbm>>
      tpu.enqueue_dma source(%arg9 : memref<128x64xf32, #tpu.memory_space<vmem>>) target(%dma_start3A_194 : memref<128x64xf32, #tpu.memory_space<hbm>>) target_semaphore(%arg25 : memref<!tpu.dma_semaphore, #tpu.memory_space<semaphore_mem>>)
      %add3A_195 = arith.constant 4 : i32
      %add3A_196 = arith.addi %add3A_175, %add3A_195 : i32
      %lt3A_197 = arith.constant 200 : i32
      %lt3A_198 = arith.cmpi slt, %add3A_196, %lt3A_197 : i32
      %convert_element_type3A_199 = arith.extui %lt3A_198 : i1 to i32
      %cond3A_200 = arith.constant 0 : i32
      %cond3A_201 = arith.cmpi ne, %convert_element_type3A_199, %cond3A_200 : i32
      scf.if %cond3A_201 {
        %ge3A = arith.constant 4 : i32
        %ge3A_322 = arith.cmpi sge, %add3A_175, %ge3A : i32
        %convert_element_type3A_323 = arith.extui %ge3A_322 : i1 to i32
        %cond3A_324 = arith.constant 0 : i32
        %cond3A_325 = arith.cmpi ne, %convert_element_type3A_323, %cond3A_324 : i32
        scf.if %cond3A_325 {
          %sub3A = arith.constant 4 : i32
          %sub3A_332 = arith.subi %add3A_175, %sub3A : i32
          %mul3A_333 = arith.constant 128 : i32
          %mul3A_334 = arith.muli %sub3A_332, %mul3A_333 : i32
          %add3A_335 = arith.addi %mul3A_4, %mul3A_334 : i32
          %dma_wait3A_336 = arith.constant 0 : i32
          %dma_wait3A_337 = tpu.memref_slice %arg4[%add3A_335, %dma_wait3A_336] : memref<819200x64xf32, #tpu.memory_space<hbm>> -> memref<128x64xf32, #tpu.memory_space<hbm>>
          %dma_wait3A_338 = arith.constant 0 : i32
          %dma_wait3A_339 = tpu.memref_slice %arg4[%add3A_335, %dma_wait3A_338] : memref<819200x64xf32, #tpu.memory_space<hbm>> -> memref<128x64xf32, #tpu.memory_space<hbm>>
          tpu.wait_dma2 semaphore(%arg29 : memref<!tpu.dma_semaphore, #tpu.memory_space<semaphore_mem>>) src(%arg13 : memref<128x64xf32, #tpu.memory_space<vmem>>) dst(%dma_wait3A_339 : memref<128x64xf32, #tpu.memory_space<hbm>>)
        } else {
        }
        %dma_start3A_326 = arith.constant 0 : i32
        %dma_start3A_327 = tpu.memref_slice %arg5[%add3A_196, %dma_start3A_326] : memref<200x128xi32, #tpu.memory_space<vmem>> -> memref<1x128xi32, #tpu.memory_space<vmem>>
        %dma_start3A_328 = tpu.memref_squeeze %dma_start3A_327 : memref<1x128xi32, #tpu.memory_space<vmem>> -> memref<128xi32, #tpu.memory_space<vmem>>
        %dma_start3A_329 = arith.constant 0 : i32
        %dma_start3A_330 = arith.constant 0 : i32
        %dma_start3A_331 = tpu.memref_slice %arg3[%dma_start3A_329, %dma_start3A_330] : memref<1000000x64xf32, #tpu.memory_space<hbm>> -> memref<1000000x64xf32, #tpu.memory_space<hbm>>
        tpu.enqueue_indirect_dma source(%dma_start3A_331 : memref<1000000x64xf32, #tpu.memory_space<hbm>>) target(%arg13 : memref<128x64xf32, #tpu.memory_space<vmem>>) offsets(%dma_start3A_328 : memref<128xi32, #tpu.memory_space<vmem>>) semaphore(%arg21 : memref<!tpu.dma_semaphore, #tpu.memory_space<semaphore_mem>>)
      } else {
      }
      %mul3A_202 = arith.constant 8 : i32
      %mul3A_203 = arith.muli %scan3A_84, %mul3A_202 : i32
      %add3A_204 = arith.constant 4 : i32
      %add3A_205 = arith.addi %mul3A_203, %add3A_204 : i32
      %dma_wait3A_206 = arith.constant 0 : i32
      %dma_wait3A_207 = tpu.memref_slice %arg5[%add3A_205, %dma_wait3A_206] : memref<200x128xi32, #tpu.memory_space<vmem>> -> memref<1x128xi32, #tpu.memory_space<vmem>>
      %dma_wait3A_208 = tpu.memref_squeeze %dma_wait3A_207 : memref<1x128xi32, #tpu.memory_space<vmem>> -> memref<128xi32, #tpu.memory_space<vmem>>
      %dma_wait3A_209 = arith.constant 0 : i32
      %dma_wait3A_210 = arith.constant 0 : i32
      %dma_wait3A_211 = tpu.memref_slice %arg3[%dma_wait3A_209, %dma_wait3A_210] : memref<1000000x64xf32, #tpu.memory_space<hbm>> -> memref<1000000x64xf32, #tpu.memory_space<hbm>>
      tpu.wait_indirect_dma semaphore(%arg18 : memref<!tpu.dma_semaphore, #tpu.memory_space<semaphore_mem>>) src(%dma_wait3A_211 : memref<1000000x64xf32, #tpu.memory_space<hbm>>) dst(%arg10 : memref<128x64xf32, #tpu.memory_space<vmem>>)
      %scan3A_212 = arith.constant 0 : i32
      %scan3A_213 = arith.constant 0 : i32
      %scan3A_214 = arith.constant 128 : i32
      %scan3A_215 = arith.addi %scan3A_213, %scan3A_214 : i32
      %scan3A_216 = arith.constant 4 : i32
      scf.for %scan3A_322 = %scan3A_213 to %scan3A_215 step %scan3A_216  : i32 {
        %get3A = arith.index_cast %scan3A_322 : i32 to index
        %get3A_323 = arith.constant 0 : index
        %get3A_324 = tpu.vector_load %arg10[%get3A, %get3A_323] {strides = array<i32>} : memref<128x64xf32, #tpu.memory_space<vmem>>, vector<1x16xf32>,
        %get3A_325 = vector.shape_cast %get3A_324 : vector<1x16xf32> to vector<16xf32>
        %mul3A_326 = arith.constant 8.000000e+00 : f32
        %mul3A_327 = vector.broadcast %mul3A_326 : f32 to vector<16xf32>
        %mul3A_328 = arith.mulf %get3A_325, %mul3A_327 : vector<16xf32>
        %swap3A = arith.index_cast %scan3A_322 : i32 to index
        %swap3A_329 = arith.constant 0 : index
        %swap3A_330 = tpu.vector_load %arg10[%swap3A, %swap3A_329] {strides = array<i32>} : memref<128x64xf32, #tpu.memory_space<vmem>>, vector<1x16xf32>,
        %swap3A_331 = vector.shape_cast %swap3A_330 : vector<1x16xf32> to vector<16xf32>
        %swap3A_332 = vector.shape_cast %mul3A_328 : vector<16xf32> to vector<1x16xf32>
        tpu.vector_store %arg10[%swap3A, %swap3A_329], %swap3A_332 {strides = array<i32>} : memref<128x64xf32, #tpu.memory_space<vmem>>, vector<1x16xf32>,
        %get3A_333 = arith.index_cast %scan3A_322 : i32 to index
        %get3A_334 = arith.constant 16 : index
        %get3A_335 = tpu.vector_load %arg10[%get3A_333, %get3A_334] {strides = array<i32>} : memref<128x64xf32, #tpu.memory_space<vmem>>, vector<1x16xf32>,
        %get3A_336 = vector.shape_cast %get3A_335 : vector<1x16xf32> to vector<16xf32>
        %mul3A_337 = arith.constant 8.000000e+00 : f32
        %mul3A_338 = vector.broadcast %mul3A_337 : f32 to vector<16xf32>
        %mul3A_339 = arith.mulf %get3A_336, %mul3A_338 : vector<16xf32>
        %swap3A_340 = arith.index_cast %scan3A_322 : i32 to index
        %swap3A_341 = arith.constant 16 : index
        %swap3A_342 = tpu.vector_load %arg10[%swap3A_340, %swap3A_341] {strides = array<i32>} : memref<128x64xf32, #tpu.memory_space<vmem>>, vector<1x16xf32>,
        %swap3A_343 = vector.shape_cast %swap3A_342 : vector<1x16xf32> to vector<16xf32>
        %swap3A_344 = vector.shape_cast %mul3A_339 : vector<16xf32> to vector<1x16xf32>
        tpu.vector_store %arg10[%swap3A_340, %swap3A_341], %swap3A_344 {strides = array<i32>} : memref<128x64xf32, #tpu.memory_space<vmem>>, vector<1x16xf32>,
        %get3A_345 = arith.index_cast %scan3A_322 : i32 to index
        %get3A_346 = arith.constant 32 : index
        %get3A_347 = tpu.vector_load %arg10[%get3A_345, %get3A_346] {strides = array<i32>} : memref<128x64xf32, #tpu.memory_space<vmem>>, vector<1x16xf32>,
        %get3A_348 = vector.shape_cast %get3A_347 : vector<1x16xf32> to vector<16xf32>
        %mul3A_349 = arith.constant 8.000000e+00 : f32
        %mul3A_350 = vector.broadcast %mul3A_349 : f32 to vector<16xf32>
        %mul3A_351 = arith.mulf %get3A_348, %mul3A_350 : vector<16xf32>
        %swap3A_352 = arith.index_cast %scan3A_322 : i32 to index
        %swap3A_353 = arith.constant 32 : index
        %swap3A_354 = tpu.vector_load %arg10[%swap3A_352, %swap3A_353] {strides = array<i32>} : memref<128x64xf32, #tpu.memory_space<vmem>>, vector<1x16xf32>,
        %swap3A_355 = vector.shape_cast %swap3A_354 : vector<1x16xf32> to vector<16xf32>
        %swap3A_356 = vector.shape_cast %mul3A_351 : vector<16xf32> to vector<1x16xf32>
        tpu.vector_store %arg10[%swap3A_352, %swap3A_353], %swap3A_356 {strides = array<i32>} : memref<128x64xf32, #tpu.memory_space<vmem>>, vector<1x16xf32>,
        %get3A_357 = arith.index_cast %scan3A_322 : i32 to index
        %get3A_358 = arith.constant 48 : index
        %get3A_359 = tpu.vector_load %arg10[%get3A_357, %get3A_358] {strides = array<i32>} : memref<128x64xf32, #tpu.memory_space<vmem>>, vector<1x16xf32>,
        %get3A_360 = vector.shape_cast %get3A_359 : vector<1x16xf32> to vector<16xf32>
        %mul3A_361 = arith.constant 8.000000e+00 : f32
        %mul3A_362 = vector.broadcast %mul3A_361 : f32 to vector<16xf32>
        %mul3A_363 = arith.mulf %get3A_360, %mul3A_362 : vector<16xf32>
        %swap3A_364 = arith.index_cast %scan3A_322 : i32 to index
        %swap3A_365 = arith.constant 48 : index
        %swap3A_366 = tpu.vector_load %arg10[%swap3A_364, %swap3A_365] {strides = array<i32>} : memref<128x64xf32, #tpu.memory_space<vmem>>, vector<1x16xf32>,
        %swap3A_367 = vector.shape_cast %swap3A_366 : vector<1x16xf32> to vector<16xf32>
        %swap3A_368 = vector.shape_cast %mul3A_363 : vector<16xf32> to vector<1x16xf32>
        tpu.vector_store %arg10[%swap3A_364, %swap3A_365], %swap3A_368 {strides = array<i32>} : memref<128x64xf32, #tpu.memory_space<vmem>>, vector<1x16xf32>,
        %scan3A_369 = arith.constant 1 : i32
        %scan3A_370 = arith.addi %scan3A_322, %scan3A_369 : i32
        %get3A_371 = arith.index_cast %scan3A_370 : i32 to index
        %get3A_372 = arith.constant 0 : index
        %get3A_373 = tpu.vector_load %arg10[%get3A_371, %get3A_372] {strides = array<i32>} : memref<128x64xf32, #tpu.memory_space<vmem>>, vector<1x16xf32>,
        %get3A_374 = vector.shape_cast %get3A_373 : vector<1x16xf32> to vector<16xf32>
        %mul3A_375 = arith.constant 8.000000e+00 : f32
        %mul3A_376 = vector.broadcast %mul3A_375 : f32 to vector<16xf32>
        %mul3A_377 = arith.mulf %get3A_374, %mul3A_376 : vector<16xf32>
        %swap3A_378 = arith.index_cast %scan3A_370 : i32 to index
        %swap3A_379 = arith.constant 0 : index
        %swap3A_380 = tpu.vector_load %arg10[%swap3A_378, %swap3A_379] {strides = array<i32>} : memref<128x64xf32, #tpu.memory_space<vmem>>, vector<1x16xf32>,
        %swap3A_381 = vector.shape_cast %swap3A_380 : vector<1x16xf32> to vector<16xf32>
        %swap3A_382 = vector.shape_cast %mul3A_377 : vector<16xf32> to vector<1x16xf32>
        tpu.vector_store %arg10[%swap3A_378, %swap3A_379], %swap3A_382 {strides = array<i32>} : memref<128x64xf32, #tpu.memory_space<vmem>>, vector<1x16xf32>,
        %get3A_383 = arith.index_cast %scan3A_370 : i32 to index
        %get3A_384 = arith.constant 16 : index
        %get3A_385 = tpu.vector_load %arg10[%get3A_383, %get3A_384] {strides = array<i32>} : memref<128x64xf32, #tpu.memory_space<vmem>>, vector<1x16xf32>,
        %get3A_386 = vector.shape_cast %get3A_385 : vector<1x16xf32> to vector<16xf32>
        %mul3A_387 = arith.constant 8.000000e+00 : f32
        %mul3A_388 = vector.broadcast %mul3A_387 : f32 to vector<16xf32>
        %mul3A_389 = arith.mulf %get3A_386, %mul3A_388 : vector<16xf32>
        %swap3A_390 = arith.index_cast %scan3A_370 : i32 to index
        %swap3A_391 = arith.constant 16 : index
        %swap3A_392 = tpu.vector_load %arg10[%swap3A_390, %swap3A_391] {strides = array<i32>} : memref<128x64xf32, #tpu.memory_space<vmem>>, vector<1x16xf32>,
        %swap3A_393 = vector.shape_cast %swap3A_392 : vector<1x16xf32> to vector<16xf32>
        %swap3A_394 = vector.shape_cast %mul3A_389 : vector<16xf32> to vector<1x16xf32>
        tpu.vector_store %arg10[%swap3A_390, %swap3A_391], %swap3A_394 {strides = array<i32>} : memref<128x64xf32, #tpu.memory_space<vmem>>, vector<1x16xf32>,
        %get3A_395 = arith.index_cast %scan3A_370 : i32 to index
        %get3A_396 = arith.constant 32 : index
        %get3A_397 = tpu.vector_load %arg10[%get3A_395, %get3A_396] {strides = array<i32>} : memref<128x64xf32, #tpu.memory_space<vmem>>, vector<1x16xf32>,
        %get3A_398 = vector.shape_cast %get3A_397 : vector<1x16xf32> to vector<16xf32>
        %mul3A_399 = arith.constant 8.000000e+00 : f32
        %mul3A_400 = vector.broadcast %mul3A_399 : f32 to vector<16xf32>
        %mul3A_401 = arith.mulf %get3A_398, %mul3A_400 : vector<16xf32>
        %swap3A_402 = arith.index_cast %scan3A_370 : i32 to index
        %swap3A_403 = arith.constant 32 : index
        %swap3A_404 = tpu.vector_load %arg10[%swap3A_402, %swap3A_403] {strides = array<i32>} : memref<128x64xf32, #tpu.memory_space<vmem>>, vector<1x16xf32>,
        %swap3A_405 = vector.shape_cast %swap3A_404 : vector<1x16xf32> to vector<16xf32>
        %swap3A_406 = vector.shape_cast %mul3A_401 : vector<16xf32> to vector<1x16xf32>
        tpu.vector_store %arg10[%swap3A_402, %swap3A_403], %swap3A_406 {strides = array<i32>} : memref<128x64xf32, #tpu.memory_space<vmem>>, vector<1x16xf32>,
        %get3A_407 = arith.index_cast %scan3A_370 : i32 to index
        %get3A_408 = arith.constant 48 : index
        %get3A_409 = tpu.vector_load %arg10[%get3A_407, %get3A_408] {strides = array<i32>} : memref<128x64xf32, #tpu.memory_space<vmem>>, vector<1x16xf32>,
        %get3A_410 = vector.shape_cast %get3A_409 : vector<1x16xf32> to vector<16xf32>
        %mul3A_411 = arith.constant 8.000000e+00 : f32
        %mul3A_412 = vector.broadcast %mul3A_411 : f32 to vector<16xf32>
        %mul3A_413 = arith.mulf %get3A_410, %mul3A_412 : vector<16xf32>
        %swap3A_414 = arith.index_cast %scan3A_370 : i32 to index
        %swap3A_415 = arith.constant 48 : index
        %swap3A_416 = tpu.vector_load %arg10[%swap3A_414, %swap3A_415] {strides = array<i32>} : memref<128x64xf32, #tpu.memory_space<vmem>>, vector<1x16xf32>,
        %swap3A_417 = vector.shape_cast %swap3A_416 : vector<1x16xf32> to vector<16xf32>
        %swap3A_418 = vector.shape_cast %mul3A_413 : vector<16xf32> to vector<1x16xf32>
        tpu.vector_store %arg10[%swap3A_414, %swap3A_415], %swap3A_418 {strides = array<i32>} : memref<128x64xf32, #tpu.memory_space<vmem>>, vector<1x16xf32>,
        %scan3A_419 = arith.constant 2 : i32
        %scan3A_420 = arith.addi %scan3A_322, %scan3A_419 : i32
        %get3A_421 = arith.index_cast %scan3A_420 : i32 to index
        %get3A_422 = arith.constant 0 : index
        %get3A_423 = tpu.vector_load %arg10[%get3A_421, %get3A_422] {strides = array<i32>} : memref<128x64xf32, #tpu.memory_space<vmem>>, vector<1x16xf32>,
        %get3A_424 = vector.shape_cast %get3A_423 : vector<1x16xf32> to vector<16xf32>
        %mul3A_425 = arith.constant 8.000000e+00 : f32
        %mul3A_426 = vector.broadcast %mul3A_425 : f32 to vector<16xf32>
        %mul3A_427 = arith.mulf %get3A_424, %mul3A_426 : vector<16xf32>
        %swap3A_428 = arith.index_cast %scan3A_420 : i32 to index
        %swap3A_429 = arith.constant 0 : index
        %swap3A_430 = tpu.vector_load %arg10[%swap3A_428, %swap3A_429] {strides = array<i32>} : memref<128x64xf32, #tpu.memory_space<vmem>>, vector<1x16xf32>,
        %swap3A_431 = vector.shape_cast %swap3A_430 : vector<1x16xf32> to vector<16xf32>
        %swap3A_432 = vector.shape_cast %mul3A_427 : vector<16xf32> to vector<1x16xf32>
        tpu.vector_store %arg10[%swap3A_428, %swap3A_429], %swap3A_432 {strides = array<i32>} : memref<128x64xf32, #tpu.memory_space<vmem>>, vector<1x16xf32>,
        %get3A_433 = arith.index_cast %scan3A_420 : i32 to index
        %get3A_434 = arith.constant 16 : index
        %get3A_435 = tpu.vector_load %arg10[%get3A_433, %get3A_434] {strides = array<i32>} : memref<128x64xf32, #tpu.memory_space<vmem>>, vector<1x16xf32>,
        %get3A_436 = vector.shape_cast %get3A_435 : vector<1x16xf32> to vector<16xf32>
        %mul3A_437 = arith.constant 8.000000e+00 : f32
        %mul3A_438 = vector.broadcast %mul3A_437 : f32 to vector<16xf32>
        %mul3A_439 = arith.mulf %get3A_436, %mul3A_438 : vector<16xf32>
        %swap3A_440 = arith.index_cast %scan3A_420 : i32 to index
        %swap3A_441 = arith.constant 16 : index
        %swap3A_442 = tpu.vector_load %arg10[%swap3A_440, %swap3A_441] {strides = array<i32>} : memref<128x64xf32, #tpu.memory_space<vmem>>, vector<1x16xf32>,
        %swap3A_443 = vector.shape_cast %swap3A_442 : vector<1x16xf32> to vector<16xf32>
        %swap3A_444 = vector.shape_cast %mul3A_439 : vector<16xf32> to vector<1x16xf32>
        tpu.vector_store %arg10[%swap3A_440, %swap3A_441], %swap3A_444 {strides = array<i32>} : memref<128x64xf32, #tpu.memory_space<vmem>>, vector<1x16xf32>,
        %get3A_445 = arith.index_cast %scan3A_420 : i32 to index
        %get3A_446 = arith.constant 32 : index
        %get3A_447 = tpu.vector_load %arg10[%get3A_445, %get3A_446] {strides = array<i32>} : memref<128x64xf32, #tpu.memory_space<vmem>>, vector<1x16xf32>,
        %get3A_448 = vector.shape_cast %get3A_447 : vector<1x16xf32> to vector<16xf32>
        %mul3A_449 = arith.constant 8.000000e+00 : f32
        %mul3A_450 = vector.broadcast %mul3A_449 : f32 to vector<16xf32>
        %mul3A_451 = arith.mulf %get3A_448, %mul3A_450 : vector<16xf32>
        %swap3A_452 = arith.index_cast %scan3A_420 : i32 to index
        %swap3A_453 = arith.constant 32 : index
        %swap3A_454 = tpu.vector_load %arg10[%swap3A_452, %swap3A_453] {strides = array<i32>} : memref<128x64xf32, #tpu.memory_space<vmem>>, vector<1x16xf32>,
        %swap3A_455 = vector.shape_cast %swap3A_454 : vector<1x16xf32> to vector<16xf32>
        %swap3A_456 = vector.shape_cast %mul3A_451 : vector<16xf32> to vector<1x16xf32>
        tpu.vector_store %arg10[%swap3A_452, %swap3A_453], %swap3A_456 {strides = array<i32>} : memref<128x64xf32, #tpu.memory_space<vmem>>, vector<1x16xf32>,
        %get3A_457 = arith.index_cast %scan3A_420 : i32 to index
        %get3A_458 = arith.constant 48 : index
        %get3A_459 = tpu.vector_load %arg10[%get3A_457, %get3A_458] {strides = array<i32>} : memref<128x64xf32, #tpu.memory_space<vmem>>, vector<1x16xf32>,
        %get3A_460 = vector.shape_cast %get3A_459 : vector<1x16xf32> to vector<16xf32>
        %mul3A_461 = arith.constant 8.000000e+00 : f32
        %mul3A_462 = vector.broadcast %mul3A_461 : f32 to vector<16xf32>
        %mul3A_463 = arith.mulf %get3A_460, %mul3A_462 : vector<16xf32>
        %swap3A_464 = arith.index_cast %scan3A_420 : i32 to index
        %swap3A_465 = arith.constant 48 : index
        %swap3A_466 = tpu.vector_load %arg10[%swap3A_464, %swap3A_465] {strides = array<i32>} : memref<128x64xf32, #tpu.memory_space<vmem>>, vector<1x16xf32>,
        %swap3A_467 = vector.shape_cast %swap3A_466 : vector<1x16xf32> to vector<16xf32>
        %swap3A_468 = vector.shape_cast %mul3A_463 : vector<16xf32> to vector<1x16xf32>
        tpu.vector_store %arg10[%swap3A_464, %swap3A_465], %swap3A_468 {strides = array<i32>} : memref<128x64xf32, #tpu.memory_space<vmem>>, vector<1x16xf32>,
        %scan3A_469 = arith.constant 3 : i32
        %scan3A_470 = arith.addi %scan3A_322, %scan3A_469 : i32
        %get3A_471 = arith.index_cast %scan3A_470 : i32 to index
        %get3A_472 = arith.constant 0 : index
        %get3A_473 = tpu.vector_load %arg10[%get3A_471, %get3A_472] {strides = array<i32>} : memref<128x64xf32, #tpu.memory_space<vmem>>, vector<1x16xf32>,
        %get3A_474 = vector.shape_cast %get3A_473 : vector<1x16xf32> to vector<16xf32>
        %mul3A_475 = arith.constant 8.000000e+00 : f32
        %mul3A_476 = vector.broadcast %mul3A_475 : f32 to vector<16xf32>
        %mul3A_477 = arith.mulf %get3A_474, %mul3A_476 : vector<16xf32>
        %swap3A_478 = arith.index_cast %scan3A_470 : i32 to index
        %swap3A_479 = arith.constant 0 : index
        %swap3A_480 = tpu.vector_load %arg10[%swap3A_478, %swap3A_479] {strides = array<i32>} : memref<128x64xf32, #tpu.memory_space<vmem>>, vector<1x16xf32>,
        %swap3A_481 = vector.shape_cast %swap3A_480 : vector<1x16xf32> to vector<16xf32>
        %swap3A_482 = vector.shape_cast %mul3A_477 : vector<16xf32> to vector<1x16xf32>
        tpu.vector_store %arg10[%swap3A_478, %swap3A_479], %swap3A_482 {strides = array<i32>} : memref<128x64xf32, #tpu.memory_space<vmem>>, vector<1x16xf32>,
        %get3A_483 = arith.index_cast %scan3A_470 : i32 to index
        %get3A_484 = arith.constant 16 : index
        %get3A_485 = tpu.vector_load %arg10[%get3A_483, %get3A_484] {strides = array<i32>} : memref<128x64xf32, #tpu.memory_space<vmem>>, vector<1x16xf32>,
        %get3A_486 = vector.shape_cast %get3A_485 : vector<1x16xf32> to vector<16xf32>
        %mul3A_487 = arith.constant 8.000000e+00 : f32
        %mul3A_488 = vector.broadcast %mul3A_487 : f32 to vector<16xf32>
        %mul3A_489 = arith.mulf %get3A_486, %mul3A_488 : vector<16xf32>
        %swap3A_490 = arith.index_cast %scan3A_470 : i32 to index
        %swap3A_491 = arith.constant 16 : index
        %swap3A_492 = tpu.vector_load %arg10[%swap3A_490, %swap3A_491] {strides = array<i32>} : memref<128x64xf32, #tpu.memory_space<vmem>>, vector<1x16xf32>,
        %swap3A_493 = vector.shape_cast %swap3A_492 : vector<1x16xf32> to vector<16xf32>
        %swap3A_494 = vector.shape_cast %mul3A_489 : vector<16xf32> to vector<1x16xf32>
        tpu.vector_store %arg10[%swap3A_490, %swap3A_491], %swap3A_494 {strides = array<i32>} : memref<128x64xf32, #tpu.memory_space<vmem>>, vector<1x16xf32>,
        %get3A_495 = arith.index_cast %scan3A_470 : i32 to index
        %get3A_496 = arith.constant 32 : index
        %get3A_497 = tpu.vector_load %arg10[%get3A_495, %get3A_496] {strides = array<i32>} : memref<128x64xf32, #tpu.memory_space<vmem>>, vector<1x16xf32>,
        %get3A_498 = vector.shape_cast %get3A_497 : vector<1x16xf32> to vector<16xf32>
        %mul3A_499 = arith.constant 8.000000e+00 : f32
        %mul3A_500 = vector.broadcast %mul3A_499 : f32 to vector<16xf32>
        %mul3A_501 = arith.mulf %get3A_498, %mul3A_500 : vector<16xf32>
        %swap3A_502 = arith.index_cast %scan3A_470 : i32 to index
        %swap3A_503 = arith.constant 32 : index
        %swap3A_504 = tpu.vector_load %arg10[%swap3A_502, %swap3A_503] {strides = array<i32>} : memref<128x64xf32, #tpu.memory_space<vmem>>, vector<1x16xf32>,
        %swap3A_505 = vector.shape_cast %swap3A_504 : vector<1x16xf32> to vector<16xf32>
        %swap3A_506 = vector.shape_cast %mul3A_501 : vector<16xf32> to vector<1x16xf32>
        tpu.vector_store %arg10[%swap3A_502, %swap3A_503], %swap3A_506 {strides = array<i32>} : memref<128x64xf32, #tpu.memory_space<vmem>>, vector<1x16xf32>,
        %get3A_507 = arith.index_cast %scan3A_470 : i32 to index
        %get3A_508 = arith.constant 48 : index
        %get3A_509 = tpu.vector_load %arg10[%get3A_507, %get3A_508] {strides = array<i32>} : memref<128x64xf32, #tpu.memory_space<vmem>>, vector<1x16xf32>,
        %get3A_510 = vector.shape_cast %get3A_509 : vector<1x16xf32> to vector<16xf32>
        %mul3A_511 = arith.constant 8.000000e+00 : f32
        %mul3A_512 = vector.broadcast %mul3A_511 : f32 to vector<16xf32>
        %mul3A_513 = arith.mulf %get3A_510, %mul3A_512 : vector<16xf32>
        %swap3A_514 = arith.index_cast %scan3A_470 : i32 to index
        %swap3A_515 = arith.constant 48 : index
        %swap3A_516 = tpu.vector_load %arg10[%swap3A_514, %swap3A_515] {strides = array<i32>} : memref<128x64xf32, #tpu.memory_space<vmem>>, vector<1x16xf32>,
        %swap3A_517 = vector.shape_cast %swap3A_516 : vector<1x16xf32> to vector<16xf32>
        %swap3A_518 = vector.shape_cast %mul3A_513 : vector<16xf32> to vector<1x16xf32>
        tpu.vector_store %arg10[%swap3A_514, %swap3A_515], %swap3A_518 {strides = array<i32>} : memref<128x64xf32, #tpu.memory_space<vmem>>, vector<1x16xf32>,
      }
      %scan3A_217 = arith.constant 128 : i32
      %mul3A_218 = arith.constant 128 : i32
      %mul3A_219 = arith.muli %add3A_205, %mul3A_218 : i32
      %add3A_220 = arith.addi %mul3A_4, %mul3A_219 : i32
      %dma_start3A_221 = arith.constant 0 : i32
      %dma_start3A_222 = tpu.memref_slice %arg4[%add3A_220, %dma_start3A_221] : memref<819200x64xf32, #tpu.memory_space<hbm>> -> memref<128x64xf32, #tpu.memory_space<hbm>>
      %dma_start3A_223 = arith.constant 0 : i32
      %dma_start3A_224 = tpu.memref_slice %arg4[%add3A_220, %dma_start3A_223] : memref<819200x64xf32, #tpu.memory_space<hbm>> -> memref<128x64xf32, #tpu.memory_space<hbm>>
      tpu.enqueue_dma source(%arg10 : memref<128x64xf32, #tpu.memory_space<vmem>>) target(%dma_start3A_224 : memref<128x64xf32, #tpu.memory_space<hbm>>) target_semaphore(%arg26 : memref<!tpu.dma_semaphore, #tpu.memory_space<semaphore_mem>>)
      %add3A_225 = arith.constant 4 : i32
      %add3A_226 = arith.addi %add3A_205, %add3A_225 : i32
      %lt3A_227 = arith.constant 200 : i32
      %lt3A_228 = arith.cmpi slt, %add3A_226, %lt3A_227 : i32
      %convert_element_type3A_229 = arith.extui %lt3A_228 : i1 to i32
      %cond3A_230 = arith.constant 0 : i32
      %cond3A_231 = arith.cmpi ne, %convert_element_type3A_229, %cond3A_230 : i32
      scf.if %cond3A_231 {
        %ge3A = arith.constant 4 : i32
        %ge3A_322 = arith.cmpi sge, %add3A_205, %ge3A : i32
        %convert_element_type3A_323 = arith.extui %ge3A_322 : i1 to i32
        %cond3A_324 = arith.constant 0 : i32
        %cond3A_325 = arith.cmpi ne, %convert_element_type3A_323, %cond3A_324 : i32
        scf.if %cond3A_325 {
          %sub3A = arith.constant 4 : i32
          %sub3A_332 = arith.subi %add3A_205, %sub3A : i32
          %mul3A_333 = arith.constant 128 : i32
          %mul3A_334 = arith.muli %sub3A_332, %mul3A_333 : i32
          %add3A_335 = arith.addi %mul3A_4, %mul3A_334 : i32
          %dma_wait3A_336 = arith.constant 0 : i32
          %dma_wait3A_337 = tpu.memref_slice %arg4[%add3A_335, %dma_wait3A_336] : memref<819200x64xf32, #tpu.memory_space<hbm>> -> memref<128x64xf32, #tpu.memory_space<hbm>>
          %dma_wait3A_338 = arith.constant 0 : i32
          %dma_wait3A_339 = tpu.memref_slice %arg4[%add3A_335, %dma_wait3A_338] : memref<819200x64xf32, #tpu.memory_space<hbm>> -> memref<128x64xf32, #tpu.memory_space<hbm>>
          tpu.wait_dma2 semaphore(%arg22 : memref<!tpu.dma_semaphore, #tpu.memory_space<semaphore_mem>>) src(%arg6 : memref<128x64xf32, #tpu.memory_space<vmem>>) dst(%dma_wait3A_339 : memref<128x64xf32, #tpu.memory_space<hbm>>)
        } else {
        }
        %dma_start3A_326 = arith.constant 0 : i32
        %dma_start3A_327 = tpu.memref_slice %arg5[%add3A_226, %dma_start3A_326] : memref<200x128xi32, #tpu.memory_space<vmem>> -> memref<1x128xi32, #tpu.memory_space<vmem>>
        %dma_start3A_328 = tpu.memref_squeeze %dma_start3A_327 : memref<1x128xi32, #tpu.memory_space<vmem>> -> memref<128xi32, #tpu.memory_space<vmem>>
        %dma_start3A_329 = arith.constant 0 : i32
        %dma_start3A_330 = arith.constant 0 : i32
        %dma_start3A_331 = tpu.memref_slice %arg3[%dma_start3A_329, %dma_start3A_330] : memref<1000000x64xf32, #tpu.memory_space<hbm>> -> memref<1000000x64xf32, #tpu.memory_space<hbm>>
        tpu.enqueue_indirect_dma source(%dma_start3A_331 : memref<1000000x64xf32, #tpu.memory_space<hbm>>) target(%arg6 : memref<128x64xf32, #tpu.memory_space<vmem>>) offsets(%dma_start3A_328 : memref<128xi32, #tpu.memory_space<vmem>>) semaphore(%arg14 : memref<!tpu.dma_semaphore, #tpu.memory_space<semaphore_mem>>)
      } else {
      }
      %mul3A_232 = arith.constant 8 : i32
      %mul3A_233 = arith.muli %scan3A_84, %mul3A_232 : i32
      %add3A_234 = arith.constant 5 : i32
      %add3A_235 = arith.addi %mul3A_233, %add3A_234 : i32
      %dma_wait3A_236 = arith.constant 0 : i32
      %dma_wait3A_237 = tpu.memref_slice %arg5[%add3A_235, %dma_wait3A_236] : memref<200x128xi32, #tpu.memory_space<vmem>> -> memref<1x128xi32, #tpu.memory_space<vmem>>
      %dma_wait3A_238 = tpu.memref_squeeze %dma_wait3A_237 : memref<1x128xi32, #tpu.memory_space<vmem>> -> memref<128xi32, #tpu.memory_space<vmem>>
      %dma_wait3A_239 = arith.constant 0 : i32
      %dma_wait3A_240 = arith.constant 0 : i32
      %dma_wait3A_241 = tpu.memref_slice %arg3[%dma_wait3A_239, %dma_wait3A_240] : memref<1000000x64xf32, #tpu.memory_space<hbm>> -> memref<1000000x64xf32, #tpu.memory_space<hbm>>
      tpu.wait_indirect_dma semaphore(%arg19 : memref<!tpu.dma_semaphore, #tpu.memory_space<semaphore_mem>>) src(%dma_wait3A_241 : memref<1000000x64xf32, #tpu.memory_space<hbm>>) dst(%arg11 : memref<128x64xf32, #tpu.memory_space<vmem>>)
      %scan3A_242 = arith.constant 0 : i32
      %scan3A_243 = arith.constant 0 : i32
      %scan3A_244 = arith.constant 128 : i32
      %scan3A_245 = arith.addi %scan3A_243, %scan3A_244 : i32
      %scan3A_246 = arith.constant 4 : i32
      scf.for %scan3A_322 = %scan3A_243 to %scan3A_245 step %scan3A_246  : i32 {
        %get3A = arith.index_cast %scan3A_322 : i32 to index
        %get3A_323 = arith.constant 0 : index
        %get3A_324 = tpu.vector_load %arg11[%get3A, %get3A_323] {strides = array<i32>} : memref<128x64xf32, #tpu.memory_space<vmem>>, vector<1x16xf32>,
        %get3A_325 = vector.shape_cast %get3A_324 : vector<1x16xf32> to vector<16xf32>
        %mul3A_326 = arith.constant 8.000000e+00 : f32
        %mul3A_327 = vector.broadcast %mul3A_326 : f32 to vector<16xf32>
        %mul3A_328 = arith.mulf %get3A_325, %mul3A_327 : vector<16xf32>
        %swap3A = arith.index_cast %scan3A_322 : i32 to index
        %swap3A_329 = arith.constant 0 : index
        %swap3A_330 = tpu.vector_load %arg11[%swap3A, %swap3A_329] {strides = array<i32>} : memref<128x64xf32, #tpu.memory_space<vmem>>, vector<1x16xf32>,
        %swap3A_331 = vector.shape_cast %swap3A_330 : vector<1x16xf32> to vector<16xf32>
        %swap3A_332 = vector.shape_cast %mul3A_328 : vector<16xf32> to vector<1x16xf32>
        tpu.vector_store %arg11[%swap3A, %swap3A_329], %swap3A_332 {strides = array<i32>} : memref<128x64xf32, #tpu.memory_space<vmem>>, vector<1x16xf32>,
        %get3A_333 = arith.index_cast %scan3A_322 : i32 to index
        %get3A_334 = arith.constant 16 : index
        %get3A_335 = tpu.vector_load %arg11[%get3A_333, %get3A_334] {strides = array<i32>} : memref<128x64xf32, #tpu.memory_space<vmem>>, vector<1x16xf32>,
        %get3A_336 = vector.shape_cast %get3A_335 : vector<1x16xf32> to vector<16xf32>
        %mul3A_337 = arith.constant 8.000000e+00 : f32
        %mul3A_338 = vector.broadcast %mul3A_337 : f32 to vector<16xf32>
        %mul3A_339 = arith.mulf %get3A_336, %mul3A_338 : vector<16xf32>
        %swap3A_340 = arith.index_cast %scan3A_322 : i32 to index
        %swap3A_341 = arith.constant 16 : index
        %swap3A_342 = tpu.vector_load %arg11[%swap3A_340, %swap3A_341] {strides = array<i32>} : memref<128x64xf32, #tpu.memory_space<vmem>>, vector<1x16xf32>,
        %swap3A_343 = vector.shape_cast %swap3A_342 : vector<1x16xf32> to vector<16xf32>
        %swap3A_344 = vector.shape_cast %mul3A_339 : vector<16xf32> to vector<1x16xf32>
        tpu.vector_store %arg11[%swap3A_340, %swap3A_341], %swap3A_344 {strides = array<i32>} : memref<128x64xf32, #tpu.memory_space<vmem>>, vector<1x16xf32>,
        %get3A_345 = arith.index_cast %scan3A_322 : i32 to index
        %get3A_346 = arith.constant 32 : index
        %get3A_347 = tpu.vector_load %arg11[%get3A_345, %get3A_346] {strides = array<i32>} : memref<128x64xf32, #tpu.memory_space<vmem>>, vector<1x16xf32>,
        %get3A_348 = vector.shape_cast %get3A_347 : vector<1x16xf32> to vector<16xf32>
        %mul3A_349 = arith.constant 8.000000e+00 : f32
        %mul3A_350 = vector.broadcast %mul3A_349 : f32 to vector<16xf32>
        %mul3A_351 = arith.mulf %get3A_348, %mul3A_350 : vector<16xf32>
        %swap3A_352 = arith.index_cast %scan3A_322 : i32 to index
        %swap3A_353 = arith.constant 32 : index
        %swap3A_354 = tpu.vector_load %arg11[%swap3A_352, %swap3A_353] {strides = array<i32>} : memref<128x64xf32, #tpu.memory_space<vmem>>, vector<1x16xf32>,
        %swap3A_355 = vector.shape_cast %swap3A_354 : vector<1x16xf32> to vector<16xf32>
        %swap3A_356 = vector.shape_cast %mul3A_351 : vector<16xf32> to vector<1x16xf32>
        tpu.vector_store %arg11[%swap3A_352, %swap3A_353], %swap3A_356 {strides = array<i32>} : memref<128x64xf32, #tpu.memory_space<vmem>>, vector<1x16xf32>,
        %get3A_357 = arith.index_cast %scan3A_322 : i32 to index
        %get3A_358 = arith.constant 48 : index
        %get3A_359 = tpu.vector_load %arg11[%get3A_357, %get3A_358] {strides = array<i32>} : memref<128x64xf32, #tpu.memory_space<vmem>>, vector<1x16xf32>,
        %get3A_360 = vector.shape_cast %get3A_359 : vector<1x16xf32> to vector<16xf32>
        %mul3A_361 = arith.constant 8.000000e+00 : f32
        %mul3A_362 = vector.broadcast %mul3A_361 : f32 to vector<16xf32>
        %mul3A_363 = arith.mulf %get3A_360, %mul3A_362 : vector<16xf32>
        %swap3A_364 = arith.index_cast %scan3A_322 : i32 to index
        %swap3A_365 = arith.constant 48 : index
        %swap3A_366 = tpu.vector_load %arg11[%swap3A_364, %swap3A_365] {strides = array<i32>} : memref<128x64xf32, #tpu.memory_space<vmem>>, vector<1x16xf32>,
        %swap3A_367 = vector.shape_cast %swap3A_366 : vector<1x16xf32> to vector<16xf32>
        %swap3A_368 = vector.shape_cast %mul3A_363 : vector<16xf32> to vector<1x16xf32>
        tpu.vector_store %arg11[%swap3A_364, %swap3A_365], %swap3A_368 {strides = array<i32>} : memref<128x64xf32, #tpu.memory_space<vmem>>, vector<1x16xf32>,
        %scan3A_369 = arith.constant 1 : i32
        %scan3A_370 = arith.addi %scan3A_322, %scan3A_369 : i32
        %get3A_371 = arith.index_cast %scan3A_370 : i32 to index
        %get3A_372 = arith.constant 0 : index
        %get3A_373 = tpu.vector_load %arg11[%get3A_371, %get3A_372] {strides = array<i32>} : memref<128x64xf32, #tpu.memory_space<vmem>>, vector<1x16xf32>,
        %get3A_374 = vector.shape_cast %get3A_373 : vector<1x16xf32> to vector<16xf32>
        %mul3A_375 = arith.constant 8.000000e+00 : f32
        %mul3A_376 = vector.broadcast %mul3A_375 : f32 to vector<16xf32>
        %mul3A_377 = arith.mulf %get3A_374, %mul3A_376 : vector<16xf32>
        %swap3A_378 = arith.index_cast %scan3A_370 : i32 to index
        %swap3A_379 = arith.constant 0 : index
        %swap3A_380 = tpu.vector_load %arg11[%swap3A_378, %swap3A_379] {strides = array<i32>} : memref<128x64xf32, #tpu.memory_space<vmem>>, vector<1x16xf32>,
        %swap3A_381 = vector.shape_cast %swap3A_380 : vector<1x16xf32> to vector<16xf32>
        %swap3A_382 = vector.shape_cast %mul3A_377 : vector<16xf32> to vector<1x16xf32>
        tpu.vector_store %arg11[%swap3A_378, %swap3A_379], %swap3A_382 {strides = array<i32>} : memref<128x64xf32, #tpu.memory_space<vmem>>, vector<1x16xf32>,
        %get3A_383 = arith.index_cast %scan3A_370 : i32 to index
        %get3A_384 = arith.constant 16 : index
        %get3A_385 = tpu.vector_load %arg11[%get3A_383, %get3A_384] {strides = array<i32>} : memref<128x64xf32, #tpu.memory_space<vmem>>, vector<1x16xf32>,
        %get3A_386 = vector.shape_cast %get3A_385 : vector<1x16xf32> to vector<16xf32>
        %mul3A_387 = arith.constant 8.000000e+00 : f32
        %mul3A_388 = vector.broadcast %mul3A_387 : f32 to vector<16xf32>
        %mul3A_389 = arith.mulf %get3A_386, %mul3A_388 : vector<16xf32>
        %swap3A_390 = arith.index_cast %scan3A_370 : i32 to index
        %swap3A_391 = arith.constant 16 : index
        %swap3A_392 = tpu.vector_load %arg11[%swap3A_390, %swap3A_391] {strides = array<i32>} : memref<128x64xf32, #tpu.memory_space<vmem>>, vector<1x16xf32>,
        %swap3A_393 = vector.shape_cast %swap3A_392 : vector<1x16xf32> to vector<16xf32>
        %swap3A_394 = vector.shape_cast %mul3A_389 : vector<16xf32> to vector<1x16xf32>
        tpu.vector_store %arg11[%swap3A_390, %swap3A_391], %swap3A_394 {strides = array<i32>} : memref<128x64xf32, #tpu.memory_space<vmem>>, vector<1x16xf32>,
        %get3A_395 = arith.index_cast %scan3A_370 : i32 to index
        %get3A_396 = arith.constant 32 : index
        %get3A_397 = tpu.vector_load %arg11[%get3A_395, %get3A_396] {strides = array<i32>} : memref<128x64xf32, #tpu.memory_space<vmem>>, vector<1x16xf32>,
        %get3A_398 = vector.shape_cast %get3A_397 : vector<1x16xf32> to vector<16xf32>
        %mul3A_399 = arith.constant 8.000000e+00 : f32
        %mul3A_400 = vector.broadcast %mul3A_399 : f32 to vector<16xf32>
        %mul3A_401 = arith.mulf %get3A_398, %mul3A_400 : vector<16xf32>
        %swap3A_402 = arith.index_cast %scan3A_370 : i32 to index
        %swap3A_403 = arith.constant 32 : index
        %swap3A_404 = tpu.vector_load %arg11[%swap3A_402, %swap3A_403] {strides = array<i32>} : memref<128x64xf32, #tpu.memory_space<vmem>>, vector<1x16xf32>,
        %swap3A_405 = vector.shape_cast %swap3A_404 : vector<1x16xf32> to vector<16xf32>
        %swap3A_406 = vector.shape_cast %mul3A_401 : vector<16xf32> to vector<1x16xf32>
        tpu.vector_store %arg11[%swap3A_402, %swap3A_403], %swap3A_406 {strides = array<i32>} : memref<128x64xf32, #tpu.memory_space<vmem>>, vector<1x16xf32>,
        %get3A_407 = arith.index_cast %scan3A_370 : i32 to index
        %get3A_408 = arith.constant 48 : index
        %get3A_409 = tpu.vector_load %arg11[%get3A_407, %get3A_408] {strides = array<i32>} : memref<128x64xf32, #tpu.memory_space<vmem>>, vector<1x16xf32>,
        %get3A_410 = vector.shape_cast %get3A_409 : vector<1x16xf32> to vector<16xf32>
        %mul3A_411 = arith.constant 8.000000e+00 : f32
        %mul3A_412 = vector.broadcast %mul3A_411 : f32 to vector<16xf32>
        %mul3A_413 = arith.mulf %get3A_410, %mul3A_412 : vector<16xf32>
        %swap3A_414 = arith.index_cast %scan3A_370 : i32 to index
        %swap3A_415 = arith.constant 48 : index
        %swap3A_416 = tpu.vector_load %arg11[%swap3A_414, %swap3A_415] {strides = array<i32>} : memref<128x64xf32, #tpu.memory_space<vmem>>, vector<1x16xf32>,
        %swap3A_417 = vector.shape_cast %swap3A_416 : vector<1x16xf32> to vector<16xf32>
        %swap3A_418 = vector.shape_cast %mul3A_413 : vector<16xf32> to vector<1x16xf32>
        tpu.vector_store %arg11[%swap3A_414, %swap3A_415], %swap3A_418 {strides = array<i32>} : memref<128x64xf32, #tpu.memory_space<vmem>>, vector<1x16xf32>,
        %scan3A_419 = arith.constant 2 : i32
        %scan3A_420 = arith.addi %scan3A_322, %scan3A_419 : i32
        %get3A_421 = arith.index_cast %scan3A_420 : i32 to index
        %get3A_422 = arith.constant 0 : index
        %get3A_423 = tpu.vector_load %arg11[%get3A_421, %get3A_422] {strides = array<i32>} : memref<128x64xf32, #tpu.memory_space<vmem>>, vector<1x16xf32>,
        %get3A_424 = vector.shape_cast %get3A_423 : vector<1x16xf32> to vector<16xf32>
        %mul3A_425 = arith.constant 8.000000e+00 : f32
        %mul3A_426 = vector.broadcast %mul3A_425 : f32 to vector<16xf32>
        %mul3A_427 = arith.mulf %get3A_424, %mul3A_426 : vector<16xf32>
        %swap3A_428 = arith.index_cast %scan3A_420 : i32 to index
        %swap3A_429 = arith.constant 0 : index
        %swap3A_430 = tpu.vector_load %arg11[%swap3A_428, %swap3A_429] {strides = array<i32>} : memref<128x64xf32, #tpu.memory_space<vmem>>, vector<1x16xf32>,
        %swap3A_431 = vector.shape_cast %swap3A_430 : vector<1x16xf32> to vector<16xf32>
        %swap3A_432 = vector.shape_cast %mul3A_427 : vector<16xf32> to vector<1x16xf32>
        tpu.vector_store %arg11[%swap3A_428, %swap3A_429], %swap3A_432 {strides = array<i32>} : memref<128x64xf32, #tpu.memory_space<vmem>>, vector<1x16xf32>,
        %get3A_433 = arith.index_cast %scan3A_420 : i32 to index
        %get3A_434 = arith.constant 16 : index
        %get3A_435 = tpu.vector_load %arg11[%get3A_433, %get3A_434] {strides = array<i32>} : memref<128x64xf32, #tpu.memory_space<vmem>>, vector<1x16xf32>,
        %get3A_436 = vector.shape_cast %get3A_435 : vector<1x16xf32> to vector<16xf32>
        %mul3A_437 = arith.constant 8.000000e+00 : f32
        %mul3A_438 = vector.broadcast %mul3A_437 : f32 to vector<16xf32>
        %mul3A_439 = arith.mulf %get3A_436, %mul3A_438 : vector<16xf32>
        %swap3A_440 = arith.index_cast %scan3A_420 : i32 to index
        %swap3A_441 = arith.constant 16 : index
        %swap3A_442 = tpu.vector_load %arg11[%swap3A_440, %swap3A_441] {strides = array<i32>} : memref<128x64xf32, #tpu.memory_space<vmem>>, vector<1x16xf32>,
        %swap3A_443 = vector.shape_cast %swap3A_442 : vector<1x16xf32> to vector<16xf32>
        %swap3A_444 = vector.shape_cast %mul3A_439 : vector<16xf32> to vector<1x16xf32>
        tpu.vector_store %arg11[%swap3A_440, %swap3A_441], %swap3A_444 {strides = array<i32>} : memref<128x64xf32, #tpu.memory_space<vmem>>, vector<1x16xf32>,
        %get3A_445 = arith.index_cast %scan3A_420 : i32 to index
        %get3A_446 = arith.constant 32 : index
        %get3A_447 = tpu.vector_load %arg11[%get3A_445, %get3A_446] {strides = array<i32>} : memref<128x64xf32, #tpu.memory_space<vmem>>, vector<1x16xf32>,
        %get3A_448 = vector.shape_cast %get3A_447 : vector<1x16xf32> to vector<16xf32>
        %mul3A_449 = arith.constant 8.000000e+00 : f32
        %mul3A_450 = vector.broadcast %mul3A_449 : f32 to vector<16xf32>
        %mul3A_451 = arith.mulf %get3A_448, %mul3A_450 : vector<16xf32>
        %swap3A_452 = arith.index_cast %scan3A_420 : i32 to index
        %swap3A_453 = arith.constant 32 : index
        %swap3A_454 = tpu.vector_load %arg11[%swap3A_452, %swap3A_453] {strides = array<i32>} : memref<128x64xf32, #tpu.memory_space<vmem>>, vector<1x16xf32>,
        %swap3A_455 = vector.shape_cast %swap3A_454 : vector<1x16xf32> to vector<16xf32>
        %swap3A_456 = vector.shape_cast %mul3A_451 : vector<16xf32> to vector<1x16xf32>
        tpu.vector_store %arg11[%swap3A_452, %swap3A_453], %swap3A_456 {strides = array<i32>} : memref<128x64xf32, #tpu.memory_space<vmem>>, vector<1x16xf32>,
        %get3A_457 = arith.index_cast %scan3A_420 : i32 to index
        %get3A_458 = arith.constant 48 : index
        %get3A_459 = tpu.vector_load %arg11[%get3A_457, %get3A_458] {strides = array<i32>} : memref<128x64xf32, #tpu.memory_space<vmem>>, vector<1x16xf32>,
        %get3A_460 = vector.shape_cast %get3A_459 : vector<1x16xf32> to vector<16xf32>
        %mul3A_461 = arith.constant 8.000000e+00 : f32
        %mul3A_462 = vector.broadcast %mul3A_461 : f32 to vector<16xf32>
        %mul3A_463 = arith.mulf %get3A_460, %mul3A_462 : vector<16xf32>
        %swap3A_464 = arith.index_cast %scan3A_420 : i32 to index
        %swap3A_465 = arith.constant 48 : index
        %swap3A_466 = tpu.vector_load %arg11[%swap3A_464, %swap3A_465] {strides = array<i32>} : memref<128x64xf32, #tpu.memory_space<vmem>>, vector<1x16xf32>,
        %swap3A_467 = vector.shape_cast %swap3A_466 : vector<1x16xf32> to vector<16xf32>
        %swap3A_468 = vector.shape_cast %mul3A_463 : vector<16xf32> to vector<1x16xf32>
        tpu.vector_store %arg11[%swap3A_464, %swap3A_465], %swap3A_468 {strides = array<i32>} : memref<128x64xf32, #tpu.memory_space<vmem>>, vector<1x16xf32>,
        %scan3A_469 = arith.constant 3 : i32
        %scan3A_470 = arith.addi %scan3A_322, %scan3A_469 : i32
        %get3A_471 = arith.index_cast %scan3A_470 : i32 to index
        %get3A_472 = arith.constant 0 : index
        %get3A_473 = tpu.vector_load %arg11[%get3A_471, %get3A_472] {strides = array<i32>} : memref<128x64xf32, #tpu.memory_space<vmem>>, vector<1x16xf32>,
        %get3A_474 = vector.shape_cast %get3A_473 : vector<1x16xf32> to vector<16xf32>
        %mul3A_475 = arith.constant 8.000000e+00 : f32
        %mul3A_476 = vector.broadcast %mul3A_475 : f32 to vector<16xf32>
        %mul3A_477 = arith.mulf %get3A_474, %mul3A_476 : vector<16xf32>
        %swap3A_478 = arith.index_cast %scan3A_470 : i32 to index
        %swap3A_479 = arith.constant 0 : index
        %swap3A_480 = tpu.vector_load %arg11[%swap3A_478, %swap3A_479] {strides = array<i32>} : memref<128x64xf32, #tpu.memory_space<vmem>>, vector<1x16xf32>,
        %swap3A_481 = vector.shape_cast %swap3A_480 : vector<1x16xf32> to vector<16xf32>
        %swap3A_482 = vector.shape_cast %mul3A_477 : vector<16xf32> to vector<1x16xf32>
        tpu.vector_store %arg11[%swap3A_478, %swap3A_479], %swap3A_482 {strides = array<i32>} : memref<128x64xf32, #tpu.memory_space<vmem>>, vector<1x16xf32>,
        %get3A_483 = arith.index_cast %scan3A_470 : i32 to index
        %get3A_484 = arith.constant 16 : index
        %get3A_485 = tpu.vector_load %arg11[%get3A_483, %get3A_484] {strides = array<i32>} : memref<128x64xf32, #tpu.memory_space<vmem>>, vector<1x16xf32>,
        %get3A_486 = vector.shape_cast %get3A_485 : vector<1x16xf32> to vector<16xf32>
        %mul3A_487 = arith.constant 8.000000e+00 : f32
        %mul3A_488 = vector.broadcast %mul3A_487 : f32 to vector<16xf32>
        %mul3A_489 = arith.mulf %get3A_486, %mul3A_488 : vector<16xf32>
        %swap3A_490 = arith.index_cast %scan3A_470 : i32 to index
        %swap3A_491 = arith.constant 16 : index
        %swap3A_492 = tpu.vector_load %arg11[%swap3A_490, %swap3A_491] {strides = array<i32>} : memref<128x64xf32, #tpu.memory_space<vmem>>, vector<1x16xf32>,
        %swap3A_493 = vector.shape_cast %swap3A_492 : vector<1x16xf32> to vector<16xf32>
        %swap3A_494 = vector.shape_cast %mul3A_489 : vector<16xf32> to vector<1x16xf32>
        tpu.vector_store %arg11[%swap3A_490, %swap3A_491], %swap3A_494 {strides = array<i32>} : memref<128x64xf32, #tpu.memory_space<vmem>>, vector<1x16xf32>,
        %get3A_495 = arith.index_cast %scan3A_470 : i32 to index
        %get3A_496 = arith.constant 32 : index
        %get3A_497 = tpu.vector_load %arg11[%get3A_495, %get3A_496] {strides = array<i32>} : memref<128x64xf32, #tpu.memory_space<vmem>>, vector<1x16xf32>,
        %get3A_498 = vector.shape_cast %get3A_497 : vector<1x16xf32> to vector<16xf32>
        %mul3A_499 = arith.constant 8.000000e+00 : f32
        %mul3A_500 = vector.broadcast %mul3A_499 : f32 to vector<16xf32>
        %mul3A_501 = arith.mulf %get3A_498, %mul3A_500 : vector<16xf32>
        %swap3A_502 = arith.index_cast %scan3A_470 : i32 to index
        %swap3A_503 = arith.constant 32 : index
        %swap3A_504 = tpu.vector_load %arg11[%swap3A_502, %swap3A_503] {strides = array<i32>} : memref<128x64xf32, #tpu.memory_space<vmem>>, vector<1x16xf32>,
        %swap3A_505 = vector.shape_cast %swap3A_504 : vector<1x16xf32> to vector<16xf32>
        %swap3A_506 = vector.shape_cast %mul3A_501 : vector<16xf32> to vector<1x16xf32>
        tpu.vector_store %arg11[%swap3A_502, %swap3A_503], %swap3A_506 {strides = array<i32>} : memref<128x64xf32, #tpu.memory_space<vmem>>, vector<1x16xf32>,
        %get3A_507 = arith.index_cast %scan3A_470 : i32 to index
        %get3A_508 = arith.constant 48 : index
        %get3A_509 = tpu.vector_load %arg11[%get3A_507, %get3A_508] {strides = array<i32>} : memref<128x64xf32, #tpu.memory_space<vmem>>, vector<1x16xf32>,
        %get3A_510 = vector.shape_cast %get3A_509 : vector<1x16xf32> to vector<16xf32>
        %mul3A_511 = arith.constant 8.000000e+00 : f32
        %mul3A_512 = vector.broadcast %mul3A_511 : f32 to vector<16xf32>
        %mul3A_513 = arith.mulf %get3A_510, %mul3A_512 : vector<16xf32>
        %swap3A_514 = arith.index_cast %scan3A_470 : i32 to index
        %swap3A_515 = arith.constant 48 : index
        %swap3A_516 = tpu.vector_load %arg11[%swap3A_514, %swap3A_515] {strides = array<i32>} : memref<128x64xf32, #tpu.memory_space<vmem>>, vector<1x16xf32>,
        %swap3A_517 = vector.shape_cast %swap3A_516 : vector<1x16xf32> to vector<16xf32>
        %swap3A_518 = vector.shape_cast %mul3A_513 : vector<16xf32> to vector<1x16xf32>
        tpu.vector_store %arg11[%swap3A_514, %swap3A_515], %swap3A_518 {strides = array<i32>} : memref<128x64xf32, #tpu.memory_space<vmem>>, vector<1x16xf32>,
      }
      %scan3A_247 = arith.constant 128 : i32
      %mul3A_248 = arith.constant 128 : i32
      %mul3A_249 = arith.muli %add3A_235, %mul3A_248 : i32
      %add3A_250 = arith.addi %mul3A_4, %mul3A_249 : i32
      %dma_start3A_251 = arith.constant 0 : i32
      %dma_start3A_252 = tpu.memref_slice %arg4[%add3A_250, %dma_start3A_251] : memref<819200x64xf32, #tpu.memory_space<hbm>> -> memref<128x64xf32, #tpu.memory_space<hbm>>
      %dma_start3A_253 = arith.constant 0 : i32
      %dma_start3A_254 = tpu.memref_slice %arg4[%add3A_250, %dma_start3A_253] : memref<819200x64xf32, #tpu.memory_space<hbm>> -> memref<128x64xf32, #tpu.memory_space<hbm>>
      tpu.enqueue_dma source(%arg11 : memref<128x64xf32, #tpu.memory_space<vmem>>) target(%dma_start3A_254 : memref<128x64xf32, #tpu.memory_space<hbm>>) target_semaphore(%arg27 : memref<!tpu.dma_semaphore, #tpu.memory_space<semaphore_mem>>)
      %add3A_255 = arith.constant 4 : i32
      %add3A_256 = arith.addi %add3A_235, %add3A_255 : i32
      %lt3A_257 = arith.constant 200 : i32
      %lt3A_258 = arith.cmpi slt, %add3A_256, %lt3A_257 : i32
      %convert_element_type3A_259 = arith.extui %lt3A_258 : i1 to i32
      %cond3A_260 = arith.constant 0 : i32
      %cond3A_261 = arith.cmpi ne, %convert_element_type3A_259, %cond3A_260 : i32
      scf.if %cond3A_261 {
        %ge3A = arith.constant 4 : i32
        %ge3A_322 = arith.cmpi sge, %add3A_235, %ge3A : i32
        %convert_element_type3A_323 = arith.extui %ge3A_322 : i1 to i32
        %cond3A_324 = arith.constant 0 : i32
        %cond3A_325 = arith.cmpi ne, %convert_element_type3A_323, %cond3A_324 : i32
        scf.if %cond3A_325 {
          %sub3A = arith.constant 4 : i32
          %sub3A_332 = arith.subi %add3A_235, %sub3A : i32
          %mul3A_333 = arith.constant 128 : i32
          %mul3A_334 = arith.muli %sub3A_332, %mul3A_333 : i32
          %add3A_335 = arith.addi %mul3A_4, %mul3A_334 : i32
          %dma_wait3A_336 = arith.constant 0 : i32
          %dma_wait3A_337 = tpu.memref_slice %arg4[%add3A_335, %dma_wait3A_336] : memref<819200x64xf32, #tpu.memory_space<hbm>> -> memref<128x64xf32, #tpu.memory_space<hbm>>
          %dma_wait3A_338 = arith.constant 0 : i32
          %dma_wait3A_339 = tpu.memref_slice %arg4[%add3A_335, %dma_wait3A_338] : memref<819200x64xf32, #tpu.memory_space<hbm>> -> memref<128x64xf32, #tpu.memory_space<hbm>>
          tpu.wait_dma2 semaphore(%arg23 : memref<!tpu.dma_semaphore, #tpu.memory_space<semaphore_mem>>) src(%arg7 : memref<128x64xf32, #tpu.memory_space<vmem>>) dst(%dma_wait3A_339 : memref<128x64xf32, #tpu.memory_space<hbm>>)
        } else {
        }
        %dma_start3A_326 = arith.constant 0 : i32
        %dma_start3A_327 = tpu.memref_slice %arg5[%add3A_256, %dma_start3A_326] : memref<200x128xi32, #tpu.memory_space<vmem>> -> memref<1x128xi32, #tpu.memory_space<vmem>>
        %dma_start3A_328 = tpu.memref_squeeze %dma_start3A_327 : memref<1x128xi32, #tpu.memory_space<vmem>> -> memref<128xi32, #tpu.memory_space<vmem>>
        %dma_start3A_329 = arith.constant 0 : i32
        %dma_start3A_330 = arith.constant 0 : i32
        %dma_start3A_331 = tpu.memref_slice %arg3[%dma_start3A_329, %dma_start3A_330] : memref<1000000x64xf32, #tpu.memory_space<hbm>> -> memref<1000000x64xf32, #tpu.memory_space<hbm>>
        tpu.enqueue_indirect_dma source(%dma_start3A_331 : memref<1000000x64xf32, #tpu.memory_space<hbm>>) target(%arg7 : memref<128x64xf32, #tpu.memory_space<vmem>>) offsets(%dma_start3A_328 : memref<128xi32, #tpu.memory_space<vmem>>) semaphore(%arg15 : memref<!tpu.dma_semaphore, #tpu.memory_space<semaphore_mem>>)
      } else {
      }
      %mul3A_262 = arith.constant 8 : i32
      %mul3A_263 = arith.muli %scan3A_84, %mul3A_262 : i32
      %add3A_264 = arith.constant 6 : i32
      %add3A_265 = arith.addi %mul3A_263, %add3A_264 : i32
      %dma_wait3A_266 = arith.constant 0 : i32
      %dma_wait3A_267 = tpu.memref_slice %arg5[%add3A_265, %dma_wait3A_266] : memref<200x128xi32, #tpu.memory_space<vmem>> -> memref<1x128xi32, #tpu.memory_space<vmem>>
      %dma_wait3A_268 = tpu.memref_squeeze %dma_wait3A_267 : memref<1x128xi32, #tpu.memory_space<vmem>> -> memref<128xi32, #tpu.memory_space<vmem>>
      %dma_wait3A_269 = arith.constant 0 : i32
      %dma_wait3A_270 = arith.constant 0 : i32
      %dma_wait3A_271 = tpu.memref_slice %arg3[%dma_wait3A_269, %dma_wait3A_270] : memref<1000000x64xf32, #tpu.memory_space<hbm>> -> memref<1000000x64xf32, #tpu.memory_space<hbm>>
      tpu.wait_indirect_dma semaphore(%arg20 : memref<!tpu.dma_semaphore, #tpu.memory_space<semaphore_mem>>) src(%dma_wait3A_271 : memref<1000000x64xf32, #tpu.memory_space<hbm>>) dst(%arg12 : memref<128x64xf32, #tpu.memory_space<vmem>>)
      %scan3A_272 = arith.constant 0 : i32
      %scan3A_273 = arith.constant 0 : i32
      %scan3A_274 = arith.constant 128 : i32
      %scan3A_275 = arith.addi %scan3A_273, %scan3A_274 : i32
      %scan3A_276 = arith.constant 4 : i32
      scf.for %scan3A_322 = %scan3A_273 to %scan3A_275 step %scan3A_276  : i32 {
        %get3A = arith.index_cast %scan3A_322 : i32 to index
        %get3A_323 = arith.constant 0 : index
        %get3A_324 = tpu.vector_load %arg12[%get3A, %get3A_323] {strides = array<i32>} : memref<128x64xf32, #tpu.memory_space<vmem>>, vector<1x16xf32>,
        %get3A_325 = vector.shape_cast %get3A_324 : vector<1x16xf32> to vector<16xf32>
        %mul3A_326 = arith.constant 8.000000e+00 : f32
        %mul3A_327 = vector.broadcast %mul3A_326 : f32 to vector<16xf32>
        %mul3A_328 = arith.mulf %get3A_325, %mul3A_327 : vector<16xf32>
        %swap3A = arith.index_cast %scan3A_322 : i32 to index
        %swap3A_329 = arith.constant 0 : index
        %swap3A_330 = tpu.vector_load %arg12[%swap3A, %swap3A_329] {strides = array<i32>} : memref<128x64xf32, #tpu.memory_space<vmem>>, vector<1x16xf32>,
        %swap3A_331 = vector.shape_cast %swap3A_330 : vector<1x16xf32> to vector<16xf32>
        %swap3A_332 = vector.shape_cast %mul3A_328 : vector<16xf32> to vector<1x16xf32>
        tpu.vector_store %arg12[%swap3A, %swap3A_329], %swap3A_332 {strides = array<i32>} : memref<128x64xf32, #tpu.memory_space<vmem>>, vector<1x16xf32>,
        %get3A_333 = arith.index_cast %scan3A_322 : i32 to index
        %get3A_334 = arith.constant 16 : index
        %get3A_335 = tpu.vector_load %arg12[%get3A_333, %get3A_334] {strides = array<i32>} : memref<128x64xf32, #tpu.memory_space<vmem>>, vector<1x16xf32>,
        %get3A_336 = vector.shape_cast %get3A_335 : vector<1x16xf32> to vector<16xf32>
        %mul3A_337 = arith.constant 8.000000e+00 : f32
        %mul3A_338 = vector.broadcast %mul3A_337 : f32 to vector<16xf32>
        %mul3A_339 = arith.mulf %get3A_336, %mul3A_338 : vector<16xf32>
        %swap3A_340 = arith.index_cast %scan3A_322 : i32 to index
        %swap3A_341 = arith.constant 16 : index
        %swap3A_342 = tpu.vector_load %arg12[%swap3A_340, %swap3A_341] {strides = array<i32>} : memref<128x64xf32, #tpu.memory_space<vmem>>, vector<1x16xf32>,
        %swap3A_343 = vector.shape_cast %swap3A_342 : vector<1x16xf32> to vector<16xf32>
        %swap3A_344 = vector.shape_cast %mul3A_339 : vector<16xf32> to vector<1x16xf32>
        tpu.vector_store %arg12[%swap3A_340, %swap3A_341], %swap3A_344 {strides = array<i32>} : memref<128x64xf32, #tpu.memory_space<vmem>>, vector<1x16xf32>,
        %get3A_345 = arith.index_cast %scan3A_322 : i32 to index
        %get3A_346 = arith.constant 32 : index
        %get3A_347 = tpu.vector_load %arg12[%get3A_345, %get3A_346] {strides = array<i32>} : memref<128x64xf32, #tpu.memory_space<vmem>>, vector<1x16xf32>,
        %get3A_348 = vector.shape_cast %get3A_347 : vector<1x16xf32> to vector<16xf32>
        %mul3A_349 = arith.constant 8.000000e+00 : f32
        %mul3A_350 = vector.broadcast %mul3A_349 : f32 to vector<16xf32>
        %mul3A_351 = arith.mulf %get3A_348, %mul3A_350 : vector<16xf32>
        %swap3A_352 = arith.index_cast %scan3A_322 : i32 to index
        %swap3A_353 = arith.constant 32 : index
        %swap3A_354 = tpu.vector_load %arg12[%swap3A_352, %swap3A_353] {strides = array<i32>} : memref<128x64xf32, #tpu.memory_space<vmem>>, vector<1x16xf32>,
        %swap3A_355 = vector.shape_cast %swap3A_354 : vector<1x16xf32> to vector<16xf32>
        %swap3A_356 = vector.shape_cast %mul3A_351 : vector<16xf32> to vector<1x16xf32>
        tpu.vector_store %arg12[%swap3A_352, %swap3A_353], %swap3A_356 {strides = array<i32>} : memref<128x64xf32, #tpu.memory_space<vmem>>, vector<1x16xf32>,
        %get3A_357 = arith.index_cast %scan3A_322 : i32 to index
        %get3A_358 = arith.constant 48 : index
        %get3A_359 = tpu.vector_load %arg12[%get3A_357, %get3A_358] {strides = array<i32>} : memref<128x64xf32, #tpu.memory_space<vmem>>, vector<1x16xf32>,
        %get3A_360 = vector.shape_cast %get3A_359 : vector<1x16xf32> to vector<16xf32>
        %mul3A_361 = arith.constant 8.000000e+00 : f32
        %mul3A_362 = vector.broadcast %mul3A_361 : f32 to vector<16xf32>
        %mul3A_363 = arith.mulf %get3A_360, %mul3A_362 : vector<16xf32>
        %swap3A_364 = arith.index_cast %scan3A_322 : i32 to index
        %swap3A_365 = arith.constant 48 : index
        %swap3A_366 = tpu.vector_load %arg12[%swap3A_364, %swap3A_365] {strides = array<i32>} : memref<128x64xf32, #tpu.memory_space<vmem>>, vector<1x16xf32>,
        %swap3A_367 = vector.shape_cast %swap3A_366 : vector<1x16xf32> to vector<16xf32>
        %swap3A_368 = vector.shape_cast %mul3A_363 : vector<16xf32> to vector<1x16xf32>
        tpu.vector_store %arg12[%swap3A_364, %swap3A_365], %swap3A_368 {strides = array<i32>} : memref<128x64xf32, #tpu.memory_space<vmem>>, vector<1x16xf32>,
        %scan3A_369 = arith.constant 1 : i32
        %scan3A_370 = arith.addi %scan3A_322, %scan3A_369 : i32
        %get3A_371 = arith.index_cast %scan3A_370 : i32 to index
        %get3A_372 = arith.constant 0 : index
        %get3A_373 = tpu.vector_load %arg12[%get3A_371, %get3A_372] {strides = array<i32>} : memref<128x64xf32, #tpu.memory_space<vmem>>, vector<1x16xf32>,
        %get3A_374 = vector.shape_cast %get3A_373 : vector<1x16xf32> to vector<16xf32>
        %mul3A_375 = arith.constant 8.000000e+00 : f32
        %mul3A_376 = vector.broadcast %mul3A_375 : f32 to vector<16xf32>
        %mul3A_377 = arith.mulf %get3A_374, %mul3A_376 : vector<16xf32>
        %swap3A_378 = arith.index_cast %scan3A_370 : i32 to index
        %swap3A_379 = arith.constant 0 : index
        %swap3A_380 = tpu.vector_load %arg12[%swap3A_378, %swap3A_379] {strides = array<i32>} : memref<128x64xf32, #tpu.memory_space<vmem>>, vector<1x16xf32>,
        %swap3A_381 = vector.shape_cast %swap3A_380 : vector<1x16xf32> to vector<16xf32>
        %swap3A_382 = vector.shape_cast %mul3A_377 : vector<16xf32> to vector<1x16xf32>
        tpu.vector_store %arg12[%swap3A_378, %swap3A_379], %swap3A_382 {strides = array<i32>} : memref<128x64xf32, #tpu.memory_space<vmem>>, vector<1x16xf32>,
        %get3A_383 = arith.index_cast %scan3A_370 : i32 to index
        %get3A_384 = arith.constant 16 : index
        %get3A_385 = tpu.vector_load %arg12[%get3A_383, %get3A_384] {strides = array<i32>} : memref<128x64xf32, #tpu.memory_space<vmem>>, vector<1x16xf32>,
        %get3A_386 = vector.shape_cast %get3A_385 : vector<1x16xf32> to vector<16xf32>
        %mul3A_387 = arith.constant 8.000000e+00 : f32
        %mul3A_388 = vector.broadcast %mul3A_387 : f32 to vector<16xf32>
        %mul3A_389 = arith.mulf %get3A_386, %mul3A_388 : vector<16xf32>
        %swap3A_390 = arith.index_cast %scan3A_370 : i32 to index
        %swap3A_391 = arith.constant 16 : index
        %swap3A_392 = tpu.vector_load %arg12[%swap3A_390, %swap3A_391] {strides = array<i32>} : memref<128x64xf32, #tpu.memory_space<vmem>>, vector<1x16xf32>,
        %swap3A_393 = vector.shape_cast %swap3A_392 : vector<1x16xf32> to vector<16xf32>
        %swap3A_394 = vector.shape_cast %mul3A_389 : vector<16xf32> to vector<1x16xf32>
        tpu.vector_store %arg12[%swap3A_390, %swap3A_391], %swap3A_394 {strides = array<i32>} : memref<128x64xf32, #tpu.memory_space<vmem>>, vector<1x16xf32>,
        %get3A_395 = arith.index_cast %scan3A_370 : i32 to index
        %get3A_396 = arith.constant 32 : index
        %get3A_397 = tpu.vector_load %arg12[%get3A_395, %get3A_396] {strides = array<i32>} : memref<128x64xf32, #tpu.memory_space<vmem>>, vector<1x16xf32>,
        %get3A_398 = vector.shape_cast %get3A_397 : vector<1x16xf32> to vector<16xf32>
        %mul3A_399 = arith.constant 8.000000e+00 : f32
        %mul3A_400 = vector.broadcast %mul3A_399 : f32 to vector<16xf32>
        %mul3A_401 = arith.mulf %get3A_398, %mul3A_400 : vector<16xf32>
        %swap3A_402 = arith.index_cast %scan3A_370 : i32 to index
        %swap3A_403 = arith.constant 32 : index
        %swap3A_404 = tpu.vector_load %arg12[%swap3A_402, %swap3A_403] {strides = array<i32>} : memref<128x64xf32, #tpu.memory_space<vmem>>, vector<1x16xf32>,
        %swap3A_405 = vector.shape_cast %swap3A_404 : vector<1x16xf32> to vector<16xf32>
        %swap3A_406 = vector.shape_cast %mul3A_401 : vector<16xf32> to vector<1x16xf32>
        tpu.vector_store %arg12[%swap3A_402, %swap3A_403], %swap3A_406 {strides = array<i32>} : memref<128x64xf32, #tpu.memory_space<vmem>>, vector<1x16xf32>,
        %get3A_407 = arith.index_cast %scan3A_370 : i32 to index
        %get3A_408 = arith.constant 48 : index
        %get3A_409 = tpu.vector_load %arg12[%get3A_407, %get3A_408] {strides = array<i32>} : memref<128x64xf32, #tpu.memory_space<vmem>>, vector<1x16xf32>,
        %get3A_410 = vector.shape_cast %get3A_409 : vector<1x16xf32> to vector<16xf32>
        %mul3A_411 = arith.constant 8.000000e+00 : f32
        %mul3A_412 = vector.broadcast %mul3A_411 : f32 to vector<16xf32>
        %mul3A_413 = arith.mulf %get3A_410, %mul3A_412 : vector<16xf32>
        %swap3A_414 = arith.index_cast %scan3A_370 : i32 to index
        %swap3A_415 = arith.constant 48 : index
        %swap3A_416 = tpu.vector_load %arg12[%swap3A_414, %swap3A_415] {strides = array<i32>} : memref<128x64xf32, #tpu.memory_space<vmem>>, vector<1x16xf32>,
        %swap3A_417 = vector.shape_cast %swap3A_416 : vector<1x16xf32> to vector<16xf32>
        %swap3A_418 = vector.shape_cast %mul3A_413 : vector<16xf32> to vector<1x16xf32>
        tpu.vector_store %arg12[%swap3A_414, %swap3A_415], %swap3A_418 {strides = array<i32>} : memref<128x64xf32, #tpu.memory_space<vmem>>, vector<1x16xf32>,
        %scan3A_419 = arith.constant 2 : i32
        %scan3A_420 = arith.addi %scan3A_322, %scan3A_419 : i32
        %get3A_421 = arith.index_cast %scan3A_420 : i32 to index
        %get3A_422 = arith.constant 0 : index
        %get3A_423 = tpu.vector_load %arg12[%get3A_421, %get3A_422] {strides = array<i32>} : memref<128x64xf32, #tpu.memory_space<vmem>>, vector<1x16xf32>,
        %get3A_424 = vector.shape_cast %get3A_423 : vector<1x16xf32> to vector<16xf32>
        %mul3A_425 = arith.constant 8.000000e+00 : f32
        %mul3A_426 = vector.broadcast %mul3A_425 : f32 to vector<16xf32>
        %mul3A_427 = arith.mulf %get3A_424, %mul3A_426 : vector<16xf32>
        %swap3A_428 = arith.index_cast %scan3A_420 : i32 to index
        %swap3A_429 = arith.constant 0 : index
        %swap3A_430 = tpu.vector_load %arg12[%swap3A_428, %swap3A_429] {strides = array<i32>} : memref<128x64xf32, #tpu.memory_space<vmem>>, vector<1x16xf32>,
        %swap3A_431 = vector.shape_cast %swap3A_430 : vector<1x16xf32> to vector<16xf32>
        %swap3A_432 = vector.shape_cast %mul3A_427 : vector<16xf32> to vector<1x16xf32>
        tpu.vector_store %arg12[%swap3A_428, %swap3A_429], %swap3A_432 {strides = array<i32>} : memref<128x64xf32, #tpu.memory_space<vmem>>, vector<1x16xf32>,
        %get3A_433 = arith.index_cast %scan3A_420 : i32 to index
        %get3A_434 = arith.constant 16 : index
        %get3A_435 = tpu.vector_load %arg12[%get3A_433, %get3A_434] {strides = array<i32>} : memref<128x64xf32, #tpu.memory_space<vmem>>, vector<1x16xf32>,
        %get3A_436 = vector.shape_cast %get3A_435 : vector<1x16xf32> to vector<16xf32>
        %mul3A_437 = arith.constant 8.000000e+00 : f32
        %mul3A_438 = vector.broadcast %mul3A_437 : f32 to vector<16xf32>
        %mul3A_439 = arith.mulf %get3A_436, %mul3A_438 : vector<16xf32>
        %swap3A_440 = arith.index_cast %scan3A_420 : i32 to index
        %swap3A_441 = arith.constant 16 : index
        %swap3A_442 = tpu.vector_load %arg12[%swap3A_440, %swap3A_441] {strides = array<i32>} : memref<128x64xf32, #tpu.memory_space<vmem>>, vector<1x16xf32>,
        %swap3A_443 = vector.shape_cast %swap3A_442 : vector<1x16xf32> to vector<16xf32>
        %swap3A_444 = vector.shape_cast %mul3A_439 : vector<16xf32> to vector<1x16xf32>
        tpu.vector_store %arg12[%swap3A_440, %swap3A_441], %swap3A_444 {strides = array<i32>} : memref<128x64xf32, #tpu.memory_space<vmem>>, vector<1x16xf32>,
        %get3A_445 = arith.index_cast %scan3A_420 : i32 to index
        %get3A_446 = arith.constant 32 : index
        %get3A_447 = tpu.vector_load %arg12[%get3A_445, %get3A_446] {strides = array<i32>} : memref<128x64xf32, #tpu.memory_space<vmem>>, vector<1x16xf32>,
        %get3A_448 = vector.shape_cast %get3A_447 : vector<1x16xf32> to vector<16xf32>
        %mul3A_449 = arith.constant 8.000000e+00 : f32
        %mul3A_450 = vector.broadcast %mul3A_449 : f32 to vector<16xf32>
        %mul3A_451 = arith.mulf %get3A_448, %mul3A_450 : vector<16xf32>
        %swap3A_452 = arith.index_cast %scan3A_420 : i32 to index
        %swap3A_453 = arith.constant 32 : index
        %swap3A_454 = tpu.vector_load %arg12[%swap3A_452, %swap3A_453] {strides = array<i32>} : memref<128x64xf32, #tpu.memory_space<vmem>>, vector<1x16xf32>,
        %swap3A_455 = vector.shape_cast %swap3A_454 : vector<1x16xf32> to vector<16xf32>
        %swap3A_456 = vector.shape_cast %mul3A_451 : vector<16xf32> to vector<1x16xf32>
        tpu.vector_store %arg12[%swap3A_452, %swap3A_453], %swap3A_456 {strides = array<i32>} : memref<128x64xf32, #tpu.memory_space<vmem>>, vector<1x16xf32>,
        %get3A_457 = arith.index_cast %scan3A_420 : i32 to index
        %get3A_458 = arith.constant 48 : index
        %get3A_459 = tpu.vector_load %arg12[%get3A_457, %get3A_458] {strides = array<i32>} : memref<128x64xf32, #tpu.memory_space<vmem>>, vector<1x16xf32>,
        %get3A_460 = vector.shape_cast %get3A_459 : vector<1x16xf32> to vector<16xf32>
        %mul3A_461 = arith.constant 8.000000e+00 : f32
        %mul3A_462 = vector.broadcast %mul3A_461 : f32 to vector<16xf32>
        %mul3A_463 = arith.mulf %get3A_460, %mul3A_462 : vector<16xf32>
        %swap3A_464 = arith.index_cast %scan3A_420 : i32 to index
        %swap3A_465 = arith.constant 48 : index
        %swap3A_466 = tpu.vector_load %arg12[%swap3A_464, %swap3A_465] {strides = array<i32>} : memref<128x64xf32, #tpu.memory_space<vmem>>, vector<1x16xf32>,
        %swap3A_467 = vector.shape_cast %swap3A_466 : vector<1x16xf32> to vector<16xf32>
        %swap3A_468 = vector.shape_cast %mul3A_463 : vector<16xf32> to vector<1x16xf32>
        tpu.vector_store %arg12[%swap3A_464, %swap3A_465], %swap3A_468 {strides = array<i32>} : memref<128x64xf32, #tpu.memory_space<vmem>>, vector<1x16xf32>,
        %scan3A_469 = arith.constant 3 : i32
        %scan3A_470 = arith.addi %scan3A_322, %scan3A_469 : i32
        %get3A_471 = arith.index_cast %scan3A_470 : i32 to index
        %get3A_472 = arith.constant 0 : index
        %get3A_473 = tpu.vector_load %arg12[%get3A_471, %get3A_472] {strides = array<i32>} : memref<128x64xf32, #tpu.memory_space<vmem>>, vector<1x16xf32>,
        %get3A_474 = vector.shape_cast %get3A_473 : vector<1x16xf32> to vector<16xf32>
        %mul3A_475 = arith.constant 8.000000e+00 : f32
        %mul3A_476 = vector.broadcast %mul3A_475 : f32 to vector<16xf32>
        %mul3A_477 = arith.mulf %get3A_474, %mul3A_476 : vector<16xf32>
        %swap3A_478 = arith.index_cast %scan3A_470 : i32 to index
        %swap3A_479 = arith.constant 0 : index
        %swap3A_480 = tpu.vector_load %arg12[%swap3A_478, %swap3A_479] {strides = array<i32>} : memref<128x64xf32, #tpu.memory_space<vmem>>, vector<1x16xf32>,
        %swap3A_481 = vector.shape_cast %swap3A_480 : vector<1x16xf32> to vector<16xf32>
        %swap3A_482 = vector.shape_cast %mul3A_477 : vector<16xf32> to vector<1x16xf32>
        tpu.vector_store %arg12[%swap3A_478, %swap3A_479], %swap3A_482 {strides = array<i32>} : memref<128x64xf32, #tpu.memory_space<vmem>>, vector<1x16xf32>,
        %get3A_483 = arith.index_cast %scan3A_470 : i32 to index
        %get3A_484 = arith.constant 16 : index
        %get3A_485 = tpu.vector_load %arg12[%get3A_483, %get3A_484] {strides = array<i32>} : memref<128x64xf32, #tpu.memory_space<vmem>>, vector<1x16xf32>,
        %get3A_486 = vector.shape_cast %get3A_485 : vector<1x16xf32> to vector<16xf32>
        %mul3A_487 = arith.constant 8.000000e+00 : f32
        %mul3A_488 = vector.broadcast %mul3A_487 : f32 to vector<16xf32>
        %mul3A_489 = arith.mulf %get3A_486, %mul3A_488 : vector<16xf32>
        %swap3A_490 = arith.index_cast %scan3A_470 : i32 to index
        %swap3A_491 = arith.constant 16 : index
        %swap3A_492 = tpu.vector_load %arg12[%swap3A_490, %swap3A_491] {strides = array<i32>} : memref<128x64xf32, #tpu.memory_space<vmem>>, vector<1x16xf32>,
        %swap3A_493 = vector.shape_cast %swap3A_492 : vector<1x16xf32> to vector<16xf32>
        %swap3A_494 = vector.shape_cast %mul3A_489 : vector<16xf32> to vector<1x16xf32>
        tpu.vector_store %arg12[%swap3A_490, %swap3A_491], %swap3A_494 {strides = array<i32>} : memref<128x64xf32, #tpu.memory_space<vmem>>, vector<1x16xf32>,
        %get3A_495 = arith.index_cast %scan3A_470 : i32 to index
        %get3A_496 = arith.constant 32 : index
        %get3A_497 = tpu.vector_load %arg12[%get3A_495, %get3A_496] {strides = array<i32>} : memref<128x64xf32, #tpu.memory_space<vmem>>, vector<1x16xf32>,
        %get3A_498 = vector.shape_cast %get3A_497 : vector<1x16xf32> to vector<16xf32>
        %mul3A_499 = arith.constant 8.000000e+00 : f32
        %mul3A_500 = vector.broadcast %mul3A_499 : f32 to vector<16xf32>
        %mul3A_501 = arith.mulf %get3A_498, %mul3A_500 : vector<16xf32>
        %swap3A_502 = arith.index_cast %scan3A_470 : i32 to index
        %swap3A_503 = arith.constant 32 : index
        %swap3A_504 = tpu.vector_load %arg12[%swap3A_502, %swap3A_503] {strides = array<i32>} : memref<128x64xf32, #tpu.memory_space<vmem>>, vector<1x16xf32>,
        %swap3A_505 = vector.shape_cast %swap3A_504 : vector<1x16xf32> to vector<16xf32>
        %swap3A_506 = vector.shape_cast %mul3A_501 : vector<16xf32> to vector<1x16xf32>
        tpu.vector_store %arg12[%swap3A_502, %swap3A_503], %swap3A_506 {strides = array<i32>} : memref<128x64xf32, #tpu.memory_space<vmem>>, vector<1x16xf32>,
        %get3A_507 = arith.index_cast %scan3A_470 : i32 to index
        %get3A_508 = arith.constant 48 : index
        %get3A_509 = tpu.vector_load %arg12[%get3A_507, %get3A_508] {strides = array<i32>} : memref<128x64xf32, #tpu.memory_space<vmem>>, vector<1x16xf32>,
        %get3A_510 = vector.shape_cast %get3A_509 : vector<1x16xf32> to vector<16xf32>
        %mul3A_511 = arith.constant 8.000000e+00 : f32
        %mul3A_512 = vector.broadcast %mul3A_511 : f32 to vector<16xf32>
        %mul3A_513 = arith.mulf %get3A_510, %mul3A_512 : vector<16xf32>
        %swap3A_514 = arith.index_cast %scan3A_470 : i32 to index
        %swap3A_515 = arith.constant 48 : index
        %swap3A_516 = tpu.vector_load %arg12[%swap3A_514, %swap3A_515] {strides = array<i32>} : memref<128x64xf32, #tpu.memory_space<vmem>>, vector<1x16xf32>,
        %swap3A_517 = vector.shape_cast %swap3A_516 : vector<1x16xf32> to vector<16xf32>
        %swap3A_518 = vector.shape_cast %mul3A_513 : vector<16xf32> to vector<1x16xf32>
        tpu.vector_store %arg12[%swap3A_514, %swap3A_515], %swap3A_518 {strides = array<i32>} : memref<128x64xf32, #tpu.memory_space<vmem>>, vector<1x16xf32>,
      }
      %scan3A_277 = arith.constant 128 : i32
      %mul3A_278 = arith.constant 128 : i32
      %mul3A_279 = arith.muli %add3A_265, %mul3A_278 : i32
      %add3A_280 = arith.addi %mul3A_4, %mul3A_279 : i32
      %dma_start3A_281 = arith.constant 0 : i32
      %dma_start3A_282 = tpu.memref_slice %arg4[%add3A_280, %dma_start3A_281] : memref<819200x64xf32, #tpu.memory_space<hbm>> -> memref<128x64xf32, #tpu.memory_space<hbm>>
      %dma_start3A_283 = arith.constant 0 : i32
      %dma_start3A_284 = tpu.memref_slice %arg4[%add3A_280, %dma_start3A_283] : memref<819200x64xf32, #tpu.memory_space<hbm>> -> memref<128x64xf32, #tpu.memory_space<hbm>>
      tpu.enqueue_dma source(%arg12 : memref<128x64xf32, #tpu.memory_space<vmem>>) target(%dma_start3A_284 : memref<128x64xf32, #tpu.memory_space<hbm>>) target_semaphore(%arg28 : memref<!tpu.dma_semaphore, #tpu.memory_space<semaphore_mem>>)
      %add3A_285 = arith.constant 4 : i32
      %add3A_286 = arith.addi %add3A_265, %add3A_285 : i32
      %lt3A_287 = arith.constant 200 : i32
      %lt3A_288 = arith.cmpi slt, %add3A_286, %lt3A_287 : i32
      %convert_element_type3A_289 = arith.extui %lt3A_288 : i1 to i32
      %cond3A_290 = arith.constant 0 : i32
      %cond3A_291 = arith.cmpi ne, %convert_element_type3A_289, %cond3A_290 : i32
      scf.if %cond3A_291 {
        %ge3A = arith.constant 4 : i32
        %ge3A_322 = arith.cmpi sge, %add3A_265, %ge3A : i32
        %convert_element_type3A_323 = arith.extui %ge3A_322 : i1 to i32
        %cond3A_324 = arith.constant 0 : i32
        %cond3A_325 = arith.cmpi ne, %convert_element_type3A_323, %cond3A_324 : i32
        scf.if %cond3A_325 {
          %sub3A = arith.constant 4 : i32
          %sub3A_332 = arith.subi %add3A_265, %sub3A : i32
          %mul3A_333 = arith.constant 128 : i32
          %mul3A_334 = arith.muli %sub3A_332, %mul3A_333 : i32
          %add3A_335 = arith.addi %mul3A_4, %mul3A_334 : i32
          %dma_wait3A_336 = arith.constant 0 : i32
          %dma_wait3A_337 = tpu.memref_slice %arg4[%add3A_335, %dma_wait3A_336] : memref<819200x64xf32, #tpu.memory_space<hbm>> -> memref<128x64xf32, #tpu.memory_space<hbm>>
          %dma_wait3A_338 = arith.constant 0 : i32
          %dma_wait3A_339 = tpu.memref_slice %arg4[%add3A_335, %dma_wait3A_338] : memref<819200x64xf32, #tpu.memory_space<hbm>> -> memref<128x64xf32, #tpu.memory_space<hbm>>
          tpu.wait_dma2 semaphore(%arg24 : memref<!tpu.dma_semaphore, #tpu.memory_space<semaphore_mem>>) src(%arg8 : memref<128x64xf32, #tpu.memory_space<vmem>>) dst(%dma_wait3A_339 : memref<128x64xf32, #tpu.memory_space<hbm>>)
        } else {
        }
        %dma_start3A_326 = arith.constant 0 : i32
        %dma_start3A_327 = tpu.memref_slice %arg5[%add3A_286, %dma_start3A_326] : memref<200x128xi32, #tpu.memory_space<vmem>> -> memref<1x128xi32, #tpu.memory_space<vmem>>
        %dma_start3A_328 = tpu.memref_squeeze %dma_start3A_327 : memref<1x128xi32, #tpu.memory_space<vmem>> -> memref<128xi32, #tpu.memory_space<vmem>>
        %dma_start3A_329 = arith.constant 0 : i32
        %dma_start3A_330 = arith.constant 0 : i32
        %dma_start3A_331 = tpu.memref_slice %arg3[%dma_start3A_329, %dma_start3A_330] : memref<1000000x64xf32, #tpu.memory_space<hbm>> -> memref<1000000x64xf32, #tpu.memory_space<hbm>>
        tpu.enqueue_indirect_dma source(%dma_start3A_331 : memref<1000000x64xf32, #tpu.memory_space<hbm>>) target(%arg8 : memref<128x64xf32, #tpu.memory_space<vmem>>) offsets(%dma_start3A_328 : memref<128xi32, #tpu.memory_space<vmem>>) semaphore(%arg16 : memref<!tpu.dma_semaphore, #tpu.memory_space<semaphore_mem>>)
      } else {
      }
      %mul3A_292 = arith.constant 8 : i32
      %mul3A_293 = arith.muli %scan3A_84, %mul3A_292 : i32
      %add3A_294 = arith.constant 7 : i32
      %add3A_295 = arith.addi %mul3A_293, %add3A_294 : i32
      %dma_wait3A_296 = arith.constant 0 : i32
      %dma_wait3A_297 = tpu.memref_slice %arg5[%add3A_295, %dma_wait3A_296] : memref<200x128xi32, #tpu.memory_space<vmem>> -> memref<1x128xi32, #tpu.memory_space<vmem>>
      %dma_wait3A_298 = tpu.memref_squeeze %dma_wait3A_297 : memref<1x128xi32, #tpu.memory_space<vmem>> -> memref<128xi32, #tpu.memory_space<vmem>>
      %dma_wait3A_299 = arith.constant 0 : i32
      %dma_wait3A_300 = arith.constant 0 : i32
      %dma_wait3A_301 = tpu.memref_slice %arg3[%dma_wait3A_299, %dma_wait3A_300] : memref<1000000x64xf32, #tpu.memory_space<hbm>> -> memref<1000000x64xf32, #tpu.memory_space<hbm>>
      tpu.wait_indirect_dma semaphore(%arg21 : memref<!tpu.dma_semaphore, #tpu.memory_space<semaphore_mem>>) src(%dma_wait3A_301 : memref<1000000x64xf32, #tpu.memory_space<hbm>>) dst(%arg13 : memref<128x64xf32, #tpu.memory_space<vmem>>)
      %scan3A_302 = arith.constant 0 : i32
      %scan3A_303 = arith.constant 0 : i32
      %scan3A_304 = arith.constant 128 : i32
      %scan3A_305 = arith.addi %scan3A_303, %scan3A_304 : i32
      %scan3A_306 = arith.constant 4 : i32
      scf.for %scan3A_322 = %scan3A_303 to %scan3A_305 step %scan3A_306  : i32 {
        %get3A = arith.index_cast %scan3A_322 : i32 to index
        %get3A_323 = arith.constant 0 : index
        %get3A_324 = tpu.vector_load %arg13[%get3A, %get3A_323] {strides = array<i32>} : memref<128x64xf32, #tpu.memory_space<vmem>>, vector<1x16xf32>,
        %get3A_325 = vector.shape_cast %get3A_324 : vector<1x16xf32> to vector<16xf32>
        %mul3A_326 = arith.constant 8.000000e+00 : f32
        %mul3A_327 = vector.broadcast %mul3A_326 : f32 to vector<16xf32>
        %mul3A_328 = arith.mulf %get3A_325, %mul3A_327 : vector<16xf32>
        %swap3A = arith.index_cast %scan3A_322 : i32 to index
        %swap3A_329 = arith.constant 0 : index
        %swap3A_330 = tpu.vector_load %arg13[%swap3A, %swap3A_329] {strides = array<i32>} : memref<128x64xf32, #tpu.memory_space<vmem>>, vector<1x16xf32>,
        %swap3A_331 = vector.shape_cast %swap3A_330 : vector<1x16xf32> to vector<16xf32>
        %swap3A_332 = vector.shape_cast %mul3A_328 : vector<16xf32> to vector<1x16xf32>
        tpu.vector_store %arg13[%swap3A, %swap3A_329], %swap3A_332 {strides = array<i32>} : memref<128x64xf32, #tpu.memory_space<vmem>>, vector<1x16xf32>,
        %get3A_333 = arith.index_cast %scan3A_322 : i32 to index
        %get3A_334 = arith.constant 16 : index
        %get3A_335 = tpu.vector_load %arg13[%get3A_333, %get3A_334] {strides = array<i32>} : memref<128x64xf32, #tpu.memory_space<vmem>>, vector<1x16xf32>,
        %get3A_336 = vector.shape_cast %get3A_335 : vector<1x16xf32> to vector<16xf32>
        %mul3A_337 = arith.constant 8.000000e+00 : f32
        %mul3A_338 = vector.broadcast %mul3A_337 : f32 to vector<16xf32>
        %mul3A_339 = arith.mulf %get3A_336, %mul3A_338 : vector<16xf32>
        %swap3A_340 = arith.index_cast %scan3A_322 : i32 to index
        %swap3A_341 = arith.constant 16 : index
        %swap3A_342 = tpu.vector_load %arg13[%swap3A_340, %swap3A_341] {strides = array<i32>} : memref<128x64xf32, #tpu.memory_space<vmem>>, vector<1x16xf32>,
        %swap3A_343 = vector.shape_cast %swap3A_342 : vector<1x16xf32> to vector<16xf32>
        %swap3A_344 = vector.shape_cast %mul3A_339 : vector<16xf32> to vector<1x16xf32>
        tpu.vector_store %arg13[%swap3A_340, %swap3A_341], %swap3A_344 {strides = array<i32>} : memref<128x64xf32, #tpu.memory_space<vmem>>, vector<1x16xf32>,
        %get3A_345 = arith.index_cast %scan3A_322 : i32 to index
        %get3A_346 = arith.constant 32 : index
        %get3A_347 = tpu.vector_load %arg13[%get3A_345, %get3A_346] {strides = array<i32>} : memref<128x64xf32, #tpu.memory_space<vmem>>, vector<1x16xf32>,
        %get3A_348 = vector.shape_cast %get3A_347 : vector<1x16xf32> to vector<16xf32>
        %mul3A_349 = arith.constant 8.000000e+00 : f32
        %mul3A_350 = vector.broadcast %mul3A_349 : f32 to vector<16xf32>
        %mul3A_351 = arith.mulf %get3A_348, %mul3A_350 : vector<16xf32>
        %swap3A_352 = arith.index_cast %scan3A_322 : i32 to index
        %swap3A_353 = arith.constant 32 : index
        %swap3A_354 = tpu.vector_load %arg13[%swap3A_352, %swap3A_353] {strides = array<i32>} : memref<128x64xf32, #tpu.memory_space<vmem>>, vector<1x16xf32>,
        %swap3A_355 = vector.shape_cast %swap3A_354 : vector<1x16xf32> to vector<16xf32>
        %swap3A_356 = vector.shape_cast %mul3A_351 : vector<16xf32> to vector<1x16xf32>
        tpu.vector_store %arg13[%swap3A_352, %swap3A_353], %swap3A_356 {strides = array<i32>} : memref<128x64xf32, #tpu.memory_space<vmem>>, vector<1x16xf32>,
        %get3A_357 = arith.index_cast %scan3A_322 : i32 to index
        %get3A_358 = arith.constant 48 : index
        %get3A_359 = tpu.vector_load %arg13[%get3A_357, %get3A_358] {strides = array<i32>} : memref<128x64xf32, #tpu.memory_space<vmem>>, vector<1x16xf32>,
        %get3A_360 = vector.shape_cast %get3A_359 : vector<1x16xf32> to vector<16xf32>
        %mul3A_361 = arith.constant 8.000000e+00 : f32
        %mul3A_362 = vector.broadcast %mul3A_361 : f32 to vector<16xf32>
        %mul3A_363 = arith.mulf %get3A_360, %mul3A_362 : vector<16xf32>
        %swap3A_364 = arith.index_cast %scan3A_322 : i32 to index
        %swap3A_365 = arith.constant 48 : index
        %swap3A_366 = tpu.vector_load %arg13[%swap3A_364, %swap3A_365] {strides = array<i32>} : memref<128x64xf32, #tpu.memory_space<vmem>>, vector<1x16xf32>,
        %swap3A_367 = vector.shape_cast %swap3A_366 : vector<1x16xf32> to vector<16xf32>
        %swap3A_368 = vector.shape_cast %mul3A_363 : vector<16xf32> to vector<1x16xf32>
        tpu.vector_store %arg13[%swap3A_364, %swap3A_365], %swap3A_368 {strides = array<i32>} : memref<128x64xf32, #tpu.memory_space<vmem>>, vector<1x16xf32>,
        %scan3A_369 = arith.constant 1 : i32
        %scan3A_370 = arith.addi %scan3A_322, %scan3A_369 : i32
        %get3A_371 = arith.index_cast %scan3A_370 : i32 to index
        %get3A_372 = arith.constant 0 : index
        %get3A_373 = tpu.vector_load %arg13[%get3A_371, %get3A_372] {strides = array<i32>} : memref<128x64xf32, #tpu.memory_space<vmem>>, vector<1x16xf32>,
        %get3A_374 = vector.shape_cast %get3A_373 : vector<1x16xf32> to vector<16xf32>
        %mul3A_375 = arith.constant 8.000000e+00 : f32
        %mul3A_376 = vector.broadcast %mul3A_375 : f32 to vector<16xf32>
        %mul3A_377 = arith.mulf %get3A_374, %mul3A_376 : vector<16xf32>
        %swap3A_378 = arith.index_cast %scan3A_370 : i32 to index
        %swap3A_379 = arith.constant 0 : index
        %swap3A_380 = tpu.vector_load %arg13[%swap3A_378, %swap3A_379] {strides = array<i32>} : memref<128x64xf32, #tpu.memory_space<vmem>>, vector<1x16xf32>,
        %swap3A_381 = vector.shape_cast %swap3A_380 : vector<1x16xf32> to vector<16xf32>
        %swap3A_382 = vector.shape_cast %mul3A_377 : vector<16xf32> to vector<1x16xf32>
        tpu.vector_store %arg13[%swap3A_378, %swap3A_379], %swap3A_382 {strides = array<i32>} : memref<128x64xf32, #tpu.memory_space<vmem>>, vector<1x16xf32>,
        %get3A_383 = arith.index_cast %scan3A_370 : i32 to index
        %get3A_384 = arith.constant 16 : index
        %get3A_385 = tpu.vector_load %arg13[%get3A_383, %get3A_384] {strides = array<i32>} : memref<128x64xf32, #tpu.memory_space<vmem>>, vector<1x16xf32>,
        %get3A_386 = vector.shape_cast %get3A_385 : vector<1x16xf32> to vector<16xf32>
        %mul3A_387 = arith.constant 8.000000e+00 : f32
        %mul3A_388 = vector.broadcast %mul3A_387 : f32 to vector<16xf32>
        %mul3A_389 = arith.mulf %get3A_386, %mul3A_388 : vector<16xf32>
        %swap3A_390 = arith.index_cast %scan3A_370 : i32 to index
        %swap3A_391 = arith.constant 16 : index
        %swap3A_392 = tpu.vector_load %arg13[%swap3A_390, %swap3A_391] {strides = array<i32>} : memref<128x64xf32, #tpu.memory_space<vmem>>, vector<1x16xf32>,
        %swap3A_393 = vector.shape_cast %swap3A_392 : vector<1x16xf32> to vector<16xf32>
        %swap3A_394 = vector.shape_cast %mul3A_389 : vector<16xf32> to vector<1x16xf32>
        tpu.vector_store %arg13[%swap3A_390, %swap3A_391], %swap3A_394 {strides = array<i32>} : memref<128x64xf32, #tpu.memory_space<vmem>>, vector<1x16xf32>,
        %get3A_395 = arith.index_cast %scan3A_370 : i32 to index
        %get3A_396 = arith.constant 32 : index
        %get3A_397 = tpu.vector_load %arg13[%get3A_395, %get3A_396] {strides = array<i32>} : memref<128x64xf32, #tpu.memory_space<vmem>>, vector<1x16xf32>,
        %get3A_398 = vector.shape_cast %get3A_397 : vector<1x16xf32> to vector<16xf32>
        %mul3A_399 = arith.constant 8.000000e+00 : f32
        %mul3A_400 = vector.broadcast %mul3A_399 : f32 to vector<16xf32>
        %mul3A_401 = arith.mulf %get3A_398, %mul3A_400 : vector<16xf32>
        %swap3A_402 = arith.index_cast %scan3A_370 : i32 to index
        %swap3A_403 = arith.constant 32 : index
        %swap3A_404 = tpu.vector_load %arg13[%swap3A_402, %swap3A_403] {strides = array<i32>} : memref<128x64xf32, #tpu.memory_space<vmem>>, vector<1x16xf32>,
        %swap3A_405 = vector.shape_cast %swap3A_404 : vector<1x16xf32> to vector<16xf32>
        %swap3A_406 = vector.shape_cast %mul3A_401 : vector<16xf32> to vector<1x16xf32>
        tpu.vector_store %arg13[%swap3A_402, %swap3A_403], %swap3A_406 {strides = array<i32>} : memref<128x64xf32, #tpu.memory_space<vmem>>, vector<1x16xf32>,
        %get3A_407 = arith.index_cast %scan3A_370 : i32 to index
        %get3A_408 = arith.constant 48 : index
        %get3A_409 = tpu.vector_load %arg13[%get3A_407, %get3A_408] {strides = array<i32>} : memref<128x64xf32, #tpu.memory_space<vmem>>, vector<1x16xf32>,
        %get3A_410 = vector.shape_cast %get3A_409 : vector<1x16xf32> to vector<16xf32>
        %mul3A_411 = arith.constant 8.000000e+00 : f32
        %mul3A_412 = vector.broadcast %mul3A_411 : f32 to vector<16xf32>
        %mul3A_413 = arith.mulf %get3A_410, %mul3A_412 : vector<16xf32>
        %swap3A_414 = arith.index_cast %scan3A_370 : i32 to index
        %swap3A_415 = arith.constant 48 : index
        %swap3A_416 = tpu.vector_load %arg13[%swap3A_414, %swap3A_415] {strides = array<i32>} : memref<128x64xf32, #tpu.memory_space<vmem>>, vector<1x16xf32>,
        %swap3A_417 = vector.shape_cast %swap3A_416 : vector<1x16xf32> to vector<16xf32>
        %swap3A_418 = vector.shape_cast %mul3A_413 : vector<16xf32> to vector<1x16xf32>
        tpu.vector_store %arg13[%swap3A_414, %swap3A_415], %swap3A_418 {strides = array<i32>} : memref<128x64xf32, #tpu.memory_space<vmem>>, vector<1x16xf32>,
        %scan3A_419 = arith.constant 2 : i32
        %scan3A_420 = arith.addi %scan3A_322, %scan3A_419 : i32
        %get3A_421 = arith.index_cast %scan3A_420 : i32 to index
        %get3A_422 = arith.constant 0 : index
        %get3A_423 = tpu.vector_load %arg13[%get3A_421, %get3A_422] {strides = array<i32>} : memref<128x64xf32, #tpu.memory_space<vmem>>, vector<1x16xf32>,
        %get3A_424 = vector.shape_cast %get3A_423 : vector<1x16xf32> to vector<16xf32>
        %mul3A_425 = arith.constant 8.000000e+00 : f32
        %mul3A_426 = vector.broadcast %mul3A_425 : f32 to vector<16xf32>
        %mul3A_427 = arith.mulf %get3A_424, %mul3A_426 : vector<16xf32>
        %swap3A_428 = arith.index_cast %scan3A_420 : i32 to index
        %swap3A_429 = arith.constant 0 : index
        %swap3A_430 = tpu.vector_load %arg13[%swap3A_428, %swap3A_429] {strides = array<i32>} : memref<128x64xf32, #tpu.memory_space<vmem>>, vector<1x16xf32>,
        %swap3A_431 = vector.shape_cast %swap3A_430 : vector<1x16xf32> to vector<16xf32>
        %swap3A_432 = vector.shape_cast %mul3A_427 : vector<16xf32> to vector<1x16xf32>
        tpu.vector_store %arg13[%swap3A_428, %swap3A_429], %swap3A_432 {strides = array<i32>} : memref<128x64xf32, #tpu.memory_space<vmem>>, vector<1x16xf32>,
        %get3A_433 = arith.index_cast %scan3A_420 : i32 to index
        %get3A_434 = arith.constant 16 : index
        %get3A_435 = tpu.vector_load %arg13[%get3A_433, %get3A_434] {strides = array<i32>} : memref<128x64xf32, #tpu.memory_space<vmem>>, vector<1x16xf32>,
        %get3A_436 = vector.shape_cast %get3A_435 : vector<1x16xf32> to vector<16xf32>
        %mul3A_437 = arith.constant 8.000000e+00 : f32
        %mul3A_438 = vector.broadcast %mul3A_437 : f32 to vector<16xf32>
        %mul3A_439 = arith.mulf %get3A_436, %mul3A_438 : vector<16xf32>
        %swap3A_440 = arith.index_cast %scan3A_420 : i32 to index
        %swap3A_441 = arith.constant 16 : index
        %swap3A_442 = tpu.vector_load %arg13[%swap3A_440, %swap3A_441] {strides = array<i32>} : memref<128x64xf32, #tpu.memory_space<vmem>>, vector<1x16xf32>,
        %swap3A_443 = vector.shape_cast %swap3A_442 : vector<1x16xf32> to vector<16xf32>
        %swap3A_444 = vector.shape_cast %mul3A_439 : vector<16xf32> to vector<1x16xf32>
        tpu.vector_store %arg13[%swap3A_440, %swap3A_441], %swap3A_444 {strides = array<i32>} : memref<128x64xf32, #tpu.memory_space<vmem>>, vector<1x16xf32>,
        %get3A_445 = arith.index_cast %scan3A_420 : i32 to index
        %get3A_446 = arith.constant 32 : index
        %get3A_447 = tpu.vector_load %arg13[%get3A_445, %get3A_446] {strides = array<i32>} : memref<128x64xf32, #tpu.memory_space<vmem>>, vector<1x16xf32>,
        %get3A_448 = vector.shape_cast %get3A_447 : vector<1x16xf32> to vector<16xf32>
        %mul3A_449 = arith.constant 8.000000e+00 : f32
        %mul3A_450 = vector.broadcast %mul3A_449 : f32 to vector<16xf32>
        %mul3A_451 = arith.mulf %get3A_448, %mul3A_450 : vector<16xf32>
        %swap3A_452 = arith.index_cast %scan3A_420 : i32 to index
        %swap3A_453 = arith.constant 32 : index
        %swap3A_454 = tpu.vector_load %arg13[%swap3A_452, %swap3A_453] {strides = array<i32>} : memref<128x64xf32, #tpu.memory_space<vmem>>, vector<1x16xf32>,
        %swap3A_455 = vector.shape_cast %swap3A_454 : vector<1x16xf32> to vector<16xf32>
        %swap3A_456 = vector.shape_cast %mul3A_451 : vector<16xf32> to vector<1x16xf32>
        tpu.vector_store %arg13[%swap3A_452, %swap3A_453], %swap3A_456 {strides = array<i32>} : memref<128x64xf32, #tpu.memory_space<vmem>>, vector<1x16xf32>,
        %get3A_457 = arith.index_cast %scan3A_420 : i32 to index
        %get3A_458 = arith.constant 48 : index
        %get3A_459 = tpu.vector_load %arg13[%get3A_457, %get3A_458] {strides = array<i32>} : memref<128x64xf32, #tpu.memory_space<vmem>>, vector<1x16xf32>,
        %get3A_460 = vector.shape_cast %get3A_459 : vector<1x16xf32> to vector<16xf32>
        %mul3A_461 = arith.constant 8.000000e+00 : f32
        %mul3A_462 = vector.broadcast %mul3A_461 : f32 to vector<16xf32>
        %mul3A_463 = arith.mulf %get3A_460, %mul3A_462 : vector<16xf32>
        %swap3A_464 = arith.index_cast %scan3A_420 : i32 to index
        %swap3A_465 = arith.constant 48 : index
        %swap3A_466 = tpu.vector_load %arg13[%swap3A_464, %swap3A_465] {strides = array<i32>} : memref<128x64xf32, #tpu.memory_space<vmem>>, vector<1x16xf32>,
        %swap3A_467 = vector.shape_cast %swap3A_466 : vector<1x16xf32> to vector<16xf32>
        %swap3A_468 = vector.shape_cast %mul3A_463 : vector<16xf32> to vector<1x16xf32>
        tpu.vector_store %arg13[%swap3A_464, %swap3A_465], %swap3A_468 {strides = array<i32>} : memref<128x64xf32, #tpu.memory_space<vmem>>, vector<1x16xf32>,
        %scan3A_469 = arith.constant 3 : i32
        %scan3A_470 = arith.addi %scan3A_322, %scan3A_469 : i32
        %get3A_471 = arith.index_cast %scan3A_470 : i32 to index
        %get3A_472 = arith.constant 0 : index
        %get3A_473 = tpu.vector_load %arg13[%get3A_471, %get3A_472] {strides = array<i32>} : memref<128x64xf32, #tpu.memory_space<vmem>>, vector<1x16xf32>,
        %get3A_474 = vector.shape_cast %get3A_473 : vector<1x16xf32> to vector<16xf32>
        %mul3A_475 = arith.constant 8.000000e+00 : f32
        %mul3A_476 = vector.broadcast %mul3A_475 : f32 to vector<16xf32>
        %mul3A_477 = arith.mulf %get3A_474, %mul3A_476 : vector<16xf32>
        %swap3A_478 = arith.index_cast %scan3A_470 : i32 to index
        %swap3A_479 = arith.constant 0 : index
        %swap3A_480 = tpu.vector_load %arg13[%swap3A_478, %swap3A_479] {strides = array<i32>} : memref<128x64xf32, #tpu.memory_space<vmem>>, vector<1x16xf32>,
        %swap3A_481 = vector.shape_cast %swap3A_480 : vector<1x16xf32> to vector<16xf32>
        %swap3A_482 = vector.shape_cast %mul3A_477 : vector<16xf32> to vector<1x16xf32>
        tpu.vector_store %arg13[%swap3A_478, %swap3A_479], %swap3A_482 {strides = array<i32>} : memref<128x64xf32, #tpu.memory_space<vmem>>, vector<1x16xf32>,
        %get3A_483 = arith.index_cast %scan3A_470 : i32 to index
        %get3A_484 = arith.constant 16 : index
        %get3A_485 = tpu.vector_load %arg13[%get3A_483, %get3A_484] {strides = array<i32>} : memref<128x64xf32, #tpu.memory_space<vmem>>, vector<1x16xf32>,
        %get3A_486 = vector.shape_cast %get3A_485 : vector<1x16xf32> to vector<16xf32>
        %mul3A_487 = arith.constant 8.000000e+00 : f32
        %mul3A_488 = vector.broadcast %mul3A_487 : f32 to vector<16xf32>
        %mul3A_489 = arith.mulf %get3A_486, %mul3A_488 : vector<16xf32>
        %swap3A_490 = arith.index_cast %scan3A_470 : i32 to index
        %swap3A_491 = arith.constant 16 : index
        %swap3A_492 = tpu.vector_load %arg13[%swap3A_490, %swap3A_491] {strides = array<i32>} : memref<128x64xf32, #tpu.memory_space<vmem>>, vector<1x16xf32>,
        %swap3A_493 = vector.shape_cast %swap3A_492 : vector<1x16xf32> to vector<16xf32>
        %swap3A_494 = vector.shape_cast %mul3A_489 : vector<16xf32> to vector<1x16xf32>
        tpu.vector_store %arg13[%swap3A_490, %swap3A_491], %swap3A_494 {strides = array<i32>} : memref<128x64xf32, #tpu.memory_space<vmem>>, vector<1x16xf32>,
        %get3A_495 = arith.index_cast %scan3A_470 : i32 to index
        %get3A_496 = arith.constant 32 : index
        %get3A_497 = tpu.vector_load %arg13[%get3A_495, %get3A_496] {strides = array<i32>} : memref<128x64xf32, #tpu.memory_space<vmem>>, vector<1x16xf32>,
        %get3A_498 = vector.shape_cast %get3A_497 : vector<1x16xf32> to vector<16xf32>
        %mul3A_499 = arith.constant 8.000000e+00 : f32
        %mul3A_500 = vector.broadcast %mul3A_499 : f32 to vector<16xf32>
        %mul3A_501 = arith.mulf %get3A_498, %mul3A_500 : vector<16xf32>
        %swap3A_502 = arith.index_cast %scan3A_470 : i32 to index
        %swap3A_503 = arith.constant 32 : index
        %swap3A_504 = tpu.vector_load %arg13[%swap3A_502, %swap3A_503] {strides = array<i32>} : memref<128x64xf32, #tpu.memory_space<vmem>>, vector<1x16xf32>,
        %swap3A_505 = vector.shape_cast %swap3A_504 : vector<1x16xf32> to vector<16xf32>
        %swap3A_506 = vector.shape_cast %mul3A_501 : vector<16xf32> to vector<1x16xf32>
        tpu.vector_store %arg13[%swap3A_502, %swap3A_503], %swap3A_506 {strides = array<i32>} : memref<128x64xf32, #tpu.memory_space<vmem>>, vector<1x16xf32>,
        %get3A_507 = arith.index_cast %scan3A_470 : i32 to index
        %get3A_508 = arith.constant 48 : index
        %get3A_509 = tpu.vector_load %arg13[%get3A_507, %get3A_508] {strides = array<i32>} : memref<128x64xf32, #tpu.memory_space<vmem>>, vector<1x16xf32>,
        %get3A_510 = vector.shape_cast %get3A_509 : vector<1x16xf32> to vector<16xf32>
        %mul3A_511 = arith.constant 8.000000e+00 : f32
        %mul3A_512 = vector.broadcast %mul3A_511 : f32 to vector<16xf32>
        %mul3A_513 = arith.mulf %get3A_510, %mul3A_512 : vector<16xf32>
        %swap3A_514 = arith.index_cast %scan3A_470 : i32 to index
        %swap3A_515 = arith.constant 48 : index
        %swap3A_516 = tpu.vector_load %arg13[%swap3A_514, %swap3A_515] {strides = array<i32>} : memref<128x64xf32, #tpu.memory_space<vmem>>, vector<1x16xf32>,
        %swap3A_517 = vector.shape_cast %swap3A_516 : vector<1x16xf32> to vector<16xf32>
        %swap3A_518 = vector.shape_cast %mul3A_513 : vector<16xf32> to vector<1x16xf32>
        tpu.vector_store %arg13[%swap3A_514, %swap3A_515], %swap3A_518 {strides = array<i32>} : memref<128x64xf32, #tpu.memory_space<vmem>>, vector<1x16xf32>,
      }
      %scan3A_307 = arith.constant 128 : i32
      %mul3A_308 = arith.constant 128 : i32
      %mul3A_309 = arith.muli %add3A_295, %mul3A_308 : i32
      %add3A_310 = arith.addi %mul3A_4, %mul3A_309 : i32
      %dma_start3A_311 = arith.constant 0 : i32
      %dma_start3A_312 = tpu.memref_slice %arg4[%add3A_310, %dma_start3A_311] : memref<819200x64xf32, #tpu.memory_space<hbm>> -> memref<128x64xf32, #tpu.memory_space<hbm>>
      %dma_start3A_313 = arith.constant 0 : i32
      %dma_start3A_314 = tpu.memref_slice %arg4[%add3A_310, %dma_start3A_313] : memref<819200x64xf32, #tpu.memory_space<hbm>> -> memref<128x64xf32, #tpu.memory_space<hbm>>
      tpu.enqueue_dma source(%arg13 : memref<128x64xf32, #tpu.memory_space<vmem>>) target(%dma_start3A_314 : memref<128x64xf32, #tpu.memory_space<hbm>>) target_semaphore(%arg29 : memref<!tpu.dma_semaphore, #tpu.memory_space<semaphore_mem>>)
      %add3A_315 = arith.constant 4 : i32
      %add3A_316 = arith.addi %add3A_295, %add3A_315 : i32
      %lt3A_317 = arith.constant 200 : i32
      %lt3A_318 = arith.cmpi slt, %add3A_316, %lt3A_317 : i32
      %convert_element_type3A_319 = arith.extui %lt3A_318 : i1 to i32
      %cond3A_320 = arith.constant 0 : i32
      %cond3A_321 = arith.cmpi ne, %convert_element_type3A_319, %cond3A_320 : i32
      scf.if %cond3A_321 {
        %ge3A = arith.constant 4 : i32
        %ge3A_322 = arith.cmpi sge, %add3A_295, %ge3A : i32
        %convert_element_type3A_323 = arith.extui %ge3A_322 : i1 to i32
        %cond3A_324 = arith.constant 0 : i32
        %cond3A_325 = arith.cmpi ne, %convert_element_type3A_323, %cond3A_324 : i32
        scf.if %cond3A_325 {
          %sub3A = arith.constant 4 : i32
          %sub3A_332 = arith.subi %add3A_295, %sub3A : i32
          %mul3A_333 = arith.constant 128 : i32
          %mul3A_334 = arith.muli %sub3A_332, %mul3A_333 : i32
          %add3A_335 = arith.addi %mul3A_4, %mul3A_334 : i32
          %dma_wait3A_336 = arith.constant 0 : i32
          %dma_wait3A_337 = tpu.memref_slice %arg4[%add3A_335, %dma_wait3A_336] : memref<819200x64xf32, #tpu.memory_space<hbm>> -> memref<128x64xf32, #tpu.memory_space<hbm>>
          %dma_wait3A_338 = arith.constant 0 : i32
          %dma_wait3A_339 = tpu.memref_slice %arg4[%add3A_335, %dma_wait3A_338] : memref<819200x64xf32, #tpu.memory_space<hbm>> -> memref<128x64xf32, #tpu.memory_space<hbm>>
          tpu.wait_dma2 semaphore(%arg25 : memref<!tpu.dma_semaphore, #tpu.memory_space<semaphore_mem>>) src(%arg9 : memref<128x64xf32, #tpu.memory_space<vmem>>) dst(%dma_wait3A_339 : memref<128x64xf32, #tpu.memory_space<hbm>>)
        } else {
        }
        %dma_start3A_326 = arith.constant 0 : i32
        %dma_start3A_327 = tpu.memref_slice %arg5[%add3A_316, %dma_start3A_326] : memref<200x128xi32, #tpu.memory_space<vmem>> -> memref<1x128xi32, #tpu.memory_space<vmem>>
        %dma_start3A_328 = tpu.memref_squeeze %dma_start3A_327 : memref<1x128xi32, #tpu.memory_space<vmem>> -> memref<128xi32, #tpu.memory_space<vmem>>
        %dma_start3A_329 = arith.constant 0 : i32
        %dma_start3A_330 = arith.constant 0 : i32
        %dma_start3A_331 = tpu.memref_slice %arg3[%dma_start3A_329, %dma_start3A_330] : memref<1000000x64xf32, #tpu.memory_space<hbm>> -> memref<1000000x64xf32, #tpu.memory_space<hbm>>
        tpu.enqueue_indirect_dma source(%dma_start3A_331 : memref<1000000x64xf32, #tpu.memory_space<hbm>>) target(%arg9 : memref<128x64xf32, #tpu.memory_space<vmem>>) offsets(%dma_start3A_328 : memref<128xi32, #tpu.memory_space<vmem>>) semaphore(%arg17 : memref<!tpu.dma_semaphore, #tpu.memory_space<semaphore_mem>>)
      } else {
      }
    }
    %scan3A_36 = arith.constant 25 : i32
    %add3A_37 = arith.constant 24576 : i32
    %add3A_38 = arith.addi %mul3A_4, %add3A_37 : i32
    %dma_wait3A = arith.constant 0 : i32
    %dma_wait3A_39 = tpu.memref_slice %arg4[%add3A_38, %dma_wait3A] : memref<819200x64xf32, #tpu.memory_space<hbm>> -> memref<128x64xf32, #tpu.memory_space<hbm>>
    %dma_wait3A_40 = arith.constant 0 : i32
    %dma_wait3A_41 = tpu.memref_slice %arg4[%add3A_38, %dma_wait3A_40] : memref<819200x64xf32, #tpu.memory_space<hbm>> -> memref<128x64xf32, #tpu.memory_space<hbm>>
    tpu.wait_dma2 semaphore(%arg22 : memref<!tpu.dma_semaphore, #tpu.memory_space<semaphore_mem>>) src(%arg6 : memref<128x64xf32, #tpu.memory_space<vmem>>) dst(%dma_wait3A_41 : memref<128x64xf32, #tpu.memory_space<hbm>>)
    %add3A_42 = arith.constant 24704 : i32
    %add3A_43 = arith.addi %mul3A_4, %add3A_42 : i32
    %dma_wait3A_44 = arith.constant 0 : i32
    %dma_wait3A_45 = tpu.memref_slice %arg4[%add3A_43, %dma_wait3A_44] : memref<819200x64xf32, #tpu.memory_space<hbm>> -> memref<128x64xf32, #tpu.memory_space<hbm>>
    %dma_wait3A_46 = arith.constant 0 : i32
    %dma_wait3A_47 = tpu.memref_slice %arg4[%add3A_43, %dma_wait3A_46] : memref<819200x64xf32, #tpu.memory_space<hbm>> -> memref<128x64xf32, #tpu.memory_space<hbm>>
    tpu.wait_dma2 semaphore(%arg23 : memref<!tpu.dma_semaphore, #tpu.memory_space<semaphore_mem>>) src(%arg7 : memref<128x64xf32, #tpu.memory_space<vmem>>) dst(%dma_wait3A_47 : memref<128x64xf32, #tpu.memory_space<hbm>>)
    %add3A_48 = arith.constant 24832 : i32
    %add3A_49 = arith.addi %mul3A_4, %add3A_48 : i32
    %dma_wait3A_50 = arith.constant 0 : i32
    %dma_wait3A_51 = tpu.memref_slice %arg4[%add3A_49, %dma_wait3A_50] : memref<819200x64xf32, #tpu.memory_space<hbm>> -> memref<128x64xf32, #tpu.memory_space<hbm>>
    %dma_wait3A_52 = arith.constant 0 : i32
    %dma_wait3A_53 = tpu.memref_slice %arg4[%add3A_49, %dma_wait3A_52] : memref<819200x64xf32, #tpu.memory_space<hbm>> -> memref<128x64xf32, #tpu.memory_space<hbm>>
    tpu.wait_dma2 semaphore(%arg24 : memref<!tpu.dma_semaphore, #tpu.memory_space<semaphore_mem>>) src(%arg8 : memref<128x64xf32, #tpu.memory_space<vmem>>) dst(%dma_wait3A_53 : memref<128x64xf32, #tpu.memory_space<hbm>>)
    %add3A_54 = arith.constant 24960 : i32
    %add3A_55 = arith.addi %mul3A_4, %add3A_54 : i32
    %dma_wait3A_56 = arith.constant 0 : i32
    %dma_wait3A_57 = tpu.memref_slice %arg4[%add3A_55, %dma_wait3A_56] : memref<819200x64xf32, #tpu.memory_space<hbm>> -> memref<128x64xf32, #tpu.memory_space<hbm>>
    %dma_wait3A_58 = arith.constant 0 : i32
    %dma_wait3A_59 = tpu.memref_slice %arg4[%add3A_55, %dma_wait3A_58] : memref<819200x64xf32, #tpu.memory_space<hbm>> -> memref<128x64xf32, #tpu.memory_space<hbm>>
    tpu.wait_dma2 semaphore(%arg25 : memref<!tpu.dma_semaphore, #tpu.memory_space<semaphore_mem>>) src(%arg9 : memref<128x64xf32, #tpu.memory_space<vmem>>) dst(%dma_wait3A_59 : memref<128x64xf32, #tpu.memory_space<hbm>>)
    %add3A_60 = arith.constant 25088 : i32
    %add3A_61 = arith.addi %mul3A_4, %add3A_60 : i32
    %dma_wait3A_62 = arith.constant 0 : i32
    %dma_wait3A_63 = tpu.memref_slice %arg4[%add3A_61, %dma_wait3A_62] : memref<819200x64xf32, #tpu.memory_space<hbm>> -> memref<128x64xf32, #tpu.memory_space<hbm>>
    %dma_wait3A_64 = arith.constant 0 : i32
    %dma_wait3A_65 = tpu.memref_slice %arg4[%add3A_61, %dma_wait3A_64] : memref<819200x64xf32, #tpu.memory_space<hbm>> -> memref<128x64xf32, #tpu.memory_space<hbm>>
    tpu.wait_dma2 semaphore(%arg26 : memref<!tpu.dma_semaphore, #tpu.memory_space<semaphore_mem>>) src(%arg10 : memref<128x64xf32, #tpu.memory_space<vmem>>) dst(%dma_wait3A_65 : memref<128x64xf32, #tpu.memory_space<hbm>>)
    %add3A_66 = arith.constant 25216 : i32
    %add3A_67 = arith.addi %mul3A_4, %add3A_66 : i32
    %dma_wait3A_68 = arith.constant 0 : i32
    %dma_wait3A_69 = tpu.memref_slice %arg4[%add3A_67, %dma_wait3A_68] : memref<819200x64xf32, #tpu.memory_space<hbm>> -> memref<128x64xf32, #tpu.memory_space<hbm>>
    %dma_wait3A_70 = arith.constant 0 : i32
    %dma_wait3A_71 = tpu.memref_slice %arg4[%add3A_67, %dma_wait3A_70] : memref<819200x64xf32, #tpu.memory_space<hbm>> -> memref<128x64xf32, #tpu.memory_space<hbm>>
    tpu.wait_dma2 semaphore(%arg27 : memref<!tpu.dma_semaphore, #tpu.memory_space<semaphore_mem>>) src(%arg11 : memref<128x64xf32, #tpu.memory_space<vmem>>) dst(%dma_wait3A_71 : memref<128x64xf32, #tpu.memory_space<hbm>>)
    %add3A_72 = arith.constant 25344 : i32
    %add3A_73 = arith.addi %mul3A_4, %add3A_72 : i32
    %dma_wait3A_74 = arith.constant 0 : i32
    %dma_wait3A_75 = tpu.memref_slice %arg4[%add3A_73, %dma_wait3A_74] : memref<819200x64xf32, #tpu.memory_space<hbm>> -> memref<128x64xf32, #tpu.memory_space<hbm>>
    %dma_wait3A_76 = arith.constant 0 : i32
    %dma_wait3A_77 = tpu.memref_slice %arg4[%add3A_73, %dma_wait3A_76] : memref<819200x64xf32, #tpu.memory_space<hbm>> -> memref<128x64xf32, #tpu.memory_space<hbm>>
    tpu.wait_dma2 semaphore(%arg28 : memref<!tpu.dma_semaphore, #tpu.memory_space<semaphore_mem>>) src(%arg12 : memref<128x64xf32, #tpu.memory_space<vmem>>) dst(%dma_wait3A_77 : memref<128x64xf32, #tpu.memory_space<hbm>>)
    %add3A_78 = arith.constant 25472 : i32
    %add3A_79 = arith.addi %mul3A_4, %add3A_78 : i32
    %dma_wait3A_80 = arith.constant 0 : i32
    %dma_wait3A_81 = tpu.memref_slice %arg4[%add3A_79, %dma_wait3A_80] : memref<819200x64xf32, #tpu.memory_space<hbm>> -> memref<128x64xf32, #tpu.memory_space<hbm>>
    %dma_wait3A_82 = arith.constant 0 : i32
    %dma_wait3A_83 = tpu.memref_slice %arg4[%add3A_79, %dma_wait3A_82] : memref<819200x64xf32, #tpu.memory_space<hbm>> -> memref<128x64xf32, #tpu.memory_space<hbm>>
    tpu.wait_dma2 semaphore(%arg29 : memref<!tpu.dma_semaphore, #tpu.memory_space<semaphore_mem>>) src(%arg13 : memref<128x64xf32, #tpu.memory_space<vmem>>) dst(%dma_wait3A_83 : memref<128x64xf32, #tpu.memory_space<hbm>>)
    return
  }
}

</mosaic_0001>

<sc_bundles>
// kernel: kernel.3.cloned.1.call-start
scs
__scs_entry_jumppad:
0x0: {  	(pc) =	sbr.rel $0x88, $3  }
0x1: {  	(tag) =	ssettag $0x0;
	lr =	simm.s32 $0x1  }
0x2: {  	[smem:$0x3F9F] =	sst lr;
	_ =	strace $0xD0000000  }
0x3: {  	_ = 	snop  }
0x4: {  	_ = 	snop  }
0x5: {  	_ = 	snop  }
0x6: {  	_ = 	snop  }
0x7: {  	_ = 	snop  }
__scs_overlays_trampoline_lowered:
0x8: {  	[smem:$0x3FAE] =	sst s0  }
0x9: {  	[smem:$0x3FAF] =	sst s1  }
0xa: {  	[smem:$0x3FB0] =	sst s2  }
0xb: {  	[smem:$0x3FB1] =	sst s3  }
0xc: {  	[smem:$0x3FB2] =	sst s4  }
0xd: {  	[smem:$0x3FB3] =	sst s5  }
0xe: {  	[smem:$0x3FB4] =	sst s6  }
0xf: {  	[smem:$0x3FB5] =	sst s7  }
0x10: {  	[smem:$0x3FB6] =	sst s8  }
0x11: {  	[smem:$0x3FB7] =	sst s9;
	s0 =	simm.s32 @!p0 $0x0  }
0x12: {  	s1 =	sld [smem:$0x3F9D];
	s0 =	simm.s32 @p0 $0x1  }
0x13: {  	[smem:$0x3FB8] =	sst s0;
	s0 =	simm.s32 @!p1 $0x0  }
0x14: {  	s2 =	sld [smem:$0x3F9C];
	s0 =	simm.s32 @p1 $0x1  }
0x15: {  	[smem:$0x3FB9] =	sst s0;
	s0 =	simm.s32 @!p2 $0x0  }
0x16: {  	s3 =	sld [smem:$0x3FDB];
	s0 =	simm.s32 @p2 $0x1  }
0x17: {  	s4 =	simm.s32 $0x1BF5;
	[smem:$0x3FBB] =	sst s0  }
0x18: {  	s0 =	sld [smem:$0x3F9E];
	_ =	swait.ge [sflag:s4], $0x0  }
0x19: {  	s7 =	sld [smem:$0x3F9F]  }
0x1a: {  	s8 =	sadd.s32 $0xFFFFE003, lr  }
0x1b: {  	s9 =	sadd.s32 $0xFFFFFEF7, lr;
	s5 =	simm.s32 $0xFFFFFFFF;
	p2 =	slt.u32 s8, $0xFFFFF086  }
0x1c: {  	p1 =	slt.u32 s9, $0xF7A;
	s5 =	simm.s32 @!p2 $0x0  }
0x1d: {  	s5 =	simm.s32 @p1 $0x1;
	p0 =	seq.s32 s7, s2  }
0x1e: {  	s7 =	smul.u32 @!p0 $0xF7A, s2;
	p2 =	seq.s32 @!p0 s5, $0x0  }
0x1f: {  	s9 =	smul.u32 $0xF7A, s1;
	s8 =	simm.s32 @!p0 $0x1BF5;
	p2 =	por !p2, p0  }
0x20: {  	[sflag:s8] =	ssyncset.s32 @!p0 $0xFFFFF086;
	s6 =	sadd.s32 @!p0 s3, s7;
	s7 =	simm.s32 @!p0 $0x108  }
0x21: {  	s3 =	sadd.s32 s3, s9;
	s6 =	sadd.s32 @!p0 $0x88, s6;
	s7 =	simm.s32 @p2 $0x1082  }
0x22: {  	[simem:s7], [sflag:s8] =	dma.local @!p0 [hbm:s6], $0xF7A  }
0x23: {  	s9 =	sor.u32 $0xD0000000, s2;
	s6 =	simm.s32 $0x108;
	_ =	swait.ge @!p0 [sflag:s8], $0x0  }
0x24: {  	s3 =	sadd.s32 $0x88, s3;
	s6 =	simm.s32 @!p1 $0x1082;
	[sflag:s4] =	ssyncset.s32 $0xFFFFF086  }
0x25: {  	[simem:s6], [sflag:s4] =	dma.local [hbm:s3], $0xF7A  }
0x26: {  	[smem:$0x3F9F] =	sst s1;
	(tag) =	ssettag s2;
	_ =	strace s9  }
0x27: {  	s1 =	sld [smem:$0x3FAF]  }
0x28: {  	s2 =	sld [smem:$0x3FB0]  }
0x29: {  	s4 =	sld [smem:$0x3FB2]  }
0x2a: {  	p0 =	seq.s32 s5, $0x0;
	s5 =	sld [smem:$0x3FB3]  }
0x2b: {  	s6 =	sld [smem:$0x3FB4]  }
0x2c: {  	s7 =	sld [smem:$0x3FB5]  }
0x2d: {  	s3 =	simm.s32 $0x108;
	s8 =	sld [smem:$0x3FB6]  }
0x2e: {  	s3 =	simm.s32 @!p0 $0x1082;
	s9 =	sld [smem:$0x3FB7]  }
0x2f: {  	lr =	sadd.s32 s0, s3;
	s0 =	sld [smem:$0x3FAE]  }
0x30: {  	s3 =	sld [smem:$0x3FB1]  }
0x31: {  	[smem:$0x3FBA] =	sst s10  }
0x32: {  	s10 =	sld [smem:$0x3FB8];
	_ =	sdelay $0x3  }
0x33: {  	p0 =	seq.s32 s10, $0x1;
	s10 =	sld [smem:$0x3FBA];
	_ =	sdelay $0x3  }
0x34: {  	[smem:$0x3FBA] =	sst s10  }
0x35: {  	s10 =	sld [smem:$0x3FB9];
	_ =	sdelay $0x3  }
0x36: {  	p1 =	seq.s32 s10, $0x1;
	s10 =	sld [smem:$0x3FBA];
	_ =	sdelay $0x3  }
0x37: {  	[smem:$0x3FBA] =	sst s10  }
0x38: {  	s10 =	sld [smem:$0x3FBB]  }
0x39: {  	_ = 	snop;
	(pc) =	sbr.ind lr, $3  }
0x3a: {  	_ = 	snop  }
0x3b: {  	_ = 	snop  }
0x3c: {  	p2 =	seq.s32 s10, $0x1;
	s10 =	sld [smem:$0x3FBA]  }
0x3d: {  	_ =	shalt  }
0x3e: {  	_ =	shalt  }
0x3f: {  	_ =	shalt  }
0x40: {  	_ =	shalt  }
0x41: {  	_ =	shalt  }
0x42: {  	_ =	shalt  }
0x43: {  	_ =	shalt  }
0x44: {  	_ =	shalt  }
0x45: {  	_ =	shalt  }
0x46: {  	_ =	shalt  }
0x47: {  	_ =	shalt  }
0x48: {  	_ =	shalt  }
0x49: {  	_ =	shalt  }
0x4a: {  	_ =	shalt  }
0x4b: {  	_ =	shalt  }
0x4c: {  	_ =	shalt  }
0x4d: {  	_ =	shalt  }
0x4e: {  	_ =	shalt  }
0x4f: {  	_ =	shalt  }
0x50: {  	_ =	shalt  }
0x51: {  	_ =	shalt  }
0x52: {  	_ =	shalt  }
0x53: {  	_ =	shalt  }
0x54: {  	_ =	shalt  }
0x55: {  	_ =	shalt  }
0x56: {  	_ =	shalt  }
0x57: {  	_ =	shalt  }
0x58: {  	_ =	shalt  }
0x59: {  	_ =	shalt  }
0x5a: {  	_ =	shalt  }
0x5b: {  	_ =	shalt  }
0x5c: {  	_ =	shalt  }
0x5d: {  	_ =	shalt  }
0x5e: {  	_ =	shalt  }
0x5f: {  	_ =	shalt  }
0x60: {  	_ =	shalt  }
0x61: {  	_ =	shalt  }
0x62: {  	_ =	shalt  }
0x63: {  	_ =	shalt  }
0x64: {  	_ =	shalt  }
0x65: {  	_ =	shalt  }
0x66: {  	_ =	shalt  }
0x67: {  	_ =	shalt  }
0x68: {  	_ =	shalt  }
0x69: {  	_ =	shalt  }
0x6a: {  	_ =	shalt  }
0x6b: {  	_ =	shalt  }
0x6c: {  	_ =	shalt  }
0x6d: {  	_ =	shalt  }
0x6e: {  	_ =	shalt  }
0x6f: {  	_ =	shalt  }
0x70: {  	_ =	shalt  }
0x71: {  	_ =	shalt  }
0x72: {  	_ =	shalt  }
0x73: {  	_ =	shalt  }
0x74: {  	_ =	shalt  }
0x75: {  	_ =	shalt  }
0x76: {  	_ =	shalt  }
0x77: {  	_ =	shalt  }
0x78: {  	_ =	shalt  }
0x79: {  	_ =	shalt  }
0x7a: {  	_ =	shalt  }
0x7b: {  	_ =	shalt  }
0x7c: {  	_ =	shalt  }
0x7d: {  	_ =	shalt  }
0x7e: {  	_ =	shalt  }
0x7f: {  	_ =	shalt  }
0x80: {  	_ =	shalt  }
0x81: {  	_ =	shalt  }
0x82: {  	_ =	shalt  }
0x83: {  	_ =	shalt  }
0x84: {  	_ =	shalt  }
0x85: {  	_ =	shalt  }
0x86: {  	_ =	shalt  }
0x87: {  	_ =	shalt  }
.Lfunc_end0:
.L_simem_size_0:
called_computation.1_lowered:
.L_overlay_start_0:
0x88: {  	s2 =	sld [smem:$0x3FD9]  }
0x89: {  	s3 =	sld [smem:$0x3FFE];
	_ =	sdelay $0x1  }
0x8a: {  	s1 =	srdreg.scid  }
0x8b: {  	s0 =	sand.u32 $0x1, s1  }
0x8c: {  	s17 =	sshll.u32 s0, $0xA;
	s2 =	sadd.s32 s3, s2  }
0x8d: {  	s2 =	sadd.s32 s2, s17  }
0x8e: {  	[smem:$0x3FC6] =	sst s2  }
0x8f: {  	_ = 	snop  }
0x90: {  	s2 =	sld [smem:$0x3FD0];
	(tm) =	ssettm $0x1  }
0x91: {  	s18 =	sld [smem:$0x3FFB];
	_ =	sdelay $0x3  }
0x92: {  	_ =	strace s18  }
0x93: {  	s3 =	sld [smem:$0x3FFC];
	_ =	sdelay $0x3  }
0x94: {  	_ =	strace s3  }
0x95: {  	s3 =	sld [smem:$0x3FFD];
	_ =	sdelay $0x3  }
0x96: {  	_ =	strace s3  }
0x97: {  	_ =	strace $0x8FFFFFFF  }
0x98: {  	s19 =	sld [smem:$0x3FDB];
	_ =	sdelay $0x1  }
0x99: {  	s4 =	simm.s32 $_scs_section_size  }
0x9a: {  	s5 =	simm.s32 $_size__tile_overlayer_lowered;
	s6 =	simm.s32 $_tile_overlayer_lowered  }
0x9b: {  	s22 =	simm.s32 $0x1BFF;
	s21 =	sshll.u32 s6, $0x1;
	s3 =	sadd.s32 s4, s19  }
0x9c: {  	s7 =	simm.s32 $0x0;
	s20 =	sshll.u32 s5, $0x1;
	s5 =	sadd.s32 s21, s3  }
0x9d: {  	[timem:s7], [sflag:s22] =	dma.local [hbm:s5], s20  }
0x9e: {  	_ =	swait.ge [sflag:s22], s20  }
0x9f: {  	s4 =	ssub.s32 $0x0, s20;
	[sflag:s22] =	ssyncset.done $0x0  }
0xa0: {  	[sflag:s22] =	ssyncadd.s32 s4;
	_ =	sdelay $0x1  }
0xa1: {  	s23 =	simm.s32 $0x1B8B  }
0xa2: {  	_ =	swait.ge [sflag:s23], $0x1  }
0xa3: {  	[sflag:s23] =	ssyncset.done $0x0  }
0xa4: {  	s25 =	simm.s32 $0x1B8E;
	s24 =	sld [smem:$0x3FFE];
	[sflag:s23] =	ssyncadd.s32 $0xFFFFFFFF  }
0xa5: {  	s26 =	simm.s32 $execute0_lowered;
	[smem:$0x3FD2] =	sst s25  }
0xa6: {  	s5 =	sshll.u32 s26, $0x1;
	_ =	strace $0x80000046;
	[dreg:$0x1] =	wrdreg $0xFFFFFFFF  }
0xa7: {  	s28 =	simm.s32 $_size_execute0_lowered;
	s3 =	sadd.s32 s3, s5;
	[dreg:$0x0] =	wrdreg $0x0  }
0xa8: {  	s5 =	sshll.u32 s28, $0x1;
	[dreg:$0x2] =	wrdreg s3  }
0xa9: {  	[dreg:$0x3] =	wrdreg s5  }
0xaa: {  	[dreg:$0x4] =	wrdreg $0xC0  }
0xab: {  	_ =	task [dreg:s7], $0x5FFFF  }
0xac: {  	[dreg:$0x1] =	wrdreg $0xFFFFFFFF  }
0xad: {  	[dreg:$0x0] =	wrdreg $0x60  }
0xae: {  	[dreg:$0x2] =	wrdreg s24  }
0xaf: {  	[dreg:$0x3] =	wrdreg s2  }
0xb0: {  	[dreg:$0x4] =	wrdreg $0x9  }
0xb1: {  	_ =	task.clear_ibuf [dreg:s7], $0x5FFFF;
	_ =	strace $0x90000046  }
0xb2: {  	s29 =	simm.s32 $0x9;
	_ =	strace $0x80000048  }
0xb3: {  	_ =	swait.ge [sflag:s29], $0x1  }
0xb4: {  	[sflag:s29] =	ssyncadd.s32 $0xFFFFFFFF  }
0xb5: {  	_ =	strace $0x90000048  }
0xb6: {  	_ =	sfence  }
0xb7: {  	s30 =	sld [smem:$0x0];
	_ =	sdelay $0x2  }
0xb8: {  	s31 =	sshll.u32 s1, $0xD;
	s1 =	sshrl.u32 s1, $0x2  }
0xb9: {  	s3 =	sand.u32 $0x4000, s31;
	s1 =	sadd.s32 s1, s30  }
0xba: {  	s0 =	sor.u32 s3, s0;
	s1 =	sshll.u32 s1, $0x11  }
0xbb: {  	s0 =	sor.u32 s1, s0  }
0xbc: {  	s0 =	sadd.s32 $0x8F2B, s0  }
0xbd: {  	[sflag:s0] =	ssyncadd.remote.s32 $0x1  }
0xbe: {  	_ =	sfence.sel $0xFFFF  }
0xbf: {  	[dreg:$0x0] =	wrdreg $0xFFFFFFFF;
	(pc) =	sbr.abs _section_cstart, $3  }
0xc0: {  	[dreg:$0x1] =	wrdreg $0xFFFFFFFF  }
0xc1: {  	_ =	task.clear_ibuf [dreg:s7], $0x2FFFF;
	_ =	strace $0x9FFFFFFF  }
0xc2: {  	(tm) =	ssettm $0x7FFFFFFF  }
0xc3: {  	_ =	shalt  }
tec
execute0_lowered:
.L_overlay_start_1:
0x0: {  	(tag) =	ssettag $0x1  }
0x1: {  	s0 =	rddreg [dreg:$0x0];
	s1 =	srdreg.scid  }
0x2: {  	s3 =	stileid.u32;
	s2 =	rddreg [dreg:$0x1];
	s12 =	simm.s32 $0x80  }
0x3: {  	s18 =	simm.s32 $0xC400;
	s19 =	simm.s32 $0x1;
	s20 =	simm.s32 $0xE400  }
0x4: {  	s21 =	simm.s32 $0x2;
	s22 =	simm.s32 $0x10400;
	s23 =	simm.s32 $0x3  }
0x5: {  	s24 =	simm.s32 $0x12400;
	s28 =	simm.s32 $0x5;
	s29 =	simm.s32 $0x6  }
0x6: {  	s30 =	simm.s32 $0x7;
	s1 =	sand.u32 $0x1, s1;
	s4 =	sshll.u32 s3, $0x1  }
0x7: {  	s31 =	simm.s32 $0x8;
	s17 =	simm.s32 $0xC;
	s4 =	sor.u32 s1, s4  }
0x8: {  	s3 =	simm.s32 $0x0;
	s1 =	ssub.s32 $0x2, s1;
	s5 =	smul.u32 $0xC80, s4  }
0x9: {  	[smem:$0x7FF] =	sst s3;
	s7 =	sshrl.u32 s1, $0x1;
	s4 =	smul.u32 $0x190000, s4  }
.Ltmp0:
0xa: {  	_ =	strace $0x80000047;
	s25 =	ssub.s32 s1, s7;
	(pc) =	sbr.rel .LBB2_1-.Ltmp0, $4  }
0xb: {  	s6 =	sadd.s32 s5, s0;
	s5 =	sadd.s32 $0xF42E00, s0;
	s7 =	sor.u32 $0x2000, s4  }
0xc: {  	s8 =	sor.u32 $0x4000, s4;
	s9 =	sor.u32 $0x6000, s4;
	s0 =	smax.u32 s25, $0x1  }
0xd: {  	s25 =	simm.s32 $0x4;
	s26 =	sadd.s32 $0xA00, s6;
	[dreg:$0x4] =	wrdreg s0  }
0xe: {  	s6 =	simm.s32 $0x0;
	[dreg:$0x3] =	wrdreg s26;
	s26 =	simm.s32 $0x14400  }
.LBB2_20:
0xf: {  	s0 =	simm.s32 $0x9  }
0x10: {  	_ =	swait.ge [sflag:s0], $0x2000  }
0x11: {  	[sflag:s0] =	ssyncset.done $0x0  }
0x12: {  	s10 =	simm.s32 $0xA;
	[sflag:s0] =	ssyncadd.s32 $0xFFFFE000  }
0x13: {  	_ =	swait.ge [sflag:s10], $0x2000  }
0x14: {  	[sflag:s10] =	ssyncset.done $0x0  }
0x15: {  	s11 =	simm.s32 $0xB;
	[sflag:s10] =	ssyncadd.s32 $0xFFFFE000  }
0x16: {  	_ =	swait.ge [sflag:s11], $0x2000  }
0x17: {  	[sflag:s11] =	ssyncset.done $0x0  }
0x18: {  	[sflag:s11] =	ssyncadd.s32 $0xFFFFE000  }
0x19: {  	_ =	swait.ge [sflag:s17], $0x2000  }
0x1a: {  	[sflag:s17] =	ssyncset.done $0x0  }
0x1b: {  	s13 =	simm.s32 $0xD;
	[sflag:s17] =	ssyncadd.s32 $0xFFFFE000  }
0x1c: {  	_ =	swait.ge [sflag:s13], $0x2000  }
0x1d: {  	[sflag:s13] =	ssyncset.done $0x0  }
0x1e: {  	s14 =	simm.s32 $0xE;
	[sflag:s13] =	ssyncadd.s32 $0xFFFFE000  }
0x1f: {  	_ =	swait.ge [sflag:s14], $0x2000  }
0x20: {  	[sflag:s14] =	ssyncset.done $0x0  }
0x21: {  	s15 =	simm.s32 $0xF;
	[sflag:s14] =	ssyncadd.s32 $0xFFFFE000  }
0x22: {  	_ =	swait.ge [sflag:s15], $0x2000  }
0x23: {  	[sflag:s15] =	ssyncset.done $0x0  }
0x24: {  	s1 =	simm.s32 $0x10;
	[sflag:s15] =	ssyncadd.s32 $0xFFFFE000  }
0x25: {  	_ =	swait.ge [sflag:s1], $0x2000  }
0x26: {  	s6 =	rddreg [dreg:$0x5]  }
0x27: {  	s16 =	rddreg [dreg:$0x4];
	s6 =	sadd.s32 $0x1, s6  }
0x28: {  	p0 =	sne.s32 s6, s16  }
.Ltmp1:
0x29: {  	_ = 	snop;
	(pc) =	sbr.rel @!p0 .LBB2_21-.Ltmp1, $3  }
0x2a: {  	_ =	sdelay $0x1  }
0x2b: {  	[sflag:s1] =	ssyncset.done $0x0  }
0x2c: {  	[sflag:s1] =	ssyncadd.s32 $0xFFFFE000  }
.LBB2_1:
0x2d: {  	[dreg:$0x5] =	wrdreg s6  }
0x2e: {  	s0 =	rddreg [dreg:$0x3];
	s11 =	simm.s32 $0x11  }
0x2f: {  	[tilespmem:s3], [sflag:$0x11] =	stream.linear.gather [hbm4b:s0+s3], $0x6400, $0x38;
	[tilespmem:$0x16400] =	vst v63  }
0x30: {  	_ =	swait.ge [sflag:s11], $0x6400  }
0x31: {  	[sflag:s11] =	ssyncset.done $0x0  }
0x32: {  	s13 =	simm.s32 $0x6400;
	[sflag:s11] =	ssyncadd.s32 $0xFFFF9C00  }
0x33: {  	[tilespmem:s13], [sflag:$0x1] =	stream.indirect.gather [hbm4b:s5+s12], $0x40, s3, s12, $0xb8;
	[tilespmem:$0x16400] =	vst v63  }
0x34: {  	s14 =	simm.s32 $0x8400  }
0x35: {  	[tilespmem:s14], [sflag:$0x2] =	stream.indirect.gather [hbm4b:s5+s12], $0x40, s12, s12, $0xb8;
	[tilespmem:$0x16400] =	vst v63  }
0x36: {  	s15 =	simm.s32 $0x100;
	s1 =	simm.s32 $0xA400  }
0x37: {  	[tilespmem:s1], [sflag:$0x3] =	stream.indirect.gather [hbm4b:s5+s12], $0x40, s15, s12, $0xb8;
	[tilespmem:$0x16400] =	vst v63  }
0x38: {  	s16 =	simm.s32 $0x180;
	s15 =	simm.s32 $0x0  }
0x39: {  	[tilespmem:s18], [sflag:$0x4] =	stream.indirect.gather [hbm4b:s5+s12], $0x40, s16, s12, $0xb8;
	[tilespmem:$0x16400] =	vst v63  }
.LBB2_2:
0x3a: {  	_ =	swait.ge [sflag:s19], $0x2000  }
0x3b: {  	[sflag:s19] =	ssyncset.done $0x0  }
0x3c: {  	s0 =	simm.s32 $0x6480;
	[sflag:s19] =	ssyncadd.s32 $0xFFFFE000  }
0x3d: {  	v0 =	vld [tilespmem:s0+$0xFFFFFF80]  }
0x3e: {  	v1 =	vld [tilespmem:s0+$0xFFFFFF90]  }
0x3f: {  	v2 =	vld [tilespmem:s0+$0xFFFFFFA0]  }
0x40: {  	v3 =	vld [tilespmem:s0+$0xFFFFFFB0]  }
0x41: {  	v4 =	vld [tilespmem:s0+$0xFFFFFFC0]  }
0x42: {  	v5 =	vld [tilespmem:s0+$0xFFFFFFD0];
	v0 =	vmul.f32 $8.000000000e+00, v0  }
0x43: {  	v6 =	vld [tilespmem:s0+$0xFFFFFFE0];
	v1 =	vmul.f32 $8.000000000e+00, v1  }
0x44: {  	[tilespmem:s0+$0xFFFFFF80] =	vst v0;
	v0 =	vmul.f32 $8.000000000e+00, v2;
	v2 =	vld [tilespmem:s0+$0x0]  }
0x45: {  	[tilespmem:s0+$0xFFFFFF90] =	vst v1;
	v1 =	vmul.f32 $8.000000000e+00, v3;
	v3 =	vld [tilespmem:s0+$0x10]  }
0x46: {  	[tilespmem:s0+$0xFFFFFFA0] =	vst v0;
	v0 =	vmul.f32 $8.000000000e+00, v4;
	v4 =	vld [tilespmem:s0+$0x20]  }
0x47: {  	v7 =	vld [tilespmem:s0+$0x30];
	[tilespmem:s0+$0xFFFFFFB0] =	vst v1;
	v1 =	vmul.f32 $8.000000000e+00, v5  }
0x48: {  	v5 =	vmul.f32 $8.000000000e+00, v6;
	[tilespmem:s0+$0xFFFFFFC0] =	vst v0;
	v0 =	vld [tilespmem:s0+$0x40]  }
0x49: {  	[tilespmem:s0+$0xFFFFFFD0] =	vst v1;
	v1 =	vmul.f32 $8.000000000e+00, v2;
	v2 =	vld [tilespmem:s0+$0x50]  }
0x4a: {  	[tilespmem:s0+$0xFFFFFFE0] =	vst v5;
	v6 =	vmul.f32 $8.000000000e+00, v3;
	v3 =	vld [tilespmem:s0+$0x60]  }
0x4b: {  	[tilespmem:s0+$0x0] =	vst v1;
	v5 =	vmul.f32 $8.000000000e+00, v4;
	v4 =	vld [tilespmem:s0+$0x70]  }
0x4c: {  	s1 =	simm.s32 $0x0;
	s6 =	simm.s32 $0x6580;
	v1 =	vld [tilespmem:s0+$0xFFFFFFF0];
	[tilespmem:s0+$0x10] =	vst v6;
	v6 =	vmul.f32 $8.000000000e+00, v7  }
.LBB2_3:
0x4d: {  	v7 =	vld [tilespmem:s6+$0xFFFFFF80];
	[tilespmem:s0+$0x20] =	vst v5;
	v0 =	vmul.f32 $8.000000000e+00, v0  }
0x4e: {  	v5 =	vld [tilespmem:s6+$0xFFFFFF90];
	[tilespmem:s0+$0x30] =	vst v6;
	v2 =	vmul.f32 $8.000000000e+00, v2  }
0x4f: {  	v6 =	vld [tilespmem:s6+$0xFFFFFFA0];
	[tilespmem:s0+$0x40] =	vst v0;
	v0 =	vmul.f32 $8.000000000e+00, v3  }
0x50: {  	v3 =	vld [tilespmem:s6+$0xFFFFFFB0];
	[tilespmem:s0+$0x50] =	vst v2;
	v2 =	vmul.f32 $8.000000000e+00, v4  }
0x51: {  	v4 =	vld [tilespmem:s6+$0xFFFFFFC0];
	v1 =	vmul.f32 $8.000000000e+00, v1;
	[tilespmem:s0+$0x60] =	vst v0  }
0x52: {  	v0 =	vmul.f32 $8.000000000e+00, v7;
	v7 =	vld [tilespmem:s6+$0xFFFFFFD0];
	[tilespmem:s0+$0x70] =	vst v2  }
0x53: {  	v2 =	vmul.f32 $8.000000000e+00, v5;
	v5 =	vld [tilespmem:s6+$0xFFFFFFE0];
	[tilespmem:s0+$0xFFFFFFF0] =	vst v1;
	s0 =	smov.u32 s6  }
0x54: {  	[tilespmem:s6+$0xFFFFFF80] =	vst v0;
	v0 =	vmul.f32 $8.000000000e+00, v6;
	v1 =	vld [tilespmem:s6+$0x0]  }
0x55: {  	[tilespmem:s6+$0xFFFFFF90] =	vst v2;
	v2 =	vmul.f32 $8.000000000e+00, v3;
	v3 =	vld [tilespmem:s6+$0x10]  }
0x56: {  	s1 =	sadd.s32 $0x4, s1;
	[tilespmem:s6+$0xFFFFFFA0] =	vst v0;
	v0 =	vmul.f32 $8.000000000e+00, v4;
	v4 =	vld [tilespmem:s6+$0x20]  }
0x57: {  	p0 =	slt.u32 s1, $0x7C;
	[tilespmem:s6+$0xFFFFFFB0] =	vst v2;
	v2 =	vmul.f32 $8.000000000e+00, v7;
	v6 =	vld [tilespmem:s6+$0x30]  }
.Ltmp2:
0x58: {  	[tilespmem:s6+$0xFFFFFFC0] =	vst v0;
	v5 =	vmul.f32 $8.000000000e+00, v5;
	v0 =	vld [tilespmem:s6+$0x40];
	(pc) =	sbr.rel @p0 .LBB2_3-.Ltmp2, $4  }
0x59: {  	[tilespmem:s6+$0xFFFFFFD0] =	vst v2;
	v1 =	vmul.f32 $8.000000000e+00, v1;
	v2 =	vld [tilespmem:s6+$0x50]  }
0x5a: {  	[tilespmem:s6+$0xFFFFFFE0] =	vst v5;
	v7 =	vmul.f32 $8.000000000e+00, v3;
	v3 =	vld [tilespmem:s6+$0x60]  }
0x5b: {  	[tilespmem:s6+$0x0] =	vst v1;
	v5 =	vmul.f32 $8.000000000e+00, v4;
	v4 =	vld [tilespmem:s6+$0x70]  }
0x5c: {  	s6 =	sadd.s32 $0x100, s6;
	v1 =	vld [tilespmem:s0+$0xFFFFFFF0];
	[tilespmem:s0+$0x10] =	vst v7;
	v6 =	vmul.f32 $8.000000000e+00, v6  }
0x5d: {  	[tilespmem:s0+$0x20] =	vst v5;
	v0 =	vmul.f32 $8.000000000e+00, v0  }
0x5e: {  	[tilespmem:s0+$0x30] =	vst v6;
	v2 =	vmul.f32 $8.000000000e+00, v2  }
0x5f: {  	[tilespmem:s0+$0x40] =	vst v0;
	v0 =	vmul.f32 $8.000000000e+00, v3  }
0x60: {  	s6 =	sshll.u32 s15, $0x10;
	[tilespmem:s0+$0x50] =	vst v2;
	v2 =	vmul.f32 $8.000000000e+00, v4  }
0x61: {  	s1 =	sadd.s32 s4, s6;
	v1 =	vmul.f32 $8.000000000e+00, v1;
	[tilespmem:s0+$0x60] =	vst v0  }
0x62: {  	s14 =	simm.s32 $0x6400;
	p0 =	seq.s32 s15, $0x0;
	s1 =	sshrl.u32 s1, $0x3;
	[tilespmem:s0+$0x70] =	vst v2  }
0x63: {  	s10 =	simm.s32 @!p0 $0xD;
	s13 =	sadd.s32 s2, s1;
	[tilespmem:s0+$0xFFFFFFF0] =	vst v1;
	s0 =	sshll.u32 s15, $0x3  }
0x64: {  	[hbm4b:s13+s3] =	stream.linear.scatter [tilespmem:s14], [sflag:$0x9], $0x2000, $0x38;
	[tilespmem:$0x16400] =	vst v63  }
0x65: {  	s1 =	sor.u32 $0x4, s0;
	_ =	swait.ge @!p0 [sflag:s10], $0x2000  }
0x66: {  	s11 =	sshll.u32 s1, $0x7;
	[sflag:s10] =	ssyncset.done @!p0 $0x0  }
0x67: {  	s16 =	sand.u32 $0x3FFFFF80, s11;
	[sflag:s10] =	ssyncadd.s32 @!p0 $0xFFFFE000  }
0x68: {  	[tilespmem:s20], [sflag:$0x5] =	stream.indirect.gather [hbm4b:s5+s12], $0x40, s16, s12, $0xb8;
	[tilespmem:$0x16400] =	vst v63  }
0x69: {  	_ =	swait.ge [sflag:s21], $0x2000  }
0x6a: {  	[sflag:s21] =	ssyncset.done $0x0  }
0x6b: {  	s10 =	simm.s32 $0x8480;
	[sflag:s21] =	ssyncadd.s32 $0xFFFFE000  }
0x6c: {  	v0 =	vld [tilespmem:s10+$0xFFFFFF80]  }
0x6d: {  	v1 =	vld [tilespmem:s10+$0xFFFFFF90]  }
0x6e: {  	v2 =	vld [tilespmem:s10+$0xFFFFFFA0]  }
0x6f: {  	v3 =	vld [tilespmem:s10+$0xFFFFFFB0]  }
0x70: {  	v4 =	vld [tilespmem:s10+$0xFFFFFFC0]  }
0x71: {  	v5 =	vld [tilespmem:s10+$0xFFFFFFD0];
	v0 =	vmul.f32 $8.000000000e+00, v0  }
0x72: {  	v6 =	vld [tilespmem:s10+$0xFFFFFFE0];
	v1 =	vmul.f32 $8.000000000e+00, v1  }
0x73: {  	[tilespmem:s10+$0xFFFFFF80] =	vst v0;
	v0 =	vmul.f32 $8.000000000e+00, v2;
	v2 =	vld [tilespmem:s10+$0x0]  }
0x74: {  	[tilespmem:s10+$0xFFFFFF90] =	vst v1;
	v1 =	vmul.f32 $8.000000000e+00, v3;
	v3 =	vld [tilespmem:s10+$0x10]  }
0x75: {  	[tilespmem:s10+$0xFFFFFFA0] =	vst v0;
	v0 =	vmul.f32 $8.000000000e+00, v4;
	v4 =	vld [tilespmem:s10+$0x20]  }
0x76: {  	v7 =	vld [tilespmem:s10+$0x30];
	[tilespmem:s10+$0xFFFFFFB0] =	vst v1;
	v1 =	vmul.f32 $8.000000000e+00, v5  }
0x77: {  	v5 =	vmul.f32 $8.000000000e+00, v6;
	[tilespmem:s10+$0xFFFFFFC0] =	vst v0;
	v0 =	vld [tilespmem:s10+$0x40]  }
0x78: {  	[tilespmem:s10+$0xFFFFFFD0] =	vst v1;
	v1 =	vld [tilespmem:s10+$0x50];
	v2 =	vmul.f32 $8.000000000e+00, v2  }
0x79: {  	[tilespmem:s10+$0xFFFFFFE0] =	vst v5;
	v6 =	vmul.f32 $8.000000000e+00, v3;
	v3 =	vld [tilespmem:s10+$0x60]  }
0x7a: {  	[tilespmem:s10+$0x0] =	vst v2;
	v5 =	vmul.f32 $8.000000000e+00, v4;
	v4 =	vld [tilespmem:s10+$0x70]  }
0x7b: {  	s13 =	simm.s32 $0x8580;
	s11 =	simm.s32 $0x0;
	v2 =	vld [tilespmem:s10+$0xFFFFFFF0];
	[tilespmem:s10+$0x10] =	vst v6;
	v6 =	vmul.f32 $8.000000000e+00, v7  }
.LBB2_5:
0x7c: {  	v7 =	vld [tilespmem:s13+$0xFFFFFF80];
	[tilespmem:s10+$0x20] =	vst v5;
	v0 =	vmul.f32 $8.000000000e+00, v0  }
0x7d: {  	v5 =	vld [tilespmem:s13+$0xFFFFFF90];
	[tilespmem:s10+$0x30] =	vst v6;
	v1 =	vmul.f32 $8.000000000e+00, v1  }
0x7e: {  	v6 =	vld [tilespmem:s13+$0xFFFFFFA0];
	[tilespmem:s10+$0x40] =	vst v0;
	v0 =	vmul.f32 $8.000000000e+00, v3  }
0x7f: {  	v3 =	vld [tilespmem:s13+$0xFFFFFFB0];
	[tilespmem:s10+$0x50] =	vst v1;
	v1 =	vmul.f32 $8.000000000e+00, v4  }
0x80: {  	v4 =	vld [tilespmem:s13+$0xFFFFFFC0];
	v2 =	vmul.f32 $8.000000000e+00, v2;
	[tilespmem:s10+$0x60] =	vst v0  }
0x81: {  	v0 =	vmul.f32 $8.000000000e+00, v7;
	v7 =	vld [tilespmem:s13+$0xFFFFFFD0];
	[tilespmem:s10+$0x70] =	vst v1  }
0x82: {  	v1 =	vmul.f32 $8.000000000e+00, v5;
	v5 =	vld [tilespmem:s13+$0xFFFFFFE0];
	[tilespmem:s10+$0xFFFFFFF0] =	vst v2;
	s10 =	smov.u32 s13  }
0x83: {  	[tilespmem:s13+$0xFFFFFF80] =	vst v0;
	v0 =	vmul.f32 $8.000000000e+00, v6;
	v2 =	vld [tilespmem:s13+$0x0]  }
0x84: {  	[tilespmem:s13+$0xFFFFFF90] =	vst v1;
	v1 =	vmul.f32 $8.000000000e+00, v3;
	v3 =	vld [tilespmem:s13+$0x10]  }
0x85: {  	s11 =	sadd.s32 $0x4, s11;
	[tilespmem:s13+$0xFFFFFFA0] =	vst v0;
	v0 =	vmul.f32 $8.000000000e+00, v4;
	v4 =	vld [tilespmem:s13+$0x20]  }
0x86: {  	p1 =	slt.u32 s11, $0x7C;
	[tilespmem:s13+$0xFFFFFFB0] =	vst v1;
	v1 =	vmul.f32 $8.000000000e+00, v7;
	v6 =	vld [tilespmem:s13+$0x30]  }
.Ltmp3:
0x87: {  	[tilespmem:s13+$0xFFFFFFC0] =	vst v0;
	v5 =	vmul.f32 $8.000000000e+00, v5;
	v0 =	vld [tilespmem:s13+$0x40];
	(pc) =	sbr.rel @p1 .LBB2_5-.Ltmp3, $4  }
0x88: {  	[tilespmem:s13+$0xFFFFFFD0] =	vst v1;
	v2 =	vmul.f32 $8.000000000e+00, v2;
	v1 =	vld [tilespmem:s13+$0x50]  }
0x89: {  	[tilespmem:s13+$0xFFFFFFE0] =	vst v5;
	v7 =	vmul.f32 $8.000000000e+00, v3;
	v3 =	vld [tilespmem:s13+$0x60]  }
0x8a: {  	[tilespmem:s13+$0x0] =	vst v2;
	v5 =	vmul.f32 $8.000000000e+00, v4;
	v4 =	vld [tilespmem:s13+$0x70]  }
0x8b: {  	s13 =	sadd.s32 $0x100, s13;
	v2 =	vld [tilespmem:s10+$0xFFFFFFF0];
	[tilespmem:s10+$0x10] =	vst v7;
	v6 =	vmul.f32 $8.000000000e+00, v6  }
0x8c: {  	[tilespmem:s10+$0x20] =	vst v5;
	v0 =	vmul.f32 $8.000000000e+00, v0  }
0x8d: {  	[tilespmem:s10+$0x30] =	vst v6;
	v1 =	vmul.f32 $8.000000000e+00, v1  }
0x8e: {  	[tilespmem:s10+$0x40] =	vst v0;
	v0 =	vmul.f32 $8.000000000e+00, v3  }
0x8f: {  	[tilespmem:s10+$0x50] =	vst v1;
	v1 =	vmul.f32 $8.000000000e+00, v4  }
0x90: {  	s11 =	sadd.s32 s6, s7;
	v2 =	vmul.f32 $8.000000000e+00, v2;
	[tilespmem:s10+$0x60] =	vst v0  }
0x91: {  	s11 =	sshrl.u32 s11, $0x3;
	[tilespmem:s10+$0x70] =	vst v1  }
0x92: {  	s14 =	simm.s32 $0x8400;
	s13 =	sadd.s32 s2, s11;
	[tilespmem:s10+$0xFFFFFFF0] =	vst v2;
	s10 =	simm.s32 @!p0 $0xE  }
0x93: {  	[hbm4b:s13+s3] =	stream.linear.scatter [tilespmem:s14], [sflag:$0xA], $0x2000, $0x38;
	[tilespmem:$0x16400] =	vst v63  }
0x94: {  	s11 =	sor.u32 $0x5, s0;
	_ =	swait.ge @!p0 [sflag:s10], $0x2000  }
0x95: {  	s13 =	sshll.u32 s11, $0x7;
	[sflag:s10] =	ssyncset.done @!p0 $0x0  }
0x96: {  	s16 =	sand.u32 $0x3FFFFF80, s13;
	[sflag:s10] =	ssyncadd.s32 @!p0 $0xFFFFE000  }
0x97: {  	[tilespmem:s22], [sflag:$0x6] =	stream.indirect.gather [hbm4b:s5+s12], $0x40, s16, s12, $0xb8;
	[tilespmem:$0x16400] =	vst v63  }
0x98: {  	_ =	swait.ge [sflag:s23], $0x2000  }
0x99: {  	[sflag:s23] =	ssyncset.done $0x0  }
0x9a: {  	s10 =	simm.s32 $0xA480;
	[sflag:s23] =	ssyncadd.s32 $0xFFFFE000  }
0x9b: {  	v0 =	vld [tilespmem:s10+$0xFFFFFF80]  }
0x9c: {  	v1 =	vld [tilespmem:s10+$0xFFFFFF90]  }
0x9d: {  	v2 =	vld [tilespmem:s10+$0xFFFFFFA0]  }
0x9e: {  	v3 =	vld [tilespmem:s10+$0xFFFFFFB0]  }
0x9f: {  	v4 =	vld [tilespmem:s10+$0xFFFFFFC0]  }
0xa0: {  	v5 =	vld [tilespmem:s10+$0xFFFFFFD0];
	v0 =	vmul.f32 $8.000000000e+00, v0  }
0xa1: {  	v6 =	vld [tilespmem:s10+$0xFFFFFFE0];
	v1 =	vmul.f32 $8.000000000e+00, v1  }
0xa2: {  	[tilespmem:s10+$0xFFFFFF80] =	vst v0;
	v0 =	vmul.f32 $8.000000000e+00, v2;
	v2 =	vld [tilespmem:s10+$0x0]  }
0xa3: {  	[tilespmem:s10+$0xFFFFFF90] =	vst v1;
	v1 =	vmul.f32 $8.000000000e+00, v3;
	v3 =	vld [tilespmem:s10+$0x10]  }
0xa4: {  	[tilespmem:s10+$0xFFFFFFA0] =	vst v0;
	v0 =	vmul.f32 $8.000000000e+00, v4;
	v4 =	vld [tilespmem:s10+$0x20]  }
0xa5: {  	v7 =	vld [tilespmem:s10+$0x30];
	[tilespmem:s10+$0xFFFFFFB0] =	vst v1;
	v1 =	vmul.f32 $8.000000000e+00, v5  }
0xa6: {  	v5 =	vmul.f32 $8.000000000e+00, v6;
	[tilespmem:s10+$0xFFFFFFC0] =	vst v0;
	v0 =	vld [tilespmem:s10+$0x40]  }
0xa7: {  	[tilespmem:s10+$0xFFFFFFD0] =	vst v1;
	v1 =	vld [tilespmem:s10+$0x50];
	v2 =	vmul.f32 $8.000000000e+00, v2  }
0xa8: {  	[tilespmem:s10+$0xFFFFFFE0] =	vst v5;
	v6 =	vmul.f32 $8.000000000e+00, v3;
	v3 =	vld [tilespmem:s10+$0x60]  }
0xa9: {  	[tilespmem:s10+$0x0] =	vst v2;
	v5 =	vmul.f32 $8.000000000e+00, v4;
	v4 =	vld [tilespmem:s10+$0x70]  }
0xaa: {  	s14 =	simm.s32 $0xA580;
	s13 =	simm.s32 $0x0;
	v2 =	vld [tilespmem:s10+$0xFFFFFFF0];
	[tilespmem:s10+$0x10] =	vst v6;
	v6 =	vmul.f32 $8.000000000e+00, v7  }
.LBB2_7:
0xab: {  	v7 =	vld [tilespmem:s14+$0xFFFFFF80];
	[tilespmem:s10+$0x20] =	vst v5;
	v0 =	vmul.f32 $8.000000000e+00, v0  }
0xac: {  	v5 =	vld [tilespmem:s14+$0xFFFFFF90];
	[tilespmem:s10+$0x30] =	vst v6;
	v1 =	vmul.f32 $8.000000000e+00, v1  }
0xad: {  	v6 =	vld [tilespmem:s14+$0xFFFFFFA0];
	[tilespmem:s10+$0x40] =	vst v0;
	v0 =	vmul.f32 $8.000000000e+00, v3  }
0xae: {  	v3 =	vld [tilespmem:s14+$0xFFFFFFB0];
	[tilespmem:s10+$0x50] =	vst v1;
	v1 =	vmul.f32 $8.000000000e+00, v4  }
0xaf: {  	v4 =	vld [tilespmem:s14+$0xFFFFFFC0];
	v2 =	vmul.f32 $8.000000000e+00, v2;
	[tilespmem:s10+$0x60] =	vst v0  }
0xb0: {  	v0 =	vmul.f32 $8.000000000e+00, v7;
	v7 =	vld [tilespmem:s14+$0xFFFFFFD0];
	[tilespmem:s10+$0x70] =	vst v1  }
0xb1: {  	v1 =	vmul.f32 $8.000000000e+00, v5;
	v5 =	vld [tilespmem:s14+$0xFFFFFFE0];
	[tilespmem:s10+$0xFFFFFFF0] =	vst v2;
	s10 =	smov.u32 s14  }
0xb2: {  	[tilespmem:s14+$0xFFFFFF80] =	vst v0;
	v0 =	vmul.f32 $8.000000000e+00, v6;
	v2 =	vld [tilespmem:s14+$0x0]  }
0xb3: {  	[tilespmem:s14+$0xFFFFFF90] =	vst v1;
	v1 =	vmul.f32 $8.000000000e+00, v3;
	v3 =	vld [tilespmem:s14+$0x10]  }
0xb4: {  	s13 =	sadd.s32 $0x4, s13;
	[tilespmem:s14+$0xFFFFFFA0] =	vst v0;
	v0 =	vmul.f32 $8.000000000e+00, v4;
	v4 =	vld [tilespmem:s14+$0x20]  }
0xb5: {  	p1 =	slt.u32 s13, $0x7C;
	[tilespmem:s14+$0xFFFFFFB0] =	vst v1;
	v1 =	vmul.f32 $8.000000000e+00, v7;
	v6 =	vld [tilespmem:s14+$0x30]  }
.Ltmp4:
0xb6: {  	[tilespmem:s14+$0xFFFFFFC0] =	vst v0;
	v5 =	vmul.f32 $8.000000000e+00, v5;
	v0 =	vld [tilespmem:s14+$0x40];
	(pc) =	sbr.rel @p1 .LBB2_7-.Ltmp4, $4  }
0xb7: {  	[tilespmem:s14+$0xFFFFFFD0] =	vst v1;
	v2 =	vmul.f32 $8.000000000e+00, v2;
	v1 =	vld [tilespmem:s14+$0x50]  }
0xb8: {  	[tilespmem:s14+$0xFFFFFFE0] =	vst v5;
	v7 =	vmul.f32 $8.000000000e+00, v3;
	v3 =	vld [tilespmem:s14+$0x60]  }
0xb9: {  	[tilespmem:s14+$0x0] =	vst v2;
	v5 =	vmul.f32 $8.000000000e+00, v4;
	v4 =	vld [tilespmem:s14+$0x70]  }
0xba: {  	s14 =	sadd.s32 $0x100, s14;
	v2 =	vld [tilespmem:s10+$0xFFFFFFF0];
	[tilespmem:s10+$0x10] =	vst v7;
	v6 =	vmul.f32 $8.000000000e+00, v6  }
0xbb: {  	[tilespmem:s10+$0x20] =	vst v5;
	v0 =	vmul.f32 $8.000000000e+00, v0  }
0xbc: {  	[tilespmem:s10+$0x30] =	vst v6;
	v1 =	vmul.f32 $8.000000000e+00, v1  }
0xbd: {  	[tilespmem:s10+$0x40] =	vst v0;
	v0 =	vmul.f32 $8.000000000e+00, v3  }
0xbe: {  	[tilespmem:s10+$0x50] =	vst v1;
	v1 =	vmul.f32 $8.000000000e+00, v4  }
0xbf: {  	s13 =	sadd.s32 s6, s8;
	v2 =	vmul.f32 $8.000000000e+00, v2;
	[tilespmem:s10+$0x60] =	vst v0  }
0xc0: {  	s13 =	sshrl.u32 s13, $0x3;
	[tilespmem:s10+$0x70] =	vst v1  }
0xc1: {  	s14 =	simm.s32 $0xA400;
	s13 =	sadd.s32 s2, s13;
	[tilespmem:s10+$0xFFFFFFF0] =	vst v2  }
0xc2: {  	[hbm4b:s13+s3] =	stream.linear.scatter [tilespmem:s14], [sflag:$0xB], $0x2000, $0x38;
	[tilespmem:$0x16400] =	vst v63  }
0xc3: {  	s13 =	simm.s32 @!p0 $0xF  }
0xc4: {  	s10 =	sor.u32 $0x6, s0;
	_ =	swait.ge @!p0 [sflag:s13], $0x2000  }
0xc5: {  	s14 =	sshll.u32 s10, $0x7;
	[sflag:s13] =	ssyncset.done @!p0 $0x0  }
0xc6: {  	s16 =	sand.u32 $0x3FFFFF80, s14;
	[sflag:s13] =	ssyncadd.s32 @!p0 $0xFFFFE000  }
0xc7: {  	[tilespmem:s24], [sflag:$0x7] =	stream.indirect.gather [hbm4b:s5+s12], $0x40, s16, s12, $0xb8;
	[tilespmem:$0x16400] =	vst v63  }
0xc8: {  	_ =	swait.ge [sflag:s25], $0x2000  }
0xc9: {  	[sflag:s25] =	ssyncset.done $0x0  }
0xca: {  	s13 =	simm.s32 $0xC480;
	[sflag:s25] =	ssyncadd.s32 $0xFFFFE000  }
0xcb: {  	v0 =	vld [tilespmem:s13+$0xFFFFFF80]  }
0xcc: {  	v1 =	vld [tilespmem:s13+$0xFFFFFF90]  }
0xcd: {  	v2 =	vld [tilespmem:s13+$0xFFFFFFA0]  }
0xce: {  	v3 =	vld [tilespmem:s13+$0xFFFFFFB0]  }
0xcf: {  	v4 =	vld [tilespmem:s13+$0xFFFFFFC0]  }
0xd0: {  	v5 =	vld [tilespmem:s13+$0xFFFFFFD0];
	v0 =	vmul.f32 $8.000000000e+00, v0  }
0xd1: {  	v6 =	vld [tilespmem:s13+$0xFFFFFFE0];
	v1 =	vmul.f32 $8.000000000e+00, v1  }
0xd2: {  	[tilespmem:s13+$0xFFFFFF80] =	vst v0;
	v0 =	vmul.f32 $8.000000000e+00, v2;
	v2 =	vld [tilespmem:s13+$0x0]  }
0xd3: {  	[tilespmem:s13+$0xFFFFFF90] =	vst v1;
	v1 =	vmul.f32 $8.000000000e+00, v3;
	v3 =	vld [tilespmem:s13+$0x10]  }
0xd4: {  	[tilespmem:s13+$0xFFFFFFA0] =	vst v0;
	v0 =	vmul.f32 $8.000000000e+00, v4;
	v4 =	vld [tilespmem:s13+$0x20]  }
0xd5: {  	v7 =	vld [tilespmem:s13+$0x30];
	[tilespmem:s13+$0xFFFFFFB0] =	vst v1;
	v1 =	vmul.f32 $8.000000000e+00, v5  }
0xd6: {  	v5 =	vmul.f32 $8.000000000e+00, v6;
	[tilespmem:s13+$0xFFFFFFC0] =	vst v0;
	v0 =	vld [tilespmem:s13+$0x40]  }
0xd7: {  	[tilespmem:s13+$0xFFFFFFD0] =	vst v1;
	v1 =	vld [tilespmem:s13+$0x50];
	v2 =	vmul.f32 $8.000000000e+00, v2  }
0xd8: {  	[tilespmem:s13+$0xFFFFFFE0] =	vst v5;
	v6 =	vmul.f32 $8.000000000e+00, v3;
	v3 =	vld [tilespmem:s13+$0x60]  }
0xd9: {  	[tilespmem:s13+$0x0] =	vst v2;
	v5 =	vmul.f32 $8.000000000e+00, v4;
	v4 =	vld [tilespmem:s13+$0x70]  }
0xda: {  	s14 =	simm.s32 $0x0;
	s16 =	simm.s32 $0xC580;
	v2 =	vld [tilespmem:s13+$0xFFFFFFF0];
	[tilespmem:s13+$0x10] =	vst v6;
	v6 =	vmul.f32 $8.000000000e+00, v7  }
.LBB2_9:
0xdb: {  	v7 =	vld [tilespmem:s16+$0xFFFFFF80];
	[tilespmem:s13+$0x20] =	vst v5;
	v0 =	vmul.f32 $8.000000000e+00, v0  }
0xdc: {  	v5 =	vld [tilespmem:s16+$0xFFFFFF90];
	[tilespmem:s13+$0x30] =	vst v6;
	v1 =	vmul.f32 $8.000000000e+00, v1  }
0xdd: {  	v6 =	vld [tilespmem:s16+$0xFFFFFFA0];
	[tilespmem:s13+$0x40] =	vst v0;
	v0 =	vmul.f32 $8.000000000e+00, v3  }
0xde: {  	v3 =	vld [tilespmem:s16+$0xFFFFFFB0];
	[tilespmem:s13+$0x50] =	vst v1;
	v1 =	vmul.f32 $8.000000000e+00, v4  }
0xdf: {  	v4 =	vld [tilespmem:s16+$0xFFFFFFC0];
	v2 =	vmul.f32 $8.000000000e+00, v2;
	[tilespmem:s13+$0x60] =	vst v0  }
0xe0: {  	v0 =	vmul.f32 $8.000000000e+00, v7;
	v7 =	vld [tilespmem:s16+$0xFFFFFFD0];
	[tilespmem:s13+$0x70] =	vst v1  }
0xe1: {  	v1 =	vmul.f32 $8.000000000e+00, v5;
	v5 =	vld [tilespmem:s16+$0xFFFFFFE0];
	[tilespmem:s13+$0xFFFFFFF0] =	vst v2;
	s13 =	smov.u32 s16  }
0xe2: {  	[tilespmem:s16+$0xFFFFFF80] =	vst v0;
	v0 =	vmul.f32 $8.000000000e+00, v6;
	v2 =	vld [tilespmem:s16+$0x0]  }
0xe3: {  	[tilespmem:s16+$0xFFFFFF90] =	vst v1;
	v1 =	vmul.f32 $8.000000000e+00, v3;
	v3 =	vld [tilespmem:s16+$0x10]  }
0xe4: {  	s14 =	sadd.s32 $0x4, s14;
	[tilespmem:s16+$0xFFFFFFA0] =	vst v0;
	v0 =	vmul.f32 $8.000000000e+00, v4;
	v4 =	vld [tilespmem:s16+$0x20]  }
0xe5: {  	p1 =	slt.u32 s14, $0x7C;
	[tilespmem:s16+$0xFFFFFFB0] =	vst v1;
	v1 =	vmul.f32 $8.000000000e+00, v7;
	v6 =	vld [tilespmem:s16+$0x30]  }
.Ltmp5:
0xe6: {  	[tilespmem:s16+$0xFFFFFFC0] =	vst v0;
	v5 =	vmul.f32 $8.000000000e+00, v5;
	v0 =	vld [tilespmem:s16+$0x40];
	(pc) =	sbr.rel @p1 .LBB2_9-.Ltmp5, $4  }
0xe7: {  	[tilespmem:s16+$0xFFFFFFD0] =	vst v1;
	v2 =	vmul.f32 $8.000000000e+00, v2;
	v1 =	vld [tilespmem:s16+$0x50]  }
0xe8: {  	[tilespmem:s16+$0xFFFFFFE0] =	vst v5;
	v7 =	vmul.f32 $8.000000000e+00, v3;
	v3 =	vld [tilespmem:s16+$0x60]  }
0xe9: {  	[tilespmem:s16+$0x0] =	vst v2;
	v5 =	vmul.f32 $8.000000000e+00, v4;
	v4 =	vld [tilespmem:s16+$0x70]  }
0xea: {  	s16 =	sadd.s32 $0x100, s16;
	v2 =	vld [tilespmem:s13+$0xFFFFFFF0];
	[tilespmem:s13+$0x10] =	vst v7;
	v6 =	vmul.f32 $8.000000000e+00, v6  }
0xeb: {  	[tilespmem:s13+$0x20] =	vst v5;
	v0 =	vmul.f32 $8.000000000e+00, v0  }
0xec: {  	[tilespmem:s13+$0x30] =	vst v6;
	v1 =	vmul.f32 $8.000000000e+00, v1  }
0xed: {  	[tilespmem:s13+$0x40] =	vst v0;
	v0 =	vmul.f32 $8.000000000e+00, v3  }
0xee: {  	[tilespmem:s13+$0x50] =	vst v1;
	v1 =	vmul.f32 $8.000000000e+00, v4  }
0xef: {  	s6 =	sadd.s32 s6, s9;
	v2 =	vmul.f32 $8.000000000e+00, v2;
	[tilespmem:s13+$0x60] =	vst v0  }
0xf0: {  	s6 =	sshrl.u32 s6, $0x3;
	[tilespmem:s13+$0x70] =	vst v1  }
0xf1: {  	s6 =	sadd.s32 s2, s6;
	[tilespmem:s13+$0xFFFFFFF0] =	vst v2;
	s13 =	simm.s32 @!p0 $0x10  }
0xf2: {  	[hbm4b:s6+s3] =	stream.linear.scatter [tilespmem:s18], [sflag:$0xC], $0x2000, $0x38;
	[tilespmem:$0x16400] =	vst v63  }
0xf3: {  	s6 =	sor.u32 $0x7, s0;
	_ =	swait.ge @!p0 [sflag:s13], $0x2000  }
0xf4: {  	s0 =	sshll.u32 s6, $0x7;
	[sflag:s13] =	ssyncset.done @!p0 $0x0  }
0xf5: {  	s0 =	sand.u32 $0x3FFFFF80, s0;
	[sflag:s13] =	ssyncadd.s32 @!p0 $0xFFFFE000  }
0xf6: {  	[tilespmem:s26], [sflag:$0x8] =	stream.indirect.gather [hbm4b:s5+s12], $0x40, s0, s12, $0xb8;
	[tilespmem:$0x16400] =	vst v63  }
0xf7: {  	_ =	swait.ge [sflag:s28], $0x2000  }
0xf8: {  	[sflag:s28] =	ssyncset.done $0x0  }
0xf9: {  	s0 =	simm.s32 $0xE480;
	[sflag:s28] =	ssyncadd.s32 $0xFFFFE000  }
0xfa: {  	v0 =	vld [tilespmem:s0+$0xFFFFFF80]  }
0xfb: {  	v1 =	vld [tilespmem:s0+$0xFFFFFF90]  }
0xfc: {  	v2 =	vld [tilespmem:s0+$0xFFFFFFA0]  }
0xfd: {  	v3 =	vld [tilespmem:s0+$0xFFFFFFB0]  }
0xfe: {  	v4 =	vld [tilespmem:s0+$0xFFFFFFC0]  }
0xff: {  	v5 =	vld [tilespmem:s0+$0xFFFFFFD0];
	v0 =	vmul.f32 $8.000000000e+00, v0  }
0x100: {  	v6 =	vld [tilespmem:s0+$0xFFFFFFE0];
	v1 =	vmul.f32 $8.000000000e+00, v1  }
0x101: {  	[tilespmem:s0+$0xFFFFFF80] =	vst v0;
	v0 =	vmul.f32 $8.000000000e+00, v2;
	v2 =	vld [tilespmem:s0+$0x0]  }
0x102: {  	[tilespmem:s0+$0xFFFFFF90] =	vst v1;
	v1 =	vmul.f32 $8.000000000e+00, v3;
	v3 =	vld [tilespmem:s0+$0x10]  }
0x103: {  	[tilespmem:s0+$0xFFFFFFA0] =	vst v0;
	v0 =	vmul.f32 $8.000000000e+00, v4;
	v4 =	vld [tilespmem:s0+$0x20]  }
0x104: {  	v7 =	vld [tilespmem:s0+$0x30];
	[tilespmem:s0+$0xFFFFFFB0] =	vst v1;
	v1 =	vmul.f32 $8.000000000e+00, v5  }
0x105: {  	v5 =	vmul.f32 $8.000000000e+00, v6;
	[tilespmem:s0+$0xFFFFFFC0] =	vst v0;
	v0 =	vld [tilespmem:s0+$0x40]  }
0x106: {  	[tilespmem:s0+$0xFFFFFFD0] =	vst v1;
	v1 =	vmul.f32 $8.000000000e+00, v2;
	v2 =	vld [tilespmem:s0+$0x50]  }
0x107: {  	[tilespmem:s0+$0xFFFFFFE0] =	vst v5;
	v6 =	vmul.f32 $8.000000000e+00, v3;
	v3 =	vld [tilespmem:s0+$0x60]  }
0x108: {  	[tilespmem:s0+$0x0] =	vst v1;
	v5 =	vmul.f32 $8.000000000e+00, v4;
	v4 =	vld [tilespmem:s0+$0x70]  }
0x109: {  	s14 =	simm.s32 $0xE580;
	s13 =	simm.s32 $0x0;
	v1 =	vld [tilespmem:s0+$0xFFFFFFF0];
	[tilespmem:s0+$0x10] =	vst v6;
	v6 =	vmul.f32 $8.000000000e+00, v7  }
.LBB2_11:
0x10a: {  	v7 =	vld [tilespmem:s14+$0xFFFFFF80];
	[tilespmem:s0+$0x20] =	vst v5;
	v0 =	vmul.f32 $8.000000000e+00, v0  }
0x10b: {  	v5 =	vld [tilespmem:s14+$0xFFFFFF90];
	[tilespmem:s0+$0x30] =	vst v6;
	v2 =	vmul.f32 $8.000000000e+00, v2  }
0x10c: {  	v6 =	vld [tilespmem:s14+$0xFFFFFFA0];
	[tilespmem:s0+$0x40] =	vst v0;
	v0 =	vmul.f32 $8.000000000e+00, v3  }
0x10d: {  	v3 =	vld [tilespmem:s14+$0xFFFFFFB0];
	[tilespmem:s0+$0x50] =	vst v2;
	v2 =	vmul.f32 $8.000000000e+00, v4  }
0x10e: {  	v4 =	vld [tilespmem:s14+$0xFFFFFFC0];
	v1 =	vmul.f32 $8.000000000e+00, v1;
	[tilespmem:s0+$0x60] =	vst v0  }
0x10f: {  	v0 =	vmul.f32 $8.000000000e+00, v7;
	v7 =	vld [tilespmem:s14+$0xFFFFFFD0];
	[tilespmem:s0+$0x70] =	vst v2  }
0x110: {  	v2 =	vmul.f32 $8.000000000e+00, v5;
	v5 =	vld [tilespmem:s14+$0xFFFFFFE0];
	[tilespmem:s0+$0xFFFFFFF0] =	vst v1;
	s0 =	smov.u32 s14  }
0x111: {  	[tilespmem:s14+$0xFFFFFF80] =	vst v0;
	v0 =	vmul.f32 $8.000000000e+00, v6;
	v1 =	vld [tilespmem:s14+$0x0]  }
0x112: {  	[tilespmem:s14+$0xFFFFFF90] =	vst v2;
	v2 =	vmul.f32 $8.000000000e+00, v3;
	v3 =	vld [tilespmem:s14+$0x10]  }
0x113: {  	s13 =	sadd.s32 $0x4, s13;
	[tilespmem:s14+$0xFFFFFFA0] =	vst v0;
	v0 =	vmul.f32 $8.000000000e+00, v4;
	v4 =	vld [tilespmem:s14+$0x20]  }
0x114: {  	p0 =	slt.u32 s13, $0x7C;
	[tilespmem:s14+$0xFFFFFFB0] =	vst v2;
	v2 =	vmul.f32 $8.000000000e+00, v7;
	v6 =	vld [tilespmem:s14+$0x30]  }
.Ltmp6:
0x115: {  	[tilespmem:s14+$0xFFFFFFC0] =	vst v0;
	v5 =	vmul.f32 $8.000000000e+00, v5;
	v0 =	vld [tilespmem:s14+$0x40];
	(pc) =	sbr.rel @p0 .LBB2_11-.Ltmp6, $4  }
0x116: {  	[tilespmem:s14+$0xFFFFFFD0] =	vst v2;
	v1 =	vmul.f32 $8.000000000e+00, v1;
	v2 =	vld [tilespmem:s14+$0x50]  }
0x117: {  	[tilespmem:s14+$0xFFFFFFE0] =	vst v5;
	v7 =	vmul.f32 $8.000000000e+00, v3;
	v3 =	vld [tilespmem:s14+$0x60]  }
0x118: {  	[tilespmem:s14+$0x0] =	vst v1;
	v5 =	vmul.f32 $8.000000000e+00, v4;
	v4 =	vld [tilespmem:s14+$0x70]  }
0x119: {  	s14 =	sadd.s32 $0x100, s14;
	v1 =	vld [tilespmem:s0+$0xFFFFFFF0];
	[tilespmem:s0+$0x10] =	vst v7;
	v6 =	vmul.f32 $8.000000000e+00, v6  }
0x11a: {  	[tilespmem:s0+$0x20] =	vst v5;
	v0 =	vmul.f32 $8.000000000e+00, v0  }
0x11b: {  	[tilespmem:s0+$0x30] =	vst v6;
	v2 =	vmul.f32 $8.000000000e+00, v2  }
0x11c: {  	[tilespmem:s0+$0x40] =	vst v0;
	v0 =	vmul.f32 $8.000000000e+00, v3  }
0x11d: {  	s1 =	sshll.u32 s1, $0xD;
	[tilespmem:s0+$0x50] =	vst v2;
	v2 =	vmul.f32 $8.000000000e+00, v4  }
0x11e: {  	s1 =	sadd.s32 s4, s1;
	v1 =	vmul.f32 $8.000000000e+00, v1;
	[tilespmem:s0+$0x60] =	vst v0  }
0x11f: {  	p0 =	seq.s32 s15, $0x18;
	s1 =	sshrl.u32 s1, $0x3;
	[tilespmem:s0+$0x70] =	vst v2  }
0x120: {  	s16 =	sadd.s32 s2, s1;
	[tilespmem:s0+$0xFFFFFFF0] =	vst v1;
	s0 =	simm.s32 @!p0 $0x9  }
0x121: {  	[hbm4b:s16+s3] =	stream.linear.scatter [tilespmem:s20], [sflag:$0xD], $0x2000, $0x38;
	[tilespmem:$0x16400] =	vst v63  }
0x122: {  	_ =	swait.ge @!p0 [sflag:s0], $0x2000  }
0x123: {  	s1 =	sshll.u32 @!p0 s15, $0xA;
	[sflag:s0] =	ssyncset.done @!p0 $0x0  }
0x124: {  	[sflag:s0] =	ssyncadd.s32 @!p0 $0xFFFFE000;
	s0 =	sand.u32 @!p0 $0x3FFFFC00, s1  }
0x125: {  	s13 =	simm.s32 @!p0 $0x80;
	s14 =	simm.s32 @!p0 $0x6400;
	s1 =	sadd.s32 @!p0 $0x400, s0  }
0x126: {  	[tilespmem:s14], [sflag:$0x1] =	stream.indirect.gather @!p0 [hbm4b:s5+s13], $0x40, s1, s13, $0xb8;
	[tilespmem:$0x16400] =	vst v63  }
0x127: {  	_ =	swait.ge [sflag:s29], $0x2000  }
0x128: {  	[sflag:s29] =	ssyncset.done $0x0  }
0x129: {  	s1 =	simm.s32 $0x10480;
	[sflag:s29] =	ssyncadd.s32 $0xFFFFE000  }
0x12a: {  	v0 =	vld [tilespmem:s1+$0xFFFFFF80]  }
0x12b: {  	v1 =	vld [tilespmem:s1+$0xFFFFFF90]  }
0x12c: {  	v2 =	vld [tilespmem:s1+$0xFFFFFFA0]  }
0x12d: {  	v3 =	vld [tilespmem:s1+$0xFFFFFFB0]  }
0x12e: {  	v4 =	vld [tilespmem:s1+$0xFFFFFFC0]  }
0x12f: {  	v5 =	vld [tilespmem:s1+$0xFFFFFFD0];
	v0 =	vmul.f32 $8.000000000e+00, v0  }
0x130: {  	v6 =	vld [tilespmem:s1+$0xFFFFFFE0];
	v1 =	vmul.f32 $8.000000000e+00, v1  }
0x131: {  	[tilespmem:s1+$0xFFFFFF80] =	vst v0;
	v0 =	vmul.f32 $8.000000000e+00, v2;
	v2 =	vld [tilespmem:s1+$0x0]  }
0x132: {  	[tilespmem:s1+$0xFFFFFF90] =	vst v1;
	v1 =	vmul.f32 $8.000000000e+00, v3;
	v3 =	vld [tilespmem:s1+$0x10]  }
0x133: {  	[tilespmem:s1+$0xFFFFFFA0] =	vst v0;
	v0 =	vmul.f32 $8.000000000e+00, v4;
	v4 =	vld [tilespmem:s1+$0x20]  }
0x134: {  	v7 =	vld [tilespmem:s1+$0x30];
	[tilespmem:s1+$0xFFFFFFB0] =	vst v1;
	v1 =	vmul.f32 $8.000000000e+00, v5  }
0x135: {  	v5 =	vmul.f32 $8.000000000e+00, v6;
	[tilespmem:s1+$0xFFFFFFC0] =	vst v0;
	v0 =	vld [tilespmem:s1+$0x40]  }
0x136: {  	[tilespmem:s1+$0xFFFFFFD0] =	vst v1;
	v1 =	vmul.f32 $8.000000000e+00, v2;
	v2 =	vld [tilespmem:s1+$0x50]  }
0x137: {  	[tilespmem:s1+$0xFFFFFFE0] =	vst v5;
	v6 =	vmul.f32 $8.000000000e+00, v3;
	v3 =	vld [tilespmem:s1+$0x60]  }
0x138: {  	[tilespmem:s1+$0x0] =	vst v1;
	v5 =	vmul.f32 $8.000000000e+00, v4;
	v4 =	vld [tilespmem:s1+$0x70]  }
0x139: {  	s13 =	simm.s32 $0x0;
	s14 =	simm.s32 $0x10580;
	v1 =	vld [tilespmem:s1+$0xFFFFFFF0];
	[tilespmem:s1+$0x10] =	vst v6;
	v6 =	vmul.f32 $8.000000000e+00, v7  }
.LBB2_13:
0x13a: {  	v7 =	vld [tilespmem:s14+$0xFFFFFF80];
	[tilespmem:s1+$0x20] =	vst v5;
	v0 =	vmul.f32 $8.000000000e+00, v0  }
0x13b: {  	v5 =	vld [tilespmem:s14+$0xFFFFFF90];
	[tilespmem:s1+$0x30] =	vst v6;
	v2 =	vmul.f32 $8.000000000e+00, v2  }
0x13c: {  	v6 =	vld [tilespmem:s14+$0xFFFFFFA0];
	[tilespmem:s1+$0x40] =	vst v0;
	v0 =	vmul.f32 $8.000000000e+00, v3  }
0x13d: {  	v3 =	vld [tilespmem:s14+$0xFFFFFFB0];
	[tilespmem:s1+$0x50] =	vst v2;
	v2 =	vmul.f32 $8.000000000e+00, v4  }
0x13e: {  	v4 =	vld [tilespmem:s14+$0xFFFFFFC0];
	v1 =	vmul.f32 $8.000000000e+00, v1;
	[tilespmem:s1+$0x60] =	vst v0  }
0x13f: {  	v0 =	vmul.f32 $8.000000000e+00, v7;
	v7 =	vld [tilespmem:s14+$0xFFFFFFD0];
	[tilespmem:s1+$0x70] =	vst v2  }
0x140: {  	v2 =	vmul.f32 $8.000000000e+00, v5;
	v5 =	vld [tilespmem:s14+$0xFFFFFFE0];
	[tilespmem:s1+$0xFFFFFFF0] =	vst v1;
	s1 =	smov.u32 s14  }
0x141: {  	[tilespmem:s14+$0xFFFFFF80] =	vst v0;
	v0 =	vmul.f32 $8.000000000e+00, v6;
	v1 =	vld [tilespmem:s14+$0x0]  }
0x142: {  	[tilespmem:s14+$0xFFFFFF90] =	vst v2;
	v2 =	vmul.f32 $8.000000000e+00, v3;
	v3 =	vld [tilespmem:s14+$0x10]  }
0x143: {  	s13 =	sadd.s32 $0x4, s13;
	[tilespmem:s14+$0xFFFFFFA0] =	vst v0;
	v0 =	vmul.f32 $8.000000000e+00, v4;
	v4 =	vld [tilespmem:s14+$0x20]  }
0x144: {  	p1 =	slt.u32 s13, $0x7C;
	[tilespmem:s14+$0xFFFFFFB0] =	vst v2;
	v2 =	vmul.f32 $8.000000000e+00, v7;
	v6 =	vld [tilespmem:s14+$0x30]  }
.Ltmp7:
0x145: {  	[tilespmem:s14+$0xFFFFFFC0] =	vst v0;
	v5 =	vmul.f32 $8.000000000e+00, v5;
	v0 =	vld [tilespmem:s14+$0x40];
	(pc) =	sbr.rel @p1 .LBB2_13-.Ltmp7, $4  }
0x146: {  	[tilespmem:s14+$0xFFFFFFD0] =	vst v2;
	v1 =	vmul.f32 $8.000000000e+00, v1;
	v2 =	vld [tilespmem:s14+$0x50]  }
0x147: {  	[tilespmem:s14+$0xFFFFFFE0] =	vst v5;
	v7 =	vmul.f32 $8.000000000e+00, v3;
	v3 =	vld [tilespmem:s14+$0x60]  }
0x148: {  	[tilespmem:s14+$0x0] =	vst v1;
	v5 =	vmul.f32 $8.000000000e+00, v4;
	v4 =	vld [tilespmem:s14+$0x70]  }
0x149: {  	s14 =	sadd.s32 $0x100, s14;
	v1 =	vld [tilespmem:s1+$0xFFFFFFF0];
	[tilespmem:s1+$0x10] =	vst v7;
	v6 =	vmul.f32 $8.000000000e+00, v6  }
0x14a: {  	[tilespmem:s1+$0x20] =	vst v5;
	v0 =	vmul.f32 $8.000000000e+00, v0  }
0x14b: {  	[tilespmem:s1+$0x30] =	vst v6;
	v2 =	vmul.f32 $8.000000000e+00, v2  }
0x14c: {  	[tilespmem:s1+$0x40] =	vst v0;
	v0 =	vmul.f32 $8.000000000e+00, v3  }
0x14d: {  	s11 =	sshll.u32 s11, $0xD;
	[tilespmem:s1+$0x50] =	vst v2;
	v2 =	vmul.f32 $8.000000000e+00, v4  }
0x14e: {  	s11 =	sadd.s32 s4, s11;
	v1 =	vmul.f32 $8.000000000e+00, v1;
	[tilespmem:s1+$0x60] =	vst v0  }
0x14f: {  	s11 =	sshrl.u32 s11, $0x3;
	[tilespmem:s1+$0x70] =	vst v2  }
0x150: {  	s16 =	sadd.s32 s2, s11;
	[tilespmem:s1+$0xFFFFFFF0] =	vst v1;
	s1 =	simm.s32 @!p0 $0xA  }
0x151: {  	[hbm4b:s16+s3] =	stream.linear.scatter [tilespmem:s22], [sflag:$0xE], $0x2000, $0x38;
	[tilespmem:$0x16400] =	vst v63  }
0x152: {  	_ =	swait.ge @!p0 [sflag:s1], $0x2000  }
0x153: {  	s13 =	simm.s32 @!p0 $0x8400;
	[sflag:s1] =	ssyncset.done @!p0 $0x0  }
0x154: {  	s11 =	simm.s32 @!p0 $0x80;
	[sflag:s1] =	ssyncadd.s32 @!p0 $0xFFFFE000;
	s1 =	sadd.s32 @!p0 $0x480, s0  }
0x155: {  	[tilespmem:s13], [sflag:$0x2] =	stream.indirect.gather @!p0 [hbm4b:s5+s11], $0x40, s1, s11, $0xb8;
	[tilespmem:$0x16400] =	vst v63  }
0x156: {  	_ =	swait.ge [sflag:s30], $0x2000  }
0x157: {  	[sflag:s30] =	ssyncset.done $0x0  }
0x158: {  	s1 =	simm.s32 $0x12480;
	[sflag:s30] =	ssyncadd.s32 $0xFFFFE000  }
0x159: {  	v0 =	vld [tilespmem:s1+$0xFFFFFF80]  }
0x15a: {  	v1 =	vld [tilespmem:s1+$0xFFFFFF90]  }
0x15b: {  	v2 =	vld [tilespmem:s1+$0xFFFFFFA0]  }
0x15c: {  	v3 =	vld [tilespmem:s1+$0xFFFFFFB0]  }
0x15d: {  	v4 =	vld [tilespmem:s1+$0xFFFFFFC0]  }
0x15e: {  	v5 =	vld [tilespmem:s1+$0xFFFFFFD0];
	v0 =	vmul.f32 $8.000000000e+00, v0  }
0x15f: {  	v6 =	vld [tilespmem:s1+$0xFFFFFFE0];
	v1 =	vmul.f32 $8.000000000e+00, v1  }
0x160: {  	[tilespmem:s1+$0xFFFFFF80] =	vst v0;
	v0 =	vmul.f32 $8.000000000e+00, v2;
	v2 =	vld [tilespmem:s1+$0x0]  }
0x161: {  	[tilespmem:s1+$0xFFFFFF90] =	vst v1;
	v1 =	vmul.f32 $8.000000000e+00, v3;
	v3 =	vld [tilespmem:s1+$0x10]  }
0x162: {  	[tilespmem:s1+$0xFFFFFFA0] =	vst v0;
	v0 =	vmul.f32 $8.000000000e+00, v4;
	v4 =	vld [tilespmem:s1+$0x20]  }
0x163: {  	v7 =	vld [tilespmem:s1+$0x30];
	[tilespmem:s1+$0xFFFFFFB0] =	vst v1;
	v1 =	vmul.f32 $8.000000000e+00, v5  }
0x164: {  	v5 =	vmul.f32 $8.000000000e+00, v6;
	[tilespmem:s1+$0xFFFFFFC0] =	vst v0;
	v0 =	vld [tilespmem:s1+$0x40]  }
0x165: {  	[tilespmem:s1+$0xFFFFFFD0] =	vst v1;
	v1 =	vmul.f32 $8.000000000e+00, v2;
	v2 =	vld [tilespmem:s1+$0x50]  }
0x166: {  	[tilespmem:s1+$0xFFFFFFE0] =	vst v5;
	v6 =	vmul.f32 $8.000000000e+00, v3;
	v3 =	vld [tilespmem:s1+$0x60]  }
0x167: {  	[tilespmem:s1+$0x0] =	vst v1;
	v5 =	vmul.f32 $8.000000000e+00, v4;
	v4 =	vld [tilespmem:s1+$0x70]  }
0x168: {  	s11 =	simm.s32 $0x0;
	s13 =	simm.s32 $0x12580;
	v1 =	vld [tilespmem:s1+$0xFFFFFFF0];
	[tilespmem:s1+$0x10] =	vst v6;
	v6 =	vmul.f32 $8.000000000e+00, v7  }
.LBB2_15:
0x169: {  	v7 =	vld [tilespmem:s13+$0xFFFFFF80];
	[tilespmem:s1+$0x20] =	vst v5;
	v0 =	vmul.f32 $8.000000000e+00, v0  }
0x16a: {  	v5 =	vld [tilespmem:s13+$0xFFFFFF90];
	[tilespmem:s1+$0x30] =	vst v6;
	v2 =	vmul.f32 $8.000000000e+00, v2  }
0x16b: {  	v6 =	vld [tilespmem:s13+$0xFFFFFFA0];
	[tilespmem:s1+$0x40] =	vst v0;
	v0 =	vmul.f32 $8.000000000e+00, v3  }
0x16c: {  	v3 =	vld [tilespmem:s13+$0xFFFFFFB0];
	[tilespmem:s1+$0x50] =	vst v2;
	v2 =	vmul.f32 $8.000000000e+00, v4  }
0x16d: {  	v4 =	vld [tilespmem:s13+$0xFFFFFFC0];
	v1 =	vmul.f32 $8.000000000e+00, v1;
	[tilespmem:s1+$0x60] =	vst v0  }
0x16e: {  	v0 =	vmul.f32 $8.000000000e+00, v7;
	v7 =	vld [tilespmem:s13+$0xFFFFFFD0];
	[tilespmem:s1+$0x70] =	vst v2  }
0x16f: {  	v2 =	vmul.f32 $8.000000000e+00, v5;
	v5 =	vld [tilespmem:s13+$0xFFFFFFE0];
	[tilespmem:s1+$0xFFFFFFF0] =	vst v1;
	s1 =	smov.u32 s13  }
0x170: {  	[tilespmem:s13+$0xFFFFFF80] =	vst v0;
	v0 =	vmul.f32 $8.000000000e+00, v6;
	v1 =	vld [tilespmem:s13+$0x0]  }
0x171: {  	[tilespmem:s13+$0xFFFFFF90] =	vst v2;
	v2 =	vmul.f32 $8.000000000e+00, v3;
	v3 =	vld [tilespmem:s13+$0x10]  }
0x172: {  	s11 =	sadd.s32 $0x4, s11;
	[tilespmem:s13+$0xFFFFFFA0] =	vst v0;
	v0 =	vmul.f32 $8.000000000e+00, v4;
	v4 =	vld [tilespmem:s13+$0x20]  }
0x173: {  	p1 =	slt.u32 s11, $0x7C;
	[tilespmem:s13+$0xFFFFFFB0] =	vst v2;
	v2 =	vmul.f32 $8.000000000e+00, v7;
	v6 =	vld [tilespmem:s13+$0x30]  }
.Ltmp8:
0x174: {  	[tilespmem:s13+$0xFFFFFFC0] =	vst v0;
	v5 =	vmul.f32 $8.000000000e+00, v5;
	v0 =	vld [tilespmem:s13+$0x40];
	(pc) =	sbr.rel @p1 .LBB2_15-.Ltmp8, $4  }
0x175: {  	[tilespmem:s13+$0xFFFFFFD0] =	vst v2;
	v1 =	vmul.f32 $8.000000000e+00, v1;
	v2 =	vld [tilespmem:s13+$0x50]  }
0x176: {  	[tilespmem:s13+$0xFFFFFFE0] =	vst v5;
	v7 =	vmul.f32 $8.000000000e+00, v3;
	v3 =	vld [tilespmem:s13+$0x60]  }
0x177: {  	[tilespmem:s13+$0x0] =	vst v1;
	v5 =	vmul.f32 $8.000000000e+00, v4;
	v4 =	vld [tilespmem:s13+$0x70]  }
0x178: {  	s13 =	sadd.s32 $0x100, s13;
	v1 =	vld [tilespmem:s1+$0xFFFFFFF0];
	[tilespmem:s1+$0x10] =	vst v7;
	v6 =	vmul.f32 $8.000000000e+00, v6  }
0x179: {  	[tilespmem:s1+$0x20] =	vst v5;
	v0 =	vmul.f32 $8.000000000e+00, v0  }
0x17a: {  	[tilespmem:s1+$0x30] =	vst v6;
	v2 =	vmul.f32 $8.000000000e+00, v2  }
0x17b: {  	[tilespmem:s1+$0x40] =	vst v0;
	v0 =	vmul.f32 $8.000000000e+00, v3  }
0x17c: {  	s10 =	sshll.u32 s10, $0xD;
	[tilespmem:s1+$0x50] =	vst v2;
	v2 =	vmul.f32 $8.000000000e+00, v4  }
0x17d: {  	s10 =	sadd.s32 s4, s10;
	v1 =	vmul.f32 $8.000000000e+00, v1;
	[tilespmem:s1+$0x60] =	vst v0  }
0x17e: {  	s10 =	sshrl.u32 s10, $0x3;
	[tilespmem:s1+$0x70] =	vst v2  }
0x17f: {  	s16 =	sadd.s32 s2, s10;
	[tilespmem:s1+$0xFFFFFFF0] =	vst v1;
	s1 =	simm.s32 @!p0 $0xB  }
0x180: {  	[hbm4b:s16+s3] =	stream.linear.scatter [tilespmem:s24], [sflag:$0xF], $0x2000, $0x38;
	[tilespmem:$0x16400] =	vst v63  }
0x181: {  	_ =	swait.ge @!p0 [sflag:s1], $0x2000  }
0x182: {  	s0 =	sadd.s32 @!p0 $0x500, s0;
	[sflag:s1] =	ssyncset.done @!p0 $0x0  }
0x183: {  	s10 =	simm.s32 @!p0 $0xA400;
	[sflag:s1] =	ssyncadd.s32 @!p0 $0xFFFFE000;
	s1 =	simm.s32 @!p0 $0x80  }
0x184: {  	[tilespmem:s10], [sflag:$0x3] =	stream.indirect.gather @!p0 [hbm4b:s5+s1], $0x40, s0, s1, $0xb8;
	[tilespmem:$0x16400] =	vst v63  }
0x185: {  	_ =	swait.ge [sflag:s31], $0x2000  }
0x186: {  	[sflag:s31] =	ssyncset.done $0x0  }
0x187: {  	s0 =	simm.s32 $0x14480;
	[sflag:s31] =	ssyncadd.s32 $0xFFFFE000  }
0x188: {  	v0 =	vld [tilespmem:s0+$0xFFFFFF80]  }
0x189: {  	v1 =	vld [tilespmem:s0+$0xFFFFFF90]  }
0x18a: {  	v2 =	vld [tilespmem:s0+$0xFFFFFFA0]  }
0x18b: {  	v3 =	vld [tilespmem:s0+$0xFFFFFFB0]  }
0x18c: {  	v4 =	vld [tilespmem:s0+$0xFFFFFFC0]  }
0x18d: {  	v5 =	vld [tilespmem:s0+$0xFFFFFFD0];
	v0 =	vmul.f32 $8.000000000e+00, v0  }
0x18e: {  	v6 =	vld [tilespmem:s0+$0xFFFFFFE0];
	v1 =	vmul.f32 $8.000000000e+00, v1  }
0x18f: {  	[tilespmem:s0+$0xFFFFFF80] =	vst v0;
	v0 =	vmul.f32 $8.000000000e+00, v2;
	v2 =	vld [tilespmem:s0+$0x0]  }
0x190: {  	[tilespmem:s0+$0xFFFFFF90] =	vst v1;
	v1 =	vmul.f32 $8.000000000e+00, v3;
	v3 =	vld [tilespmem:s0+$0x10]  }
0x191: {  	[tilespmem:s0+$0xFFFFFFA0] =	vst v0;
	v0 =	vmul.f32 $8.000000000e+00, v4;
	v4 =	vld [tilespmem:s0+$0x20]  }
0x192: {  	v7 =	vld [tilespmem:s0+$0x30];
	[tilespmem:s0+$0xFFFFFFB0] =	vst v1;
	v1 =	vmul.f32 $8.000000000e+00, v5  }
0x193: {  	v5 =	vmul.f32 $8.000000000e+00, v6;
	[tilespmem:s0+$0xFFFFFFC0] =	vst v0;
	v0 =	vld [tilespmem:s0+$0x40]  }
0x194: {  	[tilespmem:s0+$0xFFFFFFD0] =	vst v1;
	v1 =	vmul.f32 $8.000000000e+00, v2;
	v2 =	vld [tilespmem:s0+$0x50]  }
0x195: {  	[tilespmem:s0+$0xFFFFFFE0] =	vst v5;
	v6 =	vmul.f32 $8.000000000e+00, v3;
	v3 =	vld [tilespmem:s0+$0x60]  }
0x196: {  	[tilespmem:s0+$0x0] =	vst v1;
	v5 =	vmul.f32 $8.000000000e+00, v4;
	v4 =	vld [tilespmem:s0+$0x70]  }
0x197: {  	s1 =	simm.s32 $0x0;
	s10 =	simm.s32 $0x14580;
	v1 =	vld [tilespmem:s0+$0xFFFFFFF0];
	[tilespmem:s0+$0x10] =	vst v6;
	v6 =	vmul.f32 $8.000000000e+00, v7  }
.LBB2_17:
0x198: {  	v7 =	vld [tilespmem:s10+$0xFFFFFF80];
	[tilespmem:s0+$0x20] =	vst v5;
	v0 =	vmul.f32 $8.000000000e+00, v0  }
0x199: {  	v5 =	vld [tilespmem:s10+$0xFFFFFF90];
	[tilespmem:s0+$0x30] =	vst v6;
	v2 =	vmul.f32 $8.000000000e+00, v2  }
0x19a: {  	v6 =	vld [tilespmem:s10+$0xFFFFFFA0];
	[tilespmem:s0+$0x40] =	vst v0;
	v0 =	vmul.f32 $8.000000000e+00, v3  }
0x19b: {  	v3 =	vld [tilespmem:s10+$0xFFFFFFB0];
	[tilespmem:s0+$0x50] =	vst v2;
	v2 =	vmul.f32 $8.000000000e+00, v4  }
0x19c: {  	v4 =	vld [tilespmem:s10+$0xFFFFFFC0];
	v1 =	vmul.f32 $8.000000000e+00, v1;
	[tilespmem:s0+$0x60] =	vst v0  }
0x19d: {  	v0 =	vmul.f32 $8.000000000e+00, v7;
	v7 =	vld [tilespmem:s10+$0xFFFFFFD0];
	[tilespmem:s0+$0x70] =	vst v2  }
0x19e: {  	v2 =	vmul.f32 $8.000000000e+00, v5;
	v5 =	vld [tilespmem:s10+$0xFFFFFFE0];
	[tilespmem:s0+$0xFFFFFFF0] =	vst v1;
	s0 =	smov.u32 s10  }
0x19f: {  	[tilespmem:s10+$0xFFFFFF80] =	vst v0;
	v0 =	vmul.f32 $8.000000000e+00, v6;
	v1 =	vld [tilespmem:s10+$0x0]  }
0x1a0: {  	[tilespmem:s10+$0xFFFFFF90] =	vst v2;
	v2 =	vmul.f32 $8.000000000e+00, v3;
	v3 =	vld [tilespmem:s10+$0x10]  }
0x1a1: {  	s1 =	sadd.s32 $0x4, s1;
	[tilespmem:s10+$0xFFFFFFA0] =	vst v0;
	v0 =	vmul.f32 $8.000000000e+00, v4;
	v4 =	vld [tilespmem:s10+$0x20]  }
0x1a2: {  	p1 =	slt.u32 s1, $0x7C;
	[tilespmem:s10+$0xFFFFFFB0] =	vst v2;
	v2 =	vmul.f32 $8.000000000e+00, v7;
	v6 =	vld [tilespmem:s10+$0x30]  }
.Ltmp9:
0x1a3: {  	[tilespmem:s10+$0xFFFFFFC0] =	vst v0;
	v5 =	vmul.f32 $8.000000000e+00, v5;
	v0 =	vld [tilespmem:s10+$0x40];
	(pc) =	sbr.rel @p1 .LBB2_17-.Ltmp9, $4  }
0x1a4: {  	[tilespmem:s10+$0xFFFFFFD0] =	vst v2;
	v1 =	vmul.f32 $8.000000000e+00, v1;
	v2 =	vld [tilespmem:s10+$0x50]  }
0x1a5: {  	[tilespmem:s10+$0xFFFFFFE0] =	vst v5;
	v7 =	vmul.f32 $8.000000000e+00, v3;
	v3 =	vld [tilespmem:s10+$0x60]  }
0x1a6: {  	[tilespmem:s10+$0x0] =	vst v1;
	v5 =	vmul.f32 $8.000000000e+00, v4;
	v4 =	vld [tilespmem:s10+$0x70]  }
0x1a7: {  	s10 =	sadd.s32 $0x100, s10;
	v1 =	vld [tilespmem:s0+$0xFFFFFFF0];
	[tilespmem:s0+$0x10] =	vst v7;
	v6 =	vmul.f32 $8.000000000e+00, v6  }
0x1a8: {  	[tilespmem:s0+$0x20] =	vst v5;
	v0 =	vmul.f32 $8.000000000e+00, v0  }
0x1a9: {  	[tilespmem:s0+$0x30] =	vst v6;
	v2 =	vmul.f32 $8.000000000e+00, v2  }
0x1aa: {  	[tilespmem:s0+$0x40] =	vst v0;
	v62 =	vmul.f32 $8.000000000e+00, v3  }
.Ltmp10:
0x1ab: {  	s1 =	sshll.u32 s6, $0xD;
	[tilespmem:s0+$0x50] =	vst v2;
	v63 =	vmul.f32 $8.000000000e+00, v4;
	(pc) =	sbr.rel @p0 .LBB2_20-.Ltmp10, $4  }
0x1ac: {  	s1 =	sadd.s32 s4, s1;
	v1 =	vmul.f32 $8.000000000e+00, v1;
	[tilespmem:s0+$0x60] =	vst v62  }
0x1ad: {  	s1 =	sshrl.u32 s1, $0x3;
	[tilespmem:s0+$0x70] =	vst v63  }
0x1ae: {  	s16 =	sadd.s32 s2, s1;
	[tilespmem:s0+$0xFFFFFFF0] =	vst v1  }
0x1af: {  	[hbm4b:s16+s3] =	stream.linear.scatter [tilespmem:s26], [sflag:$0x10], $0x2000, $0x38;
	[tilespmem:$0x16400] =	vst v63  }
.Ltmp11:
0x1b0: {  	(pc) =	sbr.rel .LBB2_2-.Ltmp11, $4  }
0x1b1: {  	_ =	swait.ge [sflag:s17], $0x2000;
	s0 =	sshll.u32 s15, $0xA  }
0x1b2: {  	[sflag:s17] =	ssyncset.done $0x0;
	s0 =	sand.u32 $0x3FFFFC00, s0  }
0x1b3: {  	s15 =	sadd.s32 $0x1, s15;
	[sflag:s17] =	ssyncadd.s32 $0xFFFFE000;
	s0 =	sadd.s32 $0x580, s0  }
0x1b4: {  	[tilespmem:s18], [sflag:$0x4] =	stream.indirect.gather [hbm4b:s5+s12], $0x40, s0, s12, $0xb8;
	[tilespmem:$0x16400] =	vst v63  }
.LBB2_21:
0x1b5: {  	_ =	sfence.sel $0x180000  }
0x1b6: {  	[bflag:$0x0] =	sbarrier.arrive $0xFFFF  }
0x1b7: {  	_ =	strace $0x90000047  }
0x1b8: {  	s0 =	stileid.u32;
	[bflag:$0x2] =	sbarrier.arrive $0xFFFF  }
0x1b9: {  	p0 =	sne.s32 s0, $0x0;
	s0 =	rddreg [dreg:$0x2]  }
0x1ba: {  	s0 =	sadd.s32 @!p0 $0x100000, s0  }
0x1bb: {  	[sflag:s0] =	ssyncadd.tile.s32 @!p0 $0x1;
	_ =	shalt  }
.Lfunc_end2:
_tile_overlayer_lowered:
.L_overlay_start_2:
0x1bc: {  	(tag) =	ssettag $0x2  }
0x1bd: {  	s0 =	rddreg [dreg:$0x0];
	s2 =	stileid.u32  }
0x1be: {  	s1 =	rddreg [dreg:$0x1];
	p0 =	sne.s32 s2, $0x0  }
0x1bf: {  	s3 =	rddreg [dreg:$0x2];
	[bflag:$0x3] =	sbarrier.arrive $0xFFFF;
	s2 =	simm.s32 @!p0 $0x1C11  }
0x1c0: {  	[timem:s3], [sflag:s2] =	dma.local @!p0 [hbm:s0], s1  }
0x1c1: {  	s0 =	simm.s32 @!p0 $0x11  }
0x1c2: {  	_ =	swait.ge @!p0 [sflag:s0], s1  }
0x1c3: {  	s1 =	ssub.s32 @!p0 $0x0, s1;
	[sflag:s0] =	ssyncset.done @!p0 $0x0  }
0x1c4: {  	[sflag:s0] =	ssyncadd.s32 @!p0 s1  }
0x1c5: {  	[bflag:$0x3] =	sbarrier.arrive $0xFFFF  }
0x1c6: {  	_ =	shalt  }

// kernel: sparse-core-data-format-call.cloned.1.call-start
scs
called_computation_lowered:
.L_overlay_start_0:
0x0: {  	s2 =	sld [smem:$0x3FD9]  }
0x1: {  	s3 =	sld [smem:$0x3FFE];
	_ =	sdelay $0x1  }
0x2: {  	s1 =	srdreg.scid  }
0x3: {  	s0 =	sand.u32 $0x1, s1  }
0x4: {  	s18 =	sshll.u32 s0, $0xA;
	s2 =	sadd.s32 s3, s2  }
0x5: {  	s2 =	sadd.s32 s2, s18  }
0x6: {  	[smem:$0x3FC6] =	sst s2  }
0x7: {  	_ = 	snop  }
0x8: {  	s2 =	sld [smem:$0x3FD0];
	(tm) =	ssettm $0x1  }
0x9: {  	s19 =	sld [smem:$0x3FFB];
	_ =	sdelay $0x3  }
0xa: {  	_ =	strace s19  }
0xb: {  	s3 =	sld [smem:$0x3FFC];
	_ =	sdelay $0x3  }
0xc: {  	_ =	strace s3  }
0xd: {  	s3 =	sld [smem:$0x3FFD];
	_ =	sdelay $0x3  }
0xe: {  	_ =	strace s3  }
0xf: {  	_ =	strace $0x8FFFFFFF  }
0x10: {  	s20 =	sld [smem:$0x3FDB];
	_ =	sdelay $0x1  }
0x11: {  	s4 =	simm.s32 $_scs_section_size  }
0x12: {  	s5 =	simm.s32 $_size__tile_overlayer_lowered;
	s6 =	simm.s32 $_tile_overlayer_lowered  }
0x13: {  	s23 =	simm.s32 $0x1BFF;
	s22 =	sshll.u32 s6, $0x1;
	s3 =	sadd.s32 s4, s20  }
0x14: {  	s7 =	simm.s32 $0x0;
	s21 =	sshll.u32 s5, $0x1;
	s5 =	sadd.s32 s22, s3  }
0x15: {  	[timem:s7], [sflag:s23] =	dma.local [hbm:s5], s21  }
0x16: {  	_ =	swait.ge [sflag:s23], s21  }
0x17: {  	s4 =	ssub.s32 $0x0, s21;
	[sflag:s23] =	ssyncset.done $0x0  }
0x18: {  	[sflag:s23] =	ssyncadd.s32 s4;
	_ =	sdelay $0x1  }
0x19: {  	s24 =	simm.s32 $0x1B8B  }
0x1a: {  	_ =	swait.ge [sflag:s24], $0x1  }
0x1b: {  	[sflag:s24] =	ssyncset.done $0x0  }
0x1c: {  	s26 =	simm.s32 $0x1B8E;
	s25 =	sld [smem:$0x3FFE];
	[sflag:s24] =	ssyncadd.s32 $0xFFFFFFFF  }
0x1d: {  	s27 =	simm.s32 $execute0_lowered;
	[smem:$0x3FD2] =	sst s26  }
0x1e: {  	s5 =	sshll.u32 s27, $0x1;
	_ =	strace $0x80000049;
	[dreg:$0x1] =	wrdreg $0xFFFFFFFF  }
0x1f: {  	s28 =	simm.s32 $_size_execute0_lowered;
	s3 =	sadd.s32 s3, s5;
	[dreg:$0x0] =	wrdreg $0x0  }
0x20: {  	s5 =	sshll.u32 s28, $0x1;
	[dreg:$0x2] =	wrdreg s3  }
0x21: {  	[dreg:$0x3] =	wrdreg s5  }
0x22: {  	[dreg:$0x4] =	wrdreg $0xC0  }
0x23: {  	_ =	task [dreg:s7], $0x5FFFF  }
0x24: {  	[dreg:$0x1] =	wrdreg $0xFFFFFFFF  }
0x25: {  	[dreg:$0x0] =	wrdreg $0x60  }
0x26: {  	[dreg:$0x2] =	wrdreg s25  }
0x27: {  	[dreg:$0x3] =	wrdreg s2  }
0x28: {  	[dreg:$0x4] =	wrdreg $0x9  }
0x29: {  	_ =	task.clear_ibuf [dreg:s7], $0x5FFFF;
	_ =	strace $0x90000049  }
0x2a: {  	s29 =	simm.s32 $0x9;
	_ =	strace $0x8000004B  }
0x2b: {  	_ =	swait.ge [sflag:s29], $0x1  }
0x2c: {  	[sflag:s29] =	ssyncadd.s32 $0xFFFFFFFF  }
0x2d: {  	_ =	strace $0x9000004B  }
0x2e: {  	_ =	sfence  }
0x2f: {  	s30 =	sld [smem:$0x0];
	_ =	sdelay $0x2  }
0x30: {  	s31 =	sshll.u32 s1, $0xD;
	s1 =	sshrl.u32 s1, $0x2  }
0x31: {  	s3 =	sand.u32 $0x4000, s31;
	s1 =	sadd.s32 s1, s30  }
0x32: {  	s0 =	sor.u32 s3, s0;
	s1 =	sshll.u32 s1, $0x11  }
0x33: {  	s0 =	sor.u32 s1, s0  }
0x34: {  	s0 =	sadd.s32 $0x8F2B, s0  }
0x35: {  	[sflag:s0] =	ssyncadd.remote.s32 $0x1  }
0x36: {  	_ =	sfence.sel $0xFFFF  }
0x37: {  	[dreg:$0x0] =	wrdreg $0xFFFFFFFF;
	(pc) =	sbr.abs _section_cstart, $3  }
0x38: {  	[dreg:$0x1] =	wrdreg $0xFFFFFFFF  }
0x39: {  	_ =	task.clear_ibuf [dreg:s7], $0x2FFFF;
	_ =	strace $0x9FFFFFFF  }
0x3a: {  	(tm) =	ssettm $0x7FFFFFFF  }
0x3b: {  	_ =	shalt  }
tec
execute0_lowered:
.L_overlay_start_1:
0x0: {  	(tag) =	ssettag $0x1  }
0x1: {  	s0 =	srdreg.scid  }
0x2: {  	s1 =	sshll.u32 s0, $0x4  }
0x3: {  	s0 =	stileid.u32;
	s1 =	sand.u32 $0x10, s1  }
0x4: {  	s1 =	sor.u32 s0, s1  }
0x5: {  	s6 =	rddreg [dreg:$0x0];
	s4 =	simm.s32 $0x1;
	s2 =	sshll.u32 s1, $0x7  }
0x6: {  	s7 =	simm.s32 $0x2;
	s12 =	simm.s32 $0x0;
	s1 =	ssub.s32 $0x1000, s2  }
0x7: {  	s8 =	simm.s32 $0x8000;
	s13 =	simm.s32 $0x0;
	s3 =	sand.u32 $0xF80, s1  }
0x8: {  	s9 =	simm.s32 $0x0;
	s5 =	sshrl.u32 s1, $0xC;
	p0 =	sne.s32 s3, $0x0  }
.Ltmp0:
0x9: {  	s1 =	rddreg [dreg:$0x2];
	s4 =	simm.s32 @!p0 $0x0;
	(pc) =	sbr.rel .LBB1_1-.Ltmp0, $4  }
0xa: {  	s11 =	simm.s32 $0x0;
	s3 =	rddreg [dreg:$0x1];
	s5 =	sadd.s32 s4, s5  }
0xb: {  	_ =	strace $0x8000004A;
	s4 =	simm.s32 $0x1;
	s5 =	smul.u32 $0xC8, s5  }
0xc: {  	s6 =	sadd.s32 $0xA00, s6;
	s10 =	smov.u32 s2;
	[sflag:s4] =	ssyncpa.u1 $0x0  }
0xd: {  	p0 =	por $0x0, $0x0;
	[sflag:s7] =	ssyncpa.u1 $0x0;
	s7 =	sor.u32 $0x1, s5  }
.LBB1_4:
0xe: {  	s16 =	sshll.u32 s13, $0x3;
	s17 =	sand.u32 $0x78, s13  }
0xf: {  	s30 =	sand.u32 $0x7E00, s13;
	s12 =	sshll.u32 s12, $0xF;
	s16 =	sand.u32 $0xC00, s16  }
0x10: {  	[tilespmem:s15+$0x810 ss:$0x81] =	vst.msk $0xffff, v2;
	s31 =	sand.u32 $0x7, s13;
	s16 =	sor.u32 s17, s16;
	s17 =	sadd.s32 s3, s30  }
0x11: {  	[tilespmem:s15+$0x1020 ss:$0x81] =	vst.msk $0xffff, v0;
	s13 =	sshll.u32 s31, $0x12;
	s12 =	sadd.s32 s12, s17;
	s16 =	sshrl.u32 s16, $0x3  }
0x12: {  	[tilespmem:s15+$0x0 ss:$0x81] =	vst.msk $0xffff, v1;
	s13 =	sor.u32 $0x400, s13;
	s12 =	sadd.s32 s16, s12  }
0x13: {  	[hbm4b:s12+s13] =	stream.strided.scatter [tilespmem:s14], [sflag:$0x2], $0x2000, s8, s13, $0x20;
	[tilespmem:$0x8080] =	vst v63  }
.LBB1_5:
0x14: {  	s14 =	sadd.s32 $0x1, s9  }
0x15: {  	s12 =	sadd.s32 $0x1000, s10;
	s16 =	smov.u32 s10;
	p2 =	sgt.s32 s14, $0xC7  }
0x16: {  	s16 =	smov.u32 @p2 s12  }
0x17: {  	s14 =	simm.s32 @p2 $0x0;
	p2 =	sgt.s32 s16, $0xFFF  }
0x18: {  	s16 =	smov.u32 @p2 s2;
	p2 =	sne.s32 s11, s7  }
.Ltmp1:
0x19: {  	p1 =	slt.u32 s11, $0x2;
	(pc) =	sbr.rel @!p2 .LBB1_6-.Ltmp1, $4  }
0x1a: {  	s15 =	simm.s32 @!p1 $0x2  }
0x1b: {  	s13 =	smov.u32 s10;
	p0 =	por !p0, !p0;
	_ =	swait.ge @!p1 [sflag:s15], $0x2000  }
0x1c: {  	s12 =	smov.u32 s9;
	[sflag:s15] =	ssyncset.done @!p1 $0x0;
	s9 =	smov.u32 s14  }
0x1d: {  	s11 =	sadd.s32 $0x1, s11;
	[sflag:s15] =	ssyncadd.s32 @!p1 $0xFFFFE000;
	s10 =	smov.u32 s16  }
.LBB1_1:
0x1e: {  	p1 =	sge.u32 s11, s5  }
0x1f: {  	s14 =	sand.u32 @!p1 $0x1FFFFFF, s9  }
0x20: {  	s15 =	smulhi.u32 @!p1 $0x147AE15, s14;
	_ =	sdelay $0x1  }
0x21: {  	s15 =	smul.u32 @!p1 $0xC8, s15  }
0x22: {  	s16 =	sxor.u32 @!p1 $0xFFFFFFFF, s11;
	s17 =	smul.u32 @!p1 $0xC80, s10  }
0x23: {  	s31 =	sadd.s32 $0xFFFFFFFF, s11;
	s16 =	sshll.u32 @!p1 s16, $0xD;
	s14 =	ssub.s32 @!p1 s14, s15  }
0x24: {  	s15 =	sand.u32 @!p1 $0x2000, s16;
	s16 =	sadd.s32 @!p1 s6, s17;
	s14 =	sshll.u32 @!p1 s14, $0x4  }
0x25: {  	s17 =	simm.s32 @!p1 $0x6400;
	s14 =	sadd.s32 @!p1 s14, s16;
	s16 =	simm.s32 @!p1 $0x40  }
0x26: {  	[tilespmem:s15], [sflag:$0x1] =	stream.strided.gather @!p1 [hbm4b:s14+s16], $0x2000, s17, s16, $0x38;
	[tilespmem:$0x8080] =	vst v63  }
0x27: {  	p1 =	sge.u32 s31, s5  }
.Ltmp2:
0x28: {  	_ = 	snop;
	(pc) =	sbr.rel @p1 .LBB1_5-.Ltmp2, $1  }
0x29: {  	_ =	sdelay $0x3  }
0x2a: {  	s14 =	simm.s32 $0x1  }
0x2b: {  	_ =	swait.ge [sflag:s4], $0x2000;
	s14 =	simm.s32 @!p0 $0x0  }
0x2c: {  	[sflag:s4] =	ssyncset.done $0x0;
	s15 =	sshll.u32 s14, $0xD  }
0x2d: {  	[sflag:s4] =	ssyncadd.s32 $0xFFFFE000;
	s18 =	sor.u32 $0x20, s15  }
0x2e: {  	s14 =	smul.u32 $0x8100, s14;
	v3 =	vld [tilespmem:s18+$0x10]  }
0x2f: {  	s30 =	sand.u32 $0x1, s11;
	v2 =	vld [tilespmem:s18+$0xFFFFFFF0]  }
0x30: {  	s15 =	smul.u32 $0x8100, s30;
	s14 =	sshrl.u32 s14, $0x2;
	v0 =	vld [tilespmem:s18+$0x0]  }
0x31: {  	v1 =	vld [tilespmem:s18+$0xFFFFFFE0];
	s16 =	sor.u32 $0x4000, s14  }
0x32: {  	s31 =	sshrl.u32 s15, $0x2;
	s15 =	sadd.s32 $0x0, s16  }
0x33: {  	s17 =	simm.s32 $0x4;
	s18 =	sadd.s32 $0x40, s18;
	s14 =	sor.u32 $0x4000, s31;
	[tilespmem:s15+$0x1830 ss:$0x81] =	vst.msk $0xffff, v3  }
.LBB1_3:
0x34: {  	v3 =	vld [tilespmem:s18+$0x10];
	p1 =	sne.s32 s17, $0x1FC;
	[tilespmem:s15+$0x810 ss:$0x81] =	vst.msk $0xffff, v2;
	s19 =	smov.u32 s17;
	s17 =	sadd.s32 $0x4, s17  }
.Ltmp3:
0x35: {  	v2 =	vld [tilespmem:s18+$0xFFFFFFF0];
	[tilespmem:s15+$0x1020 ss:$0x81] =	vst.msk $0xffff, v0;
	(pc) =	sbr.rel @p1 .LBB1_3-.Ltmp3, $4  }
0x36: {  	v0 =	vld [tilespmem:s18+$0x0];
	[tilespmem:s15+$0x0 ss:$0x81] =	vst.msk $0xffff, v1  }
0x37: {  	s15 =	sshra.s32 s19, $0x2;
	v1 =	vld [tilespmem:s18+$0xFFFFFFE0]  }
0x38: {  	s15 =	sadd.s32 s15, s16  }
0x39: {  	s18 =	sadd.s32 $0x40, s18;
	[tilespmem:s15+$0x1830 ss:$0x81] =	vst.msk $0xffff, v3  }
.Ltmp4:
0x3a: {  	_ = 	snop;
	(pc) =	sbr.rel .LBB1_4-.Ltmp4, $1  }
0x3b: {  	_ =	sdelay $0x3  }
.LBB1_6:
0x3c: {  	_ =	sfence.sel $0x180000  }
0x3d: {  	s2 =	simm.s32 $0x1;
	[bflag:$0x0] =	sbarrier.arrive $0xFFFF  }
0x3e: {  	s31 =	simm.s32 $0x2;
	[sflag:s2] =	ssyncpa.u1 $0x1  }
0x3f: {  	[sflag:s31] =	ssyncpa.u1 $0x1  }
0x40: {  	p0 =	sne.s32 s0, $0x0;
	_ =	strace $0x9000004A  }
0x41: {  	s0 =	sadd.s32 @!p0 $0x100000, s1;
	[bflag:$0x2] =	sbarrier.arrive $0xFFFF  }
0x42: {  	[sflag:s0] =	ssyncadd.tile.s32 @!p0 $0x1;
	_ =	shalt  }
.Lfunc_end1:
_tile_overlayer_lowered:
.L_overlay_start_2:
0x43: {  	(tag) =	ssettag $0x2  }
0x44: {  	s0 =	rddreg [dreg:$0x0];
	s2 =	stileid.u32  }
0x45: {  	s1 =	rddreg [dreg:$0x1];
	p0 =	sne.s32 s2, $0x0  }
0x46: {  	s3 =	rddreg [dreg:$0x2];
	[bflag:$0x3] =	sbarrier.arrive $0xFFFF;
	s2 =	simm.s32 @!p0 $0x1C01  }
0x47: {  	[timem:s3], [sflag:s2] =	dma.local @!p0 [hbm:s0], s1  }
0x48: {  	s0 =	simm.s32 @!p0 $0x1  }
0x49: {  	_ =	swait.ge @!p0 [sflag:s0], s1  }
0x4a: {  	s1 =	ssub.s32 @!p0 $0x0, s1;
	[sflag:s0] =	ssyncset.done @!p0 $0x0  }
0x4b: {  	[sflag:s0] =	ssyncadd.s32 @!p0 s1  }
0x4c: {  	[bflag:$0x3] =	sbarrier.arrive $0xFFFF  }
0x4d: {  	_ =	shalt  }

</sc_bundles>
